<compile_context>
chip_gen: v7x
topology: tpu7x:2x2x1
jax: 0.10.2.dev20260603
libtpu: 0.0.44.dev20260713+nightly
codegen_flags: <defaults>
</compile_context>

<pallas_src>
import functools
import jax
import jax.numpy as jnp
from jax import lax
from jax.experimental import pallas as pl
from jax.experimental.pallas import tpu as pltpu
from jax.experimental.pallas import tpu_sc as plsc

D_EMBED = 2048
N_EXP = 16
CAP = 512
N_BATCH = 2
S_SEQ = 4096

ROW_TILE = 512
N_TILES_PER_B = S_SEQ // ROW_TILE

LANES = 16
N_CHUNK = S_SEQ // LANES
UNROLL = 8
COLS_PER_SUB = S_SEQ // 16


def _router_body(x_ref, wt_ref, logits_ref, probs_ref, probsT_ref):
    l = jnp.dot(x_ref[...], wt_ref[...], preferred_element_type=jnp.float32)
    m = jnp.max(l, axis=-1, keepdims=True)
    e = jnp.exp(l - m)
    p = e / jnp.sum(e, axis=-1, keepdims=True)
    logits_ref[...] = l
    probs_ref[...] = p
    probsT_ref[...] = jax.lax.bitcast_convert_type(p.T, jnp.int32)


def _sc_mask_body(probsT_hbm, out_hbm, col_v, sel_v, stage_v, un_v):
    b = lax.axis_index("c")
    e = lax.axis_index("s")

    pltpu.sync_copy(probsT_hbm.at[b, e], col_v)

    zero_v = jnp.zeros((LANES,), jnp.int32)
    lane_iota = lax.iota(jnp.int32, LANES)

    def _lane_total(acc):
        tot = acc[0]
        for j in range(1, LANES):
            tot = tot + acc[j]
        return tot

    def count_ge(thr_s):
        thr_v = jnp.full((LANES,), thr_s, jnp.int32)

        def body(i, acc):
            base = i * (LANES * UNROLL)
            for u in range(UNROLL):
                v = col_v[pl.ds(base + u * LANES, LANES)]
                acc = acc + jnp.where(v >= thr_v, 1, 0).astype(jnp.int32)
            return acc

        return _lane_total(
            lax.fori_loop(0, N_CHUNK // UNROLL, body, zero_v)
        )

    def bstep(_, state):
        lo, hi, c_lo, c_hi = state
        mid = lo + lax.shift_right_arithmetic(hi - lo, 1)
        c = count_ge(mid)
        ge = c >= CAP
        return (
            jnp.where(ge, mid, lo),
            jnp.where(ge, hi, mid),
            jnp.where(ge, c, c_lo),
            jnp.where(ge, c_hi, c),
        )

    lo, _, c_lo, c_hi = lax.fori_loop(
        0,
        30,
        bstep,
        (jnp.int32(0), jnp.int32(0x3F800001), jnp.int32(S_SEQ), jnp.int32(0)),
    )
    thr_v = jnp.full((LANES,), lo, jnp.int32)

    n_gt = c_hi
    n_eq = c_lo - c_hi
    rem = CAP - n_gt

    def count_eq_le(icut_s):
        icut_v = jnp.full((LANES,), icut_s, jnp.int32)

        def body(i, acc):
            base = i * (LANES * UNROLL)
            for u in range(UNROLL):
                off = base + u * LANES
                v = col_v[pl.ds(off, LANES)]
                m = (v == thr_v) & ((lane_iota + off) <= icut_v)
                acc = acc + jnp.where(m, 1, 0).astype(jnp.int32)
            return acc

        return _lane_total(
            lax.fori_loop(0, N_CHUNK // UNROLL, body, zero_v)
        )

    def istep(_, lohi):
        lo, hi = lohi
        mid = lo + lax.shift_right_arithmetic(hi - lo + 1, 1)
        ok = count_eq_le(mid) >= rem
        return (jnp.where(ok, lo, mid), jnp.where(ok, mid, hi))

    def _tie_search():
        _, icut = lax.fori_loop(
            0, 13, istep, (jnp.int32(-1), jnp.int32(S_SEQ - 1))
        )
        return icut

    icut = lax.cond(n_eq == rem, lambda: jnp.int32(S_SEQ - 1), _tie_search)
    icut_v = jnp.full((LANES,), icut, jnp.int32)

    one_f = jnp.ones((LANES,), jnp.float32)
    zero_f = jnp.zeros((LANES,), jnp.float32)

    def selbody(i, carry):
        base = i * (LANES * UNROLL)
        for u in range(UNROLL):
            off = base + u * LANES
            v = col_v[pl.ds(off, LANES)]
            take = (v > thr_v) | ((v == thr_v) & ((lane_iota + off) <= icut_v))
            sel_v[pl.ds(off, LANES)] = jnp.where(take, one_f, zero_f)
        return carry

    lax.fori_loop(0, N_CHUNK // UNROLL, selbody, jnp.int32(0))

    pltpu.sync_copy(sel_v, un_v.at[e])
    plsc.subcore_barrier()

    base = e * COLS_PER_SUB
    pltpu.sync_copy(un_v.at[:, pl.ds(base, COLS_PER_SUB)], stage_v)
    for k in range(COLS_PER_SUB // LANES):
        acc = stage_v[0, pl.ds(k * LANES, LANES)]
        for r in range(1, 16):
            acc = jnp.maximum(acc, stage_v[r, pl.ds(k * LANES, LANES)])
        sel_v[pl.ds(k * LANES, LANES)] = acc
    pltpu.sync_copy(sel_v.at[pl.ds(0, COLS_PER_SUB)], out_hbm.at[b, pl.ds(base, COLS_PER_SUB)])


_sc_mask = functools.partial(
    pl.kernel,
    out_type=jax.ShapeDtypeStruct((N_BATCH, S_SEQ), jnp.float32),
    mesh=plsc.VectorSubcoreMesh(core_axis_name="c", subcore_axis_name="s"),
    scratch_types=[
        pltpu.VMEM((S_SEQ,), jnp.int32),
        pltpu.VMEM((S_SEQ,), jnp.float32),
        pltpu.VMEM((16, COLS_PER_SUB), jnp.float32),
        pltpu.VMEM_SHARED((16, S_SEQ), jnp.float32),
    ],
)(_sc_mask_body)


@jax.jit
def kernel(x, W):
    xr = x.reshape(N_BATCH * S_SEQ, D_EMBED)
    wt = W.T

    n_tiles = (N_BATCH * S_SEQ) // ROW_TILE
    logits_r, probs_r, probsT_r = pl.pallas_call(
        _router_body,
        grid=(n_tiles,),
        in_specs=[
            pl.BlockSpec((ROW_TILE, D_EMBED), lambda i: (i, 0)),
            pl.BlockSpec((D_EMBED, N_EXP), lambda i: (0, 0)),
        ],
        out_specs=[
            pl.BlockSpec((ROW_TILE, N_EXP), lambda i: (i, 0)),
            pl.BlockSpec((ROW_TILE, N_EXP), lambda i: (i, 0)),
            pl.BlockSpec(
                (N_EXP, ROW_TILE),
                lambda i: (i // N_TILES_PER_B, i % N_TILES_PER_B),
            ),
        ],
        out_shape=[
            jax.ShapeDtypeStruct((N_BATCH * S_SEQ, N_EXP), jnp.float32),
            jax.ShapeDtypeStruct((N_BATCH * S_SEQ, N_EXP), jnp.float32),
            jax.ShapeDtypeStruct((N_BATCH * N_EXP, S_SEQ), jnp.int32),
        ],
    )(xr, wt)

    logits = logits_r.reshape(N_BATCH, S_SEQ, N_EXP)
    probs = probs_r.reshape(N_BATCH, S_SEQ, N_EXP)
    probsT = probsT_r.reshape(N_BATCH, N_EXP, S_SEQ)

    sel = _sc_mask(probsT)
    mask = jnp.concatenate(
        [sel[:, :, None], jnp.zeros((N_BATCH, S_SEQ, N_EXP - 1), jnp.float32)],
        axis=-1,
    )

    return (mask, probs, logits)

# --- scband reference (transcript-rebuilt; emitter-appended) ---
"""Pipeline reference for scband-expert-choice-router-42691974922247 (READ-ONLY COPY).

The authoritative reference and input builder live on the scoring server;
editing this copy changes nothing except your own understanding.
"""

import jax, jax.numpy as jnp
import numpy as np

EMBED_DIM = 2048
NUM_EXPERTS = 16
EXPERT_CAPACITY = 512
BATCH = 2
SEQ = 4096


def setup_inputs(seed: int = 0) -> dict:
    key = jax.random.key(seed)
    k1, k2 = jax.random.split(key)
    x = jax.random.normal(k1, (BATCH, SEQ, EMBED_DIM), dtype=jnp.float32)
    # nn.Linear weight: shape (num_experts, embed_dim), no bias
    W = jax.random.normal(k2, (NUM_EXPERTS, EMBED_DIM), dtype=jnp.float32) * (1.0 / np.sqrt(EMBED_DIM))
    return {"x": x, "W": W}


def reference(x, W):
    # _compute_router_probabilities (jitter=0.0, dtype float32 so casts are no-ops)
    logits = jnp.einsum("bsd,ed->bse", x, W)
    probs = jax.nn.softmax(logits, axis=-1)

    B, S, E = probs.shape
    expert_mask = jnp.zeros(probs.shape, dtype=probs.dtype)
    b_idx = jnp.arange(B)[:, None]
    for i in range(E):
        # torch.topk(router_probs[..., i], k=expert_capacity, dim=1)
        _, top_k_indices = jax.lax.top_k(probs[..., i], EXPERT_CAPACITY)  # (B, cap)
        # Faithful replication of torch scatter_ with index unsqueezed to (B, cap, 1):
        # only expert column 0 is written: expert_mask[b, idx, 0] += 1
        expert_mask = expert_mask.at[b_idx, top_k_indices, 0].add(1.0)
    expert_mask = jnp.minimum(expert_mask, 1.0)  # clamp(max=1)
    return (expert_mask, probs, logits)

if __name__ == "__main__":
    import jax
    _d = setup_inputs()
    print(jax.jit(kernel)(*tuple(_d.values())))

</pallas_src>

<mosaic_0001>
#map = affine_map<(d0, d1) -> (0, 0, 0)>
#map1 = affine_map<(d0, d1) -> (0, 0)>
module attributes {stable_mosaic.version = 14 : i64} {
  func.func @_sc_mask_body(%arg0: i32, %arg1: i32, %arg2: memref<2x16x4096xi32, #tpu.memory_space<hbm>>, %arg3: memref<2x4096xf32, #tpu.memory_space<hbm>>, %arg4: memref<4096xi32, #tpu.memory_space<vmem>>, %arg5: memref<4096xf32, #tpu.memory_space<vmem>>, %arg6: memref<16x256xf32, #tpu.memory_space<vmem>>, %arg7: memref<16x4096xf32, #tpu.memory_space<vmem_shared>>) attributes {dimension_semantics = [#tpu.dimension_semantics<core_parallel>, #tpu.dimension_semantics<subcore_parallel>], iteration_bounds = array<i64: 2, 16>, scalar_prefetch = 0 : i64, scratch_operands = 4 : i64, tpu.core_type = #tpu.core_type<sc_vector_subcore>, window_params = [{transform_indices = #map}, {transform_indices = #map1}]} {
    "tpu.region"() ({
      %run_scoped3A = tpu.sem_alloc : memref<!tpu.dma_semaphore, #tpu.memory_space<semaphore_mem>>
      %dma_start3A = arith.constant 0 : i32
      %dma_start3A_1608 = tpu.memref_slice %arg2[%arg0, %arg1, %dma_start3A] : memref<2x16x4096xi32, #tpu.memory_space<hbm>> -> memref<1x1x4096xi32, #tpu.memory_space<hbm>>
      %dma_start3A_1609 = tpu.memref_squeeze %dma_start3A_1608 : memref<1x1x4096xi32, #tpu.memory_space<hbm>> -> memref<4096xi32, #tpu.memory_space<hbm>>
      %dma_start3A_1610 = arith.constant 0 : i32
      %dma_start3A_1611 = tpu.memref_slice %arg2[%arg0, %arg1, %dma_start3A_1610] : memref<2x16x4096xi32, #tpu.memory_space<hbm>> -> memref<1x1x4096xi32, #tpu.memory_space<hbm>>
      %dma_start3A_1612 = tpu.memref_squeeze %dma_start3A_1611 : memref<1x1x4096xi32, #tpu.memory_space<hbm>> -> memref<4096xi32, #tpu.memory_space<hbm>>
      tpu.enqueue_dma source(%dma_start3A_1612 : memref<4096xi32, #tpu.memory_space<hbm>>) target(%arg4 : memref<4096xi32, #tpu.memory_space<vmem>>) target_semaphore(%run_scoped3A : memref<!tpu.dma_semaphore, #tpu.memory_space<semaphore_mem>>)
      %dma_wait3A = arith.constant 0 : i32
      %dma_wait3A_1613 = tpu.memref_slice %arg2[%arg0, %arg1, %dma_wait3A] : memref<2x16x4096xi32, #tpu.memory_space<hbm>> -> memref<1x1x4096xi32, #tpu.memory_space<hbm>>
      %dma_wait3A_1614 = tpu.memref_squeeze %dma_wait3A_1613 : memref<1x1x4096xi32, #tpu.memory_space<hbm>> -> memref<4096xi32, #tpu.memory_space<hbm>>
      %dma_wait3A_1615 = arith.constant 0 : i32
      %dma_wait3A_1616 = tpu.memref_slice %arg2[%arg0, %arg1, %dma_wait3A_1615] : memref<2x16x4096xi32, #tpu.memory_space<hbm>> -> memref<1x1x4096xi32, #tpu.memory_space<hbm>>
      %dma_wait3A_1617 = tpu.memref_squeeze %dma_wait3A_1616 : memref<1x1x4096xi32, #tpu.memory_space<hbm>> -> memref<4096xi32, #tpu.memory_space<hbm>>
      tpu.wait_dma2 semaphore(%run_scoped3A : memref<!tpu.dma_semaphore, #tpu.memory_space<semaphore_mem>>) src(%dma_wait3A_1617 : memref<4096xi32, #tpu.memory_space<hbm>>) dst(%arg4 : memref<4096xi32, #tpu.memory_space<vmem>>)
      tpu.yield
    }) : () -> ()
    %broadcast_in_dim3A = arith.constant 0 : i32
    %broadcast_in_dim3A_0 = vector.broadcast %broadcast_in_dim3A : i32 to vector<16xi32>
    %iota3A = tpu.iota {dimensions = array<i32: 0>} : vector<16xi32>
    %scan3A = arith.constant 0 : i32
    %scan3A_1 = arith.constant 1065353217 : i32
    %scan3A_2 = arith.constant 4096 : i32
    %scan3A_3 = arith.constant 0 : i32
    %scan3A_4 = arith.constant 0 : i32
    %scan3A_5 = arith.constant 30 : i32
    %scan3A_6 = arith.addi %scan3A_4, %scan3A_5 : i32
    %scan3A_7 = arith.constant 1 : i32
    %scan3A_8:4 = scf.for %scan3A_1608 = %scan3A_4 to %scan3A_6 step %scan3A_7 iter_args(%scan3A_1609 = %scan3A, %scan3A_1610 = %scan3A_1, %scan3A_1611 = %scan3A_2, %scan3A_1612 = %scan3A_3) -> (i32, i32, i32, i32)  : i32 {
      %sub3A_1613 = arith.subi %scan3A_1610, %scan3A_1609 : i32
      %shift_right_arithmetic3A = arith.constant 1 : i32
      %shift_right_arithmetic3A_1614 = arith.shrsi %sub3A_1613, %shift_right_arithmetic3A : i32
      %add3A = arith.addi %scan3A_1609, %shift_right_arithmetic3A_1614 : i32
      %broadcast_in_dim3A_1615 = vector.broadcast %add3A : i32 to vector<16xi32>
      %scan3A_1616 = arith.constant 0 : i32
      %scan3A_1617 = arith.constant 32 : i32
      %scan3A_1618 = arith.addi %scan3A_1616, %scan3A_1617 : i32
      %scan3A_1619 = arith.constant 1 : i32
      %scan3A_1620 = scf.for %scan3A_1671 = %scan3A_1616 to %scan3A_1618 step %scan3A_1619 iter_args(%scan3A_1672 = %broadcast_in_dim3A_0) -> (vector<16xi32>)  : i32 {
        %mul3A_1673 = arith.constant 128 : i32
        %mul3A_1674 = arith.muli %scan3A_1671, %mul3A_1673 : i32
        %add3A_1675 = arith.constant 0 : i32
        %add3A_1676 = arith.addi %mul3A_1674, %add3A_1675 : i32
        %get3A_1677 = arith.index_cast %add3A_1676 : i32 to index
        %get3A_1678 = tpu.vector_load %arg4[%get3A_1677] {strides = array<i32>} : memref<4096xi32, #tpu.memory_space<vmem>>, vector<16xi32>,
        %get3A_1679 = vector.shape_cast %get3A_1678 : vector<16xi32> to vector<16xi32>
        %ge3A_1680 = arith.cmpi sge, %get3A_1679, %broadcast_in_dim3A_1615 : vector<16xi32>
        %jit3A = arith.constant 1 : i32
        %jit3A_1681 = arith.constant 0 : i32
        %broadcast_in_dim3A_1682 = vector.broadcast %jit3A : i32 to vector<16xi32>
        %broadcast_in_dim3A_1683 = vector.broadcast %jit3A_1681 : i32 to vector<16xi32>
        %select_n3A_1684 = arith.select %ge3A_1680, %broadcast_in_dim3A_1682, %broadcast_in_dim3A_1683 : vector<16xi1>, vector<16xi32>
        %add3A_1685 = arith.addi %scan3A_1672, %select_n3A_1684 : vector<16xi32>
        %add3A_1686 = arith.constant 16 : i32
        %add3A_1687 = arith.addi %mul3A_1674, %add3A_1686 : i32
        %get3A_1688 = arith.index_cast %add3A_1687 : i32 to index
        %get3A_1689 = tpu.vector_load %arg4[%get3A_1688] {strides = array<i32>} : memref<4096xi32, #tpu.memory_space<vmem>>, vector<16xi32>,
        %get3A_1690 = vector.shape_cast %get3A_1689 : vector<16xi32> to vector<16xi32>
        %ge3A_1691 = arith.cmpi sge, %get3A_1690, %broadcast_in_dim3A_1615 : vector<16xi32>
        %jit3A_1692 = arith.constant 1 : i32
        %jit3A_1693 = arith.constant 0 : i32
        %broadcast_in_dim3A_1694 = vector.broadcast %jit3A_1692 : i32 to vector<16xi32>
        %broadcast_in_dim3A_1695 = vector.broadcast %jit3A_1693 : i32 to vector<16xi32>
        %select_n3A_1696 = arith.select %ge3A_1691, %broadcast_in_dim3A_1694, %broadcast_in_dim3A_1695 : vector<16xi1>, vector<16xi32>
        %add3A_1697 = arith.addi %add3A_1685, %select_n3A_1696 : vector<16xi32>
        %add3A_1698 = arith.constant 32 : i32
        %add3A_1699 = arith.addi %mul3A_1674, %add3A_1698 : i32
        %get3A_1700 = arith.index_cast %add3A_1699 : i32 to index
        %get3A_1701 = tpu.vector_load %arg4[%get3A_1700] {strides = array<i32>} : memref<4096xi32, #tpu.memory_space<vmem>>, vector<16xi32>,
        %get3A_1702 = vector.shape_cast %get3A_1701 : vector<16xi32> to vector<16xi32>
        %ge3A_1703 = arith.cmpi sge, %get3A_1702, %broadcast_in_dim3A_1615 : vector<16xi32>
        %jit3A_1704 = arith.constant 1 : i32
        %jit3A_1705 = arith.constant 0 : i32
        %broadcast_in_dim3A_1706 = vector.broadcast %jit3A_1704 : i32 to vector<16xi32>
        %broadcast_in_dim3A_1707 = vector.broadcast %jit3A_1705 : i32 to vector<16xi32>
        %select_n3A_1708 = arith.select %ge3A_1703, %broadcast_in_dim3A_1706, %broadcast_in_dim3A_1707 : vector<16xi1>, vector<16xi32>
        %add3A_1709 = arith.addi %add3A_1697, %select_n3A_1708 : vector<16xi32>
        %add3A_1710 = arith.constant 48 : i32
        %add3A_1711 = arith.addi %mul3A_1674, %add3A_1710 : i32
        %get3A_1712 = arith.index_cast %add3A_1711 : i32 to index
        %get3A_1713 = tpu.vector_load %arg4[%get3A_1712] {strides = array<i32>} : memref<4096xi32, #tpu.memory_space<vmem>>, vector<16xi32>,
        %get3A_1714 = vector.shape_cast %get3A_1713 : vector<16xi32> to vector<16xi32>
        %ge3A_1715 = arith.cmpi sge, %get3A_1714, %broadcast_in_dim3A_1615 : vector<16xi32>
        %jit3A_1716 = arith.constant 1 : i32
        %jit3A_1717 = arith.constant 0 : i32
        %broadcast_in_dim3A_1718 = vector.broadcast %jit3A_1716 : i32 to vector<16xi32>
        %broadcast_in_dim3A_1719 = vector.broadcast %jit3A_1717 : i32 to vector<16xi32>
        %select_n3A_1720 = arith.select %ge3A_1715, %broadcast_in_dim3A_1718, %broadcast_in_dim3A_1719 : vector<16xi1>, vector<16xi32>
        %add3A_1721 = arith.addi %add3A_1709, %select_n3A_1720 : vector<16xi32>
        %add3A_1722 = arith.constant 64 : i32
        %add3A_1723 = arith.addi %mul3A_1674, %add3A_1722 : i32
        %get3A_1724 = arith.index_cast %add3A_1723 : i32 to index
        %get3A_1725 = tpu.vector_load %arg4[%get3A_1724] {strides = array<i32>} : memref<4096xi32, #tpu.memory_space<vmem>>, vector<16xi32>,
        %get3A_1726 = vector.shape_cast %get3A_1725 : vector<16xi32> to vector<16xi32>
        %ge3A_1727 = arith.cmpi sge, %get3A_1726, %broadcast_in_dim3A_1615 : vector<16xi32>
        %jit3A_1728 = arith.constant 1 : i32
        %jit3A_1729 = arith.constant 0 : i32
        %broadcast_in_dim3A_1730 = vector.broadcast %jit3A_1728 : i32 to vector<16xi32>
        %broadcast_in_dim3A_1731 = vector.broadcast %jit3A_1729 : i32 to vector<16xi32>
        %select_n3A_1732 = arith.select %ge3A_1727, %broadcast_in_dim3A_1730, %broadcast_in_dim3A_1731 : vector<16xi1>, vector<16xi32>
        %add3A_1733 = arith.addi %add3A_1721, %select_n3A_1732 : vector<16xi32>
        %add3A_1734 = arith.constant 80 : i32
        %add3A_1735 = arith.addi %mul3A_1674, %add3A_1734 : i32
        %get3A_1736 = arith.index_cast %add3A_1735 : i32 to index
        %get3A_1737 = tpu.vector_load %arg4[%get3A_1736] {strides = array<i32>} : memref<4096xi32, #tpu.memory_space<vmem>>, vector<16xi32>,
        %get3A_1738 = vector.shape_cast %get3A_1737 : vector<16xi32> to vector<16xi32>
        %ge3A_1739 = arith.cmpi sge, %get3A_1738, %broadcast_in_dim3A_1615 : vector<16xi32>
        %jit3A_1740 = arith.constant 1 : i32
        %jit3A_1741 = arith.constant 0 : i32
        %broadcast_in_dim3A_1742 = vector.broadcast %jit3A_1740 : i32 to vector<16xi32>
        %broadcast_in_dim3A_1743 = vector.broadcast %jit3A_1741 : i32 to vector<16xi32>
        %select_n3A_1744 = arith.select %ge3A_1739, %broadcast_in_dim3A_1742, %broadcast_in_dim3A_1743 : vector<16xi1>, vector<16xi32>
        %add3A_1745 = arith.addi %add3A_1733, %select_n3A_1744 : vector<16xi32>
        %add3A_1746 = arith.constant 96 : i32
        %add3A_1747 = arith.addi %mul3A_1674, %add3A_1746 : i32
        %get3A_1748 = arith.index_cast %add3A_1747 : i32 to index
        %get3A_1749 = tpu.vector_load %arg4[%get3A_1748] {strides = array<i32>} : memref<4096xi32, #tpu.memory_space<vmem>>, vector<16xi32>,
        %get3A_1750 = vector.shape_cast %get3A_1749 : vector<16xi32> to vector<16xi32>
        %ge3A_1751 = arith.cmpi sge, %get3A_1750, %broadcast_in_dim3A_1615 : vector<16xi32>
        %jit3A_1752 = arith.constant 1 : i32
        %jit3A_1753 = arith.constant 0 : i32
        %broadcast_in_dim3A_1754 = vector.broadcast %jit3A_1752 : i32 to vector<16xi32>
        %broadcast_in_dim3A_1755 = vector.broadcast %jit3A_1753 : i32 to vector<16xi32>
        %select_n3A_1756 = arith.select %ge3A_1751, %broadcast_in_dim3A_1754, %broadcast_in_dim3A_1755 : vector<16xi1>, vector<16xi32>
        %add3A_1757 = arith.addi %add3A_1745, %select_n3A_1756 : vector<16xi32>
        %add3A_1758 = arith.constant 112 : i32
        %add3A_1759 = arith.addi %mul3A_1674, %add3A_1758 : i32
        %get3A_1760 = arith.index_cast %add3A_1759 : i32 to index
        %get3A_1761 = tpu.vector_load %arg4[%get3A_1760] {strides = array<i32>} : memref<4096xi32, #tpu.memory_space<vmem>>, vector<16xi32>,
        %get3A_1762 = vector.shape_cast %get3A_1761 : vector<16xi32> to vector<16xi32>
        %ge3A_1763 = arith.cmpi sge, %get3A_1762, %broadcast_in_dim3A_1615 : vector<16xi32>
        %jit3A_1764 = arith.constant 1 : i32
        %jit3A_1765 = arith.constant 0 : i32
        %broadcast_in_dim3A_1766 = vector.broadcast %jit3A_1764 : i32 to vector<16xi32>
        %broadcast_in_dim3A_1767 = vector.broadcast %jit3A_1765 : i32 to vector<16xi32>
        %select_n3A_1768 = arith.select %ge3A_1763, %broadcast_in_dim3A_1766, %broadcast_in_dim3A_1767 : vector<16xi1>, vector<16xi32>
        %add3A_1769 = arith.addi %add3A_1757, %select_n3A_1768 : vector<16xi32>
        scf.yield %add3A_1769 : vector<16xi32>
      }
      %scan3A_1621 = arith.constant 32 : i32
      %slice3A = vector.extract_strided_slice %scan3A_1620 {offsets = [0], sizes = [1], strides = [1]} : vector<16xi32> to vector<1xi32>
      %squeeze3A = vector.extract %slice3A[0] : i32 from vector<1xi32>
      %slice3A_1622 = vector.extract_strided_slice %scan3A_1620 {offsets = [1], sizes = [1], strides = [1]} : vector<16xi32> to vector<1xi32>
      %squeeze3A_1623 = vector.extract %slice3A_1622[0] : i32 from vector<1xi32>
      %add3A_1624 = arith.addi %squeeze3A, %squeeze3A_1623 : i32
      %slice3A_1625 = vector.extract_strided_slice %scan3A_1620 {offsets = [2], sizes = [1], strides = [1]} : vector<16xi32> to vector<1xi32>
      %squeeze3A_1626 = vector.extract %slice3A_1625[0] : i32 from vector<1xi32>
      %add3A_1627 = arith.addi %add3A_1624, %squeeze3A_1626 : i32
      %slice3A_1628 = vector.extract_strided_slice %scan3A_1620 {offsets = [3], sizes = [1], strides = [1]} : vector<16xi32> to vector<1xi32>
      %squeeze3A_1629 = vector.extract %slice3A_1628[0] : i32 from vector<1xi32>
      %add3A_1630 = arith.addi %add3A_1627, %squeeze3A_1629 : i32
      %slice3A_1631 = vector.extract_strided_slice %scan3A_1620 {offsets = [4], sizes = [1], strides = [1]} : vector<16xi32> to vector<1xi32>
      %squeeze3A_1632 = vector.extract %slice3A_1631[0] : i32 from vector<1xi32>
      %add3A_1633 = arith.addi %add3A_1630, %squeeze3A_1632 : i32
      %slice3A_1634 = vector.extract_strided_slice %scan3A_1620 {offsets = [5], sizes = [1], strides = [1]} : vector<16xi32> to vector<1xi32>
      %squeeze3A_1635 = vector.extract %slice3A_1634[0] : i32 from vector<1xi32>
      %add3A_1636 = arith.addi %add3A_1633, %squeeze3A_1635 : i32
      %slice3A_1637 = vector.extract_strided_slice %scan3A_1620 {offsets = [6], sizes = [1], strides = [1]} : vector<16xi32> to vector<1xi32>
      %squeeze3A_1638 = vector.extract %slice3A_1637[0] : i32 from vector<1xi32>
      %add3A_1639 = arith.addi %add3A_1636, %squeeze3A_1638 : i32
      %slice3A_1640 = vector.extract_strided_slice %scan3A_1620 {offsets = [7], sizes = [1], strides = [1]} : vector<16xi32> to vector<1xi32>
      %squeeze3A_1641 = vector.extract %slice3A_1640[0] : i32 from vector<1xi32>
      %add3A_1642 = arith.addi %add3A_1639, %squeeze3A_1641 : i32
      %slice3A_1643 = vector.extract_strided_slice %scan3A_1620 {offsets = [8], sizes = [1], strides = [1]} : vector<16xi32> to vector<1xi32>
      %squeeze3A_1644 = vector.extract %slice3A_1643[0] : i32 from vector<1xi32>
      %add3A_1645 = arith.addi %add3A_1642, %squeeze3A_1644 : i32
      %slice3A_1646 = vector.extract_strided_slice %scan3A_1620 {offsets = [9], sizes = [1], strides = [1]} : vector<16xi32> to vector<1xi32>
      %squeeze3A_1647 = vector.extract %slice3A_1646[0] : i32 from vector<1xi32>
      %add3A_1648 = arith.addi %add3A_1645, %squeeze3A_1647 : i32
      %slice3A_1649 = vector.extract_strided_slice %scan3A_1620 {offsets = [10], sizes = [1], strides = [1]} : vector<16xi32> to vector<1xi32>
      %squeeze3A_1650 = vector.extract %slice3A_1649[0] : i32 from vector<1xi32>
      %add3A_1651 = arith.addi %add3A_1648, %squeeze3A_1650 : i32
      %slice3A_1652 = vector.extract_strided_slice %scan3A_1620 {offsets = [11], sizes = [1], strides = [1]} : vector<16xi32> to vector<1xi32>
      %squeeze3A_1653 = vector.extract %slice3A_1652[0] : i32 from vector<1xi32>
      %add3A_1654 = arith.addi %add3A_1651, %squeeze3A_1653 : i32
      %slice3A_1655 = vector.extract_strided_slice %scan3A_1620 {offsets = [12], sizes = [1], strides = [1]} : vector<16xi32> to vector<1xi32>
      %squeeze3A_1656 = vector.extract %slice3A_1655[0] : i32 from vector<1xi32>
      %add3A_1657 = arith.addi %add3A_1654, %squeeze3A_1656 : i32
      %slice3A_1658 = vector.extract_strided_slice %scan3A_1620 {offsets = [13], sizes = [1], strides = [1]} : vector<16xi32> to vector<1xi32>
      %squeeze3A_1659 = vector.extract %slice3A_1658[0] : i32 from vector<1xi32>
      %add3A_1660 = arith.addi %add3A_1657, %squeeze3A_1659 : i32
      %slice3A_1661 = vector.extract_strided_slice %scan3A_1620 {offsets = [14], sizes = [1], strides = [1]} : vector<16xi32> to vector<1xi32>
      %squeeze3A_1662 = vector.extract %slice3A_1661[0] : i32 from vector<1xi32>
      %add3A_1663 = arith.addi %add3A_1660, %squeeze3A_1662 : i32
      %slice3A_1664 = vector.extract_strided_slice %scan3A_1620 {offsets = [15], sizes = [1], strides = [1]} : vector<16xi32> to vector<1xi32>
      %squeeze3A_1665 = vector.extract %slice3A_1664[0] : i32 from vector<1xi32>
      %add3A_1666 = arith.addi %add3A_1663, %squeeze3A_1665 : i32
      %ge3A = arith.constant 512 : i32
      %ge3A_1667 = arith.cmpi sge, %add3A_1666, %ge3A : i32
      %select_n3A = arith.select %ge3A_1667, %add3A, %scan3A_1609 : i32
      %select_n3A_1668 = arith.select %ge3A_1667, %scan3A_1610, %add3A : i32
      %select_n3A_1669 = arith.select %ge3A_1667, %add3A_1666, %scan3A_1611 : i32
      %select_n3A_1670 = arith.select %ge3A_1667, %scan3A_1612, %add3A_1666 : i32
      scf.yield %select_n3A, %select_n3A_1668, %select_n3A_1669, %select_n3A_1670 : i32, i32, i32, i32
    }
    %scan3A_9 = arith.constant 30 : i32
    %broadcast_in_dim3A_10 = vector.broadcast %scan3A_8#0 : i32 to vector<16xi32>
    %sub3A = arith.subi %scan3A_8#2, %scan3A_8#3 : i32
    %sub3A_11 = arith.constant 512 : i32
    %sub3A_12 = arith.subi %sub3A_11, %scan3A_8#3 : i32
    %eq3A = arith.cmpi eq, %sub3A, %sub3A_12 : i32
    %convert_element_type3A = arith.extui %eq3A : i1 to i32
    %cond3A = arith.constant 0 : i32
    %cond3A_13 = arith.cmpi ne, %convert_element_type3A, %cond3A : i32
    %cond3A_14 = scf.if %cond3A_13 -> (i32) {
      %cond3A_1608 = arith.constant 4095 : i32
      scf.yield %cond3A_1608 : i32
    } else {
      %scan3A_1608 = arith.constant -1 : i32
      %scan3A_1609 = arith.constant 4095 : i32
      %scan3A_1610 = arith.constant 0 : i32
      %scan3A_1611 = arith.constant 13 : i32
      %scan3A_1612 = arith.addi %scan3A_1610, %scan3A_1611 : i32
      %scan3A_1613 = arith.constant 1 : i32
      %scan3A_1614:2 = scf.for %scan3A_1616 = %scan3A_1610 to %scan3A_1612 step %scan3A_1613 iter_args(%scan3A_1617 = %scan3A_1608, %scan3A_1618 = %scan3A_1609) -> (i32, i32)  : i32 {
        %sub3A_1619 = arith.subi %scan3A_1618, %scan3A_1617 : i32
        %add3A = arith.constant 1 : i32
        %add3A_1620 = arith.addi %sub3A_1619, %add3A : i32
        %shift_right_arithmetic3A = arith.constant 1 : i32
        %shift_right_arithmetic3A_1621 = arith.shrsi %add3A_1620, %shift_right_arithmetic3A : i32
        %add3A_1622 = arith.addi %scan3A_1617, %shift_right_arithmetic3A_1621 : i32
        %broadcast_in_dim3A_1623 = vector.broadcast %add3A_1622 : i32 to vector<16xi32>
        %scan3A_1624 = arith.constant 0 : i32
        %scan3A_1625 = arith.constant 32 : i32
        %scan3A_1626 = arith.addi %scan3A_1624, %scan3A_1625 : i32
        %scan3A_1627 = arith.constant 1 : i32
        %scan3A_1628 = scf.for %scan3A_1676 = %scan3A_1624 to %scan3A_1626 step %scan3A_1627 iter_args(%scan3A_1677 = %broadcast_in_dim3A_0) -> (vector<16xi32>)  : i32 {
          %mul3A_1678 = arith.constant 128 : i32
          %mul3A_1679 = arith.muli %scan3A_1676, %mul3A_1678 : i32
          %add3A_1680 = arith.constant 0 : i32
          %add3A_1681 = arith.addi %mul3A_1679, %add3A_1680 : i32
          %get3A_1682 = arith.index_cast %add3A_1681 : i32 to index
          %get3A_1683 = tpu.vector_load %arg4[%get3A_1682] {strides = array<i32>} : memref<4096xi32, #tpu.memory_space<vmem>>, vector<16xi32>,
          %get3A_1684 = vector.shape_cast %get3A_1683 : vector<16xi32> to vector<16xi32>
          %eq3A_1685 = arith.cmpi eq, %get3A_1684, %broadcast_in_dim3A_10 : vector<16xi32>
          %add3A_1686 = vector.broadcast %add3A_1681 : i32 to vector<16xi32>
          %add3A_1687 = arith.addi %iota3A, %add3A_1686 : vector<16xi32>
          %le3A = arith.cmpi sle, %add3A_1687, %broadcast_in_dim3A_1623 : vector<16xi32>
          %and3A = arith.andi %eq3A_1685, %le3A : vector<16xi1>
          %jit3A = arith.constant 1 : i32
          %jit3A_1688 = arith.constant 0 : i32
          %broadcast_in_dim3A_1689 = vector.broadcast %jit3A : i32 to vector<16xi32>
          %broadcast_in_dim3A_1690 = vector.broadcast %jit3A_1688 : i32 to vector<16xi32>
          %select_n3A_1691 = arith.select %and3A, %broadcast_in_dim3A_1689, %broadcast_in_dim3A_1690 : vector<16xi1>, vector<16xi32>
          %add3A_1692 = arith.addi %scan3A_1677, %select_n3A_1691 : vector<16xi32>
          %add3A_1693 = arith.constant 16 : i32
          %add3A_1694 = arith.addi %mul3A_1679, %add3A_1693 : i32
          %get3A_1695 = arith.index_cast %add3A_1694 : i32 to index
          %get3A_1696 = tpu.vector_load %arg4[%get3A_1695] {strides = array<i32>} : memref<4096xi32, #tpu.memory_space<vmem>>, vector<16xi32>,
          %get3A_1697 = vector.shape_cast %get3A_1696 : vector<16xi32> to vector<16xi32>
          %eq3A_1698 = arith.cmpi eq, %get3A_1697, %broadcast_in_dim3A_10 : vector<16xi32>
          %add3A_1699 = vector.broadcast %add3A_1694 : i32 to vector<16xi32>
          %add3A_1700 = arith.addi %iota3A, %add3A_1699 : vector<16xi32>
          %le3A_1701 = arith.cmpi sle, %add3A_1700, %broadcast_in_dim3A_1623 : vector<16xi32>
          %and3A_1702 = arith.andi %eq3A_1698, %le3A_1701 : vector<16xi1>
          %jit3A_1703 = arith.constant 1 : i32
          %jit3A_1704 = arith.constant 0 : i32
          %broadcast_in_dim3A_1705 = vector.broadcast %jit3A_1703 : i32 to vector<16xi32>
          %broadcast_in_dim3A_1706 = vector.broadcast %jit3A_1704 : i32 to vector<16xi32>
          %select_n3A_1707 = arith.select %and3A_1702, %broadcast_in_dim3A_1705, %broadcast_in_dim3A_1706 : vector<16xi1>, vector<16xi32>
          %add3A_1708 = arith.addi %add3A_1692, %select_n3A_1707 : vector<16xi32>
          %add3A_1709 = arith.constant 32 : i32
          %add3A_1710 = arith.addi %mul3A_1679, %add3A_1709 : i32
          %get3A_1711 = arith.index_cast %add3A_1710 : i32 to index
          %get3A_1712 = tpu.vector_load %arg4[%get3A_1711] {strides = array<i32>} : memref<4096xi32, #tpu.memory_space<vmem>>, vector<16xi32>,
          %get3A_1713 = vector.shape_cast %get3A_1712 : vector<16xi32> to vector<16xi32>
          %eq3A_1714 = arith.cmpi eq, %get3A_1713, %broadcast_in_dim3A_10 : vector<16xi32>
          %add3A_1715 = vector.broadcast %add3A_1710 : i32 to vector<16xi32>
          %add3A_1716 = arith.addi %iota3A, %add3A_1715 : vector<16xi32>
          %le3A_1717 = arith.cmpi sle, %add3A_1716, %broadcast_in_dim3A_1623 : vector<16xi32>
          %and3A_1718 = arith.andi %eq3A_1714, %le3A_1717 : vector<16xi1>
          %jit3A_1719 = arith.constant 1 : i32
          %jit3A_1720 = arith.constant 0 : i32
          %broadcast_in_dim3A_1721 = vector.broadcast %jit3A_1719 : i32 to vector<16xi32>
          %broadcast_in_dim3A_1722 = vector.broadcast %jit3A_1720 : i32 to vector<16xi32>
          %select_n3A_1723 = arith.select %and3A_1718, %broadcast_in_dim3A_1721, %broadcast_in_dim3A_1722 : vector<16xi1>, vector<16xi32>
          %add3A_1724 = arith.addi %add3A_1708, %select_n3A_1723 : vector<16xi32>
          %add3A_1725 = arith.constant 48 : i32
          %add3A_1726 = arith.addi %mul3A_1679, %add3A_1725 : i32
          %get3A_1727 = arith.index_cast %add3A_1726 : i32 to index
          %get3A_1728 = tpu.vector_load %arg4[%get3A_1727] {strides = array<i32>} : memref<4096xi32, #tpu.memory_space<vmem>>, vector<16xi32>,
          %get3A_1729 = vector.shape_cast %get3A_1728 : vector<16xi32> to vector<16xi32>
          %eq3A_1730 = arith.cmpi eq, %get3A_1729, %broadcast_in_dim3A_10 : vector<16xi32>
          %add3A_1731 = vector.broadcast %add3A_1726 : i32 to vector<16xi32>
          %add3A_1732 = arith.addi %iota3A, %add3A_1731 : vector<16xi32>
          %le3A_1733 = arith.cmpi sle, %add3A_1732, %broadcast_in_dim3A_1623 : vector<16xi32>
          %and3A_1734 = arith.andi %eq3A_1730, %le3A_1733 : vector<16xi1>
          %jit3A_1735 = arith.constant 1 : i32
          %jit3A_1736 = arith.constant 0 : i32
          %broadcast_in_dim3A_1737 = vector.broadcast %jit3A_1735 : i32 to vector<16xi32>
          %broadcast_in_dim3A_1738 = vector.broadcast %jit3A_1736 : i32 to vector<16xi32>
          %select_n3A_1739 = arith.select %and3A_1734, %broadcast_in_dim3A_1737, %broadcast_in_dim3A_1738 : vector<16xi1>, vector<16xi32>
          %add3A_1740 = arith.addi %add3A_1724, %select_n3A_1739 : vector<16xi32>
          %add3A_1741 = arith.constant 64 : i32
          %add3A_1742 = arith.addi %mul3A_1679, %add3A_1741 : i32
          %get3A_1743 = arith.index_cast %add3A_1742 : i32 to index
          %get3A_1744 = tpu.vector_load %arg4[%get3A_1743] {strides = array<i32>} : memref<4096xi32, #tpu.memory_space<vmem>>, vector<16xi32>,
          %get3A_1745 = vector.shape_cast %get3A_1744 : vector<16xi32> to vector<16xi32>
          %eq3A_1746 = arith.cmpi eq, %get3A_1745, %broadcast_in_dim3A_10 : vector<16xi32>
          %add3A_1747 = vector.broadcast %add3A_1742 : i32 to vector<16xi32>
          %add3A_1748 = arith.addi %iota3A, %add3A_1747 : vector<16xi32>
          %le3A_1749 = arith.cmpi sle, %add3A_1748, %broadcast_in_dim3A_1623 : vector<16xi32>
          %and3A_1750 = arith.andi %eq3A_1746, %le3A_1749 : vector<16xi1>
          %jit3A_1751 = arith.constant 1 : i32
          %jit3A_1752 = arith.constant 0 : i32
          %broadcast_in_dim3A_1753 = vector.broadcast %jit3A_1751 : i32 to vector<16xi32>
          %broadcast_in_dim3A_1754 = vector.broadcast %jit3A_1752 : i32 to vector<16xi32>
          %select_n3A_1755 = arith.select %and3A_1750, %broadcast_in_dim3A_1753, %broadcast_in_dim3A_1754 : vector<16xi1>, vector<16xi32>
          %add3A_1756 = arith.addi %add3A_1740, %select_n3A_1755 : vector<16xi32>
          %add3A_1757 = arith.constant 80 : i32
          %add3A_1758 = arith.addi %mul3A_1679, %add3A_1757 : i32
          %get3A_1759 = arith.index_cast %add3A_1758 : i32 to index
          %get3A_1760 = tpu.vector_load %arg4[%get3A_1759] {strides = array<i32>} : memref<4096xi32, #tpu.memory_space<vmem>>, vector<16xi32>,
          %get3A_1761 = vector.shape_cast %get3A_1760 : vector<16xi32> to vector<16xi32>
          %eq3A_1762 = arith.cmpi eq, %get3A_1761, %broadcast_in_dim3A_10 : vector<16xi32>
          %add3A_1763 = vector.broadcast %add3A_1758 : i32 to vector<16xi32>
          %add3A_1764 = arith.addi %iota3A, %add3A_1763 : vector<16xi32>
          %le3A_1765 = arith.cmpi sle, %add3A_1764, %broadcast_in_dim3A_1623 : vector<16xi32>
          %and3A_1766 = arith.andi %eq3A_1762, %le3A_1765 : vector<16xi1>
          %jit3A_1767 = arith.constant 1 : i32
          %jit3A_1768 = arith.constant 0 : i32
          %broadcast_in_dim3A_1769 = vector.broadcast %jit3A_1767 : i32 to vector<16xi32>
          %broadcast_in_dim3A_1770 = vector.broadcast %jit3A_1768 : i32 to vector<16xi32>
          %select_n3A_1771 = arith.select %and3A_1766, %broadcast_in_dim3A_1769, %broadcast_in_dim3A_1770 : vector<16xi1>, vector<16xi32>
          %add3A_1772 = arith.addi %add3A_1756, %select_n3A_1771 : vector<16xi32>
          %add3A_1773 = arith.constant 96 : i32
          %add3A_1774 = arith.addi %mul3A_1679, %add3A_1773 : i32
          %get3A_1775 = arith.index_cast %add3A_1774 : i32 to index
          %get3A_1776 = tpu.vector_load %arg4[%get3A_1775] {strides = array<i32>} : memref<4096xi32, #tpu.memory_space<vmem>>, vector<16xi32>,
          %get3A_1777 = vector.shape_cast %get3A_1776 : vector<16xi32> to vector<16xi32>
          %eq3A_1778 = arith.cmpi eq, %get3A_1777, %broadcast_in_dim3A_10 : vector<16xi32>
          %add3A_1779 = vector.broadcast %add3A_1774 : i32 to vector<16xi32>
          %add3A_1780 = arith.addi %iota3A, %add3A_1779 : vector<16xi32>
          %le3A_1781 = arith.cmpi sle, %add3A_1780, %broadcast_in_dim3A_1623 : vector<16xi32>
          %and3A_1782 = arith.andi %eq3A_1778, %le3A_1781 : vector<16xi1>
          %jit3A_1783 = arith.constant 1 : i32
          %jit3A_1784 = arith.constant 0 : i32
          %broadcast_in_dim3A_1785 = vector.broadcast %jit3A_1783 : i32 to vector<16xi32>
          %broadcast_in_dim3A_1786 = vector.broadcast %jit3A_1784 : i32 to vector<16xi32>
          %select_n3A_1787 = arith.select %and3A_1782, %broadcast_in_dim3A_1785, %broadcast_in_dim3A_1786 : vector<16xi1>, vector<16xi32>
          %add3A_1788 = arith.addi %add3A_1772, %select_n3A_1787 : vector<16xi32>
          %add3A_1789 = arith.constant 112 : i32
          %add3A_1790 = arith.addi %mul3A_1679, %add3A_1789 : i32
          %get3A_1791 = arith.index_cast %add3A_1790 : i32 to index
          %get3A_1792 = tpu.vector_load %arg4[%get3A_1791] {strides = array<i32>} : memref<4096xi32, #tpu.memory_space<vmem>>, vector<16xi32>,
          %get3A_1793 = vector.shape_cast %get3A_1792 : vector<16xi32> to vector<16xi32>
          %eq3A_1794 = arith.cmpi eq, %get3A_1793, %broadcast_in_dim3A_10 : vector<16xi32>
          %add3A_1795 = vector.broadcast %add3A_1790 : i32 to vector<16xi32>
          %add3A_1796 = arith.addi %iota3A, %add3A_1795 : vector<16xi32>
          %le3A_1797 = arith.cmpi sle, %add3A_1796, %broadcast_in_dim3A_1623 : vector<16xi32>
          %and3A_1798 = arith.andi %eq3A_1794, %le3A_1797 : vector<16xi1>
          %jit3A_1799 = arith.constant 1 : i32
          %jit3A_1800 = arith.constant 0 : i32
          %broadcast_in_dim3A_1801 = vector.broadcast %jit3A_1799 : i32 to vector<16xi32>
          %broadcast_in_dim3A_1802 = vector.broadcast %jit3A_1800 : i32 to vector<16xi32>
          %select_n3A_1803 = arith.select %and3A_1798, %broadcast_in_dim3A_1801, %broadcast_in_dim3A_1802 : vector<16xi1>, vector<16xi32>
          %add3A_1804 = arith.addi %add3A_1788, %select_n3A_1803 : vector<16xi32>
          scf.yield %add3A_1804 : vector<16xi32>
        }
        %scan3A_1629 = arith.constant 32 : i32
        %slice3A = vector.extract_strided_slice %scan3A_1628 {offsets = [0], sizes = [1], strides = [1]} : vector<16xi32> to vector<1xi32>
        %squeeze3A = vector.extract %slice3A[0] : i32 from vector<1xi32>
        %slice3A_1630 = vector.extract_strided_slice %scan3A_1628 {offsets = [1], sizes = [1], strides = [1]} : vector<16xi32> to vector<1xi32>
        %squeeze3A_1631 = vector.extract %slice3A_1630[0] : i32 from vector<1xi32>
        %add3A_1632 = arith.addi %squeeze3A, %squeeze3A_1631 : i32
        %slice3A_1633 = vector.extract_strided_slice %scan3A_1628 {offsets = [2], sizes = [1], strides = [1]} : vector<16xi32> to vector<1xi32>
        %squeeze3A_1634 = vector.extract %slice3A_1633[0] : i32 from vector<1xi32>
        %add3A_1635 = arith.addi %add3A_1632, %squeeze3A_1634 : i32
        %slice3A_1636 = vector.extract_strided_slice %scan3A_1628 {offsets = [3], sizes = [1], strides = [1]} : vector<16xi32> to vector<1xi32>
        %squeeze3A_1637 = vector.extract %slice3A_1636[0] : i32 from vector<1xi32>
        %add3A_1638 = arith.addi %add3A_1635, %squeeze3A_1637 : i32
        %slice3A_1639 = vector.extract_strided_slice %scan3A_1628 {offsets = [4], sizes = [1], strides = [1]} : vector<16xi32> to vector<1xi32>
        %squeeze3A_1640 = vector.extract %slice3A_1639[0] : i32 from vector<1xi32>
        %add3A_1641 = arith.addi %add3A_1638, %squeeze3A_1640 : i32
        %slice3A_1642 = vector.extract_strided_slice %scan3A_1628 {offsets = [5], sizes = [1], strides = [1]} : vector<16xi32> to vector<1xi32>
        %squeeze3A_1643 = vector.extract %slice3A_1642[0] : i32 from vector<1xi32>
        %add3A_1644 = arith.addi %add3A_1641, %squeeze3A_1643 : i32
        %slice3A_1645 = vector.extract_strided_slice %scan3A_1628 {offsets = [6], sizes = [1], strides = [1]} : vector<16xi32> to vector<1xi32>
        %squeeze3A_1646 = vector.extract %slice3A_1645[0] : i32 from vector<1xi32>
        %add3A_1647 = arith.addi %add3A_1644, %squeeze3A_1646 : i32
        %slice3A_1648 = vector.extract_strided_slice %scan3A_1628 {offsets = [7], sizes = [1], strides = [1]} : vector<16xi32> to vector<1xi32>
        %squeeze3A_1649 = vector.extract %slice3A_1648[0] : i32 from vector<1xi32>
        %add3A_1650 = arith.addi %add3A_1647, %squeeze3A_1649 : i32
        %slice3A_1651 = vector.extract_strided_slice %scan3A_1628 {offsets = [8], sizes = [1], strides = [1]} : vector<16xi32> to vector<1xi32>
        %squeeze3A_1652 = vector.extract %slice3A_1651[0] : i32 from vector<1xi32>
        %add3A_1653 = arith.addi %add3A_1650, %squeeze3A_1652 : i32
        %slice3A_1654 = vector.extract_strided_slice %scan3A_1628 {offsets = [9], sizes = [1], strides = [1]} : vector<16xi32> to vector<1xi32>
        %squeeze3A_1655 = vector.extract %slice3A_1654[0] : i32 from vector<1xi32>
        %add3A_1656 = arith.addi %add3A_1653, %squeeze3A_1655 : i32
        %slice3A_1657 = vector.extract_strided_slice %scan3A_1628 {offsets = [10], sizes = [1], strides = [1]} : vector<16xi32> to vector<1xi32>
        %squeeze3A_1658 = vector.extract %slice3A_1657[0] : i32 from vector<1xi32>
        %add3A_1659 = arith.addi %add3A_1656, %squeeze3A_1658 : i32
        %slice3A_1660 = vector.extract_strided_slice %scan3A_1628 {offsets = [11], sizes = [1], strides = [1]} : vector<16xi32> to vector<1xi32>
        %squeeze3A_1661 = vector.extract %slice3A_1660[0] : i32 from vector<1xi32>
        %add3A_1662 = arith.addi %add3A_1659, %squeeze3A_1661 : i32
        %slice3A_1663 = vector.extract_strided_slice %scan3A_1628 {offsets = [12], sizes = [1], strides = [1]} : vector<16xi32> to vector<1xi32>
        %squeeze3A_1664 = vector.extract %slice3A_1663[0] : i32 from vector<1xi32>
        %add3A_1665 = arith.addi %add3A_1662, %squeeze3A_1664 : i32
        %slice3A_1666 = vector.extract_strided_slice %scan3A_1628 {offsets = [13], sizes = [1], strides = [1]} : vector<16xi32> to vector<1xi32>
        %squeeze3A_1667 = vector.extract %slice3A_1666[0] : i32 from vector<1xi32>
        %add3A_1668 = arith.addi %add3A_1665, %squeeze3A_1667 : i32
        %slice3A_1669 = vector.extract_strided_slice %scan3A_1628 {offsets = [14], sizes = [1], strides = [1]} : vector<16xi32> to vector<1xi32>
        %squeeze3A_1670 = vector.extract %slice3A_1669[0] : i32 from vector<1xi32>
        %add3A_1671 = arith.addi %add3A_1668, %squeeze3A_1670 : i32
        %slice3A_1672 = vector.extract_strided_slice %scan3A_1628 {offsets = [15], sizes = [1], strides = [1]} : vector<16xi32> to vector<1xi32>
        %squeeze3A_1673 = vector.extract %slice3A_1672[0] : i32 from vector<1xi32>
        %add3A_1674 = arith.addi %add3A_1671, %squeeze3A_1673 : i32
        %ge3A = arith.cmpi sge, %add3A_1674, %sub3A_12 : i32
        %select_n3A = arith.select %ge3A, %scan3A_1617, %add3A_1622 : i32
        %select_n3A_1675 = arith.select %ge3A, %add3A_1622, %scan3A_1618 : i32
        scf.yield %select_n3A, %select_n3A_1675 : i32, i32
      }
      %scan3A_1615 = arith.constant 13 : i32
      scf.yield %scan3A_1614#1 : i32
    }
    %broadcast_in_dim3A_15 = vector.broadcast %cond3A_14 : i32 to vector<16xi32>
    %broadcast_in_dim3A_16 = arith.constant 1.000000e+00 : f32
    %broadcast_in_dim3A_17 = vector.broadcast %broadcast_in_dim3A_16 : f32 to vector<16xf32>
    %broadcast_in_dim3A_18 = arith.constant 0.000000e+00 : f32
    %broadcast_in_dim3A_19 = vector.broadcast %broadcast_in_dim3A_18 : f32 to vector<16xf32>
    %scan3A_20 = arith.constant 0 : i32
    %scan3A_21 = arith.constant 0 : i32
    %scan3A_22 = arith.constant 32 : i32
    %scan3A_23 = arith.addi %scan3A_21, %scan3A_22 : i32
    %scan3A_24 = arith.constant 1 : i32
    scf.for %scan3A_1608 = %scan3A_21 to %scan3A_23 step %scan3A_24  : i32 {
      %mul3A_1609 = arith.constant 128 : i32
      %mul3A_1610 = arith.muli %scan3A_1608, %mul3A_1609 : i32
      %add3A = arith.constant 0 : i32
      %add3A_1611 = arith.addi %mul3A_1610, %add3A : i32
      %get3A_1612 = arith.index_cast %add3A_1611 : i32 to index
      %get3A_1613 = tpu.vector_load %arg4[%get3A_1612] {strides = array<i32>} : memref<4096xi32, #tpu.memory_space<vmem>>, vector<16xi32>,
      %get3A_1614 = vector.shape_cast %get3A_1613 : vector<16xi32> to vector<16xi32>
      %gt3A = arith.cmpi sgt, %get3A_1614, %broadcast_in_dim3A_10 : vector<16xi32>
      %eq3A_1615 = arith.cmpi eq, %get3A_1614, %broadcast_in_dim3A_10 : vector<16xi32>
      %add3A_1616 = vector.broadcast %add3A_1611 : i32 to vector<16xi32>
      %add3A_1617 = arith.addi %iota3A, %add3A_1616 : vector<16xi32>
      %le3A = arith.cmpi sle, %add3A_1617, %broadcast_in_dim3A_15 : vector<16xi32>
      %and3A = arith.andi %eq3A_1615, %le3A : vector<16xi1>
      %or3A = arith.ori %gt3A, %and3A : vector<16xi1>
      %select_n3A = arith.select %or3A, %broadcast_in_dim3A_17, %broadcast_in_dim3A_19 : vector<16xi1>, vector<16xf32>
      %swap3A_1618 = arith.index_cast %add3A_1611 : i32 to index
      %swap3A_1619 = tpu.vector_load %arg5[%swap3A_1618] {strides = array<i32>} : memref<4096xf32, #tpu.memory_space<vmem>>, vector<16xf32>,
      %swap3A_1620 = vector.shape_cast %swap3A_1619 : vector<16xf32> to vector<16xf32>
      %swap3A_1621 = vector.shape_cast %select_n3A : vector<16xf32> to vector<16xf32>
      tpu.vector_store %arg5[%swap3A_1618], %swap3A_1621 {strides = array<i32>} : memref<4096xf32, #tpu.memory_space<vmem>>, vector<16xf32>,
      %add3A_1622 = arith.constant 16 : i32
      %add3A_1623 = arith.addi %mul3A_1610, %add3A_1622 : i32
      %get3A_1624 = arith.index_cast %add3A_1623 : i32 to index
      %get3A_1625 = tpu.vector_load %arg4[%get3A_1624] {strides = array<i32>} : memref<4096xi32, #tpu.memory_space<vmem>>, vector<16xi32>,
      %get3A_1626 = vector.shape_cast %get3A_1625 : vector<16xi32> to vector<16xi32>
      %gt3A_1627 = arith.cmpi sgt, %get3A_1626, %broadcast_in_dim3A_10 : vector<16xi32>
      %eq3A_1628 = arith.cmpi eq, %get3A_1626, %broadcast_in_dim3A_10 : vector<16xi32>
      %add3A_1629 = vector.broadcast %add3A_1623 : i32 to vector<16xi32>
      %add3A_1630 = arith.addi %iota3A, %add3A_1629 : vector<16xi32>
      %le3A_1631 = arith.cmpi sle, %add3A_1630, %broadcast_in_dim3A_15 : vector<16xi32>
      %and3A_1632 = arith.andi %eq3A_1628, %le3A_1631 : vector<16xi1>
      %or3A_1633 = arith.ori %gt3A_1627, %and3A_1632 : vector<16xi1>
      %select_n3A_1634 = arith.select %or3A_1633, %broadcast_in_dim3A_17, %broadcast_in_dim3A_19 : vector<16xi1>, vector<16xf32>
      %swap3A_1635 = arith.index_cast %add3A_1623 : i32 to index
      %swap3A_1636 = tpu.vector_load %arg5[%swap3A_1635] {strides = array<i32>} : memref<4096xf32, #tpu.memory_space<vmem>>, vector<16xf32>,
      %swap3A_1637 = vector.shape_cast %swap3A_1636 : vector<16xf32> to vector<16xf32>
      %swap3A_1638 = vector.shape_cast %select_n3A_1634 : vector<16xf32> to vector<16xf32>
      tpu.vector_store %arg5[%swap3A_1635], %swap3A_1638 {strides = array<i32>} : memref<4096xf32, #tpu.memory_space<vmem>>, vector<16xf32>,
      %add3A_1639 = arith.constant 32 : i32
      %add3A_1640 = arith.addi %mul3A_1610, %add3A_1639 : i32
      %get3A_1641 = arith.index_cast %add3A_1640 : i32 to index
      %get3A_1642 = tpu.vector_load %arg4[%get3A_1641] {strides = array<i32>} : memref<4096xi32, #tpu.memory_space<vmem>>, vector<16xi32>,
      %get3A_1643 = vector.shape_cast %get3A_1642 : vector<16xi32> to vector<16xi32>
      %gt3A_1644 = arith.cmpi sgt, %get3A_1643, %broadcast_in_dim3A_10 : vector<16xi32>
      %eq3A_1645 = arith.cmpi eq, %get3A_1643, %broadcast_in_dim3A_10 : vector<16xi32>
      %add3A_1646 = vector.broadcast %add3A_1640 : i32 to vector<16xi32>
      %add3A_1647 = arith.addi %iota3A, %add3A_1646 : vector<16xi32>
      %le3A_1648 = arith.cmpi sle, %add3A_1647, %broadcast_in_dim3A_15 : vector<16xi32>
      %and3A_1649 = arith.andi %eq3A_1645, %le3A_1648 : vector<16xi1>
      %or3A_1650 = arith.ori %gt3A_1644, %and3A_1649 : vector<16xi1>
      %select_n3A_1651 = arith.select %or3A_1650, %broadcast_in_dim3A_17, %broadcast_in_dim3A_19 : vector<16xi1>, vector<16xf32>
      %swap3A_1652 = arith.index_cast %add3A_1640 : i32 to index
      %swap3A_1653 = tpu.vector_load %arg5[%swap3A_1652] {strides = array<i32>} : memref<4096xf32, #tpu.memory_space<vmem>>, vector<16xf32>,
      %swap3A_1654 = vector.shape_cast %swap3A_1653 : vector<16xf32> to vector<16xf32>
      %swap3A_1655 = vector.shape_cast %select_n3A_1651 : vector<16xf32> to vector<16xf32>
      tpu.vector_store %arg5[%swap3A_1652], %swap3A_1655 {strides = array<i32>} : memref<4096xf32, #tpu.memory_space<vmem>>, vector<16xf32>,
      %add3A_1656 = arith.constant 48 : i32
      %add3A_1657 = arith.addi %mul3A_1610, %add3A_1656 : i32
      %get3A_1658 = arith.index_cast %add3A_1657 : i32 to index
      %get3A_1659 = tpu.vector_load %arg4[%get3A_1658] {strides = array<i32>} : memref<4096xi32, #tpu.memory_space<vmem>>, vector<16xi32>,
      %get3A_1660 = vector.shape_cast %get3A_1659 : vector<16xi32> to vector<16xi32>
      %gt3A_1661 = arith.cmpi sgt, %get3A_1660, %broadcast_in_dim3A_10 : vector<16xi32>
      %eq3A_1662 = arith.cmpi eq, %get3A_1660, %broadcast_in_dim3A_10 : vector<16xi32>
      %add3A_1663 = vector.broadcast %add3A_1657 : i32 to vector<16xi32>
      %add3A_1664 = arith.addi %iota3A, %add3A_1663 : vector<16xi32>
      %le3A_1665 = arith.cmpi sle, %add3A_1664, %broadcast_in_dim3A_15 : vector<16xi32>
      %and3A_1666 = arith.andi %eq3A_1662, %le3A_1665 : vector<16xi1>
      %or3A_1667 = arith.ori %gt3A_1661, %and3A_1666 : vector<16xi1>
      %select_n3A_1668 = arith.select %or3A_1667, %broadcast_in_dim3A_17, %broadcast_in_dim3A_19 : vector<16xi1>, vector<16xf32>
      %swap3A_1669 = arith.index_cast %add3A_1657 : i32 to index
      %swap3A_1670 = tpu.vector_load %arg5[%swap3A_1669] {strides = array<i32>} : memref<4096xf32, #tpu.memory_space<vmem>>, vector<16xf32>,
      %swap3A_1671 = vector.shape_cast %swap3A_1670 : vector<16xf32> to vector<16xf32>
      %swap3A_1672 = vector.shape_cast %select_n3A_1668 : vector<16xf32> to vector<16xf32>
      tpu.vector_store %arg5[%swap3A_1669], %swap3A_1672 {strides = array<i32>} : memref<4096xf32, #tpu.memory_space<vmem>>, vector<16xf32>,
      %add3A_1673 = arith.constant 64 : i32
      %add3A_1674 = arith.addi %mul3A_1610, %add3A_1673 : i32
      %get3A_1675 = arith.index_cast %add3A_1674 : i32 to index
      %get3A_1676 = tpu.vector_load %arg4[%get3A_1675] {strides = array<i32>} : memref<4096xi32, #tpu.memory_space<vmem>>, vector<16xi32>,
      %get3A_1677 = vector.shape_cast %get3A_1676 : vector<16xi32> to vector<16xi32>
      %gt3A_1678 = arith.cmpi sgt, %get3A_1677, %broadcast_in_dim3A_10 : vector<16xi32>
      %eq3A_1679 = arith.cmpi eq, %get3A_1677, %broadcast_in_dim3A_10 : vector<16xi32>
      %add3A_1680 = vector.broadcast %add3A_1674 : i32 to vector<16xi32>
      %add3A_1681 = arith.addi %iota3A, %add3A_1680 : vector<16xi32>
      %le3A_1682 = arith.cmpi sle, %add3A_1681, %broadcast_in_dim3A_15 : vector<16xi32>
      %and3A_1683 = arith.andi %eq3A_1679, %le3A_1682 : vector<16xi1>
      %or3A_1684 = arith.ori %gt3A_1678, %and3A_1683 : vector<16xi1>
      %select_n3A_1685 = arith.select %or3A_1684, %broadcast_in_dim3A_17, %broadcast_in_dim3A_19 : vector<16xi1>, vector<16xf32>
      %swap3A_1686 = arith.index_cast %add3A_1674 : i32 to index
      %swap3A_1687 = tpu.vector_load %arg5[%swap3A_1686] {strides = array<i32>} : memref<4096xf32, #tpu.memory_space<vmem>>, vector<16xf32>,
      %swap3A_1688 = vector.shape_cast %swap3A_1687 : vector<16xf32> to vector<16xf32>
      %swap3A_1689 = vector.shape_cast %select_n3A_1685 : vector<16xf32> to vector<16xf32>
      tpu.vector_store %arg5[%swap3A_1686], %swap3A_1689 {strides = array<i32>} : memref<4096xf32, #tpu.memory_space<vmem>>, vector<16xf32>,
      %add3A_1690 = arith.constant 80 : i32
      %add3A_1691 = arith.addi %mul3A_1610, %add3A_1690 : i32
      %get3A_1692 = arith.index_cast %add3A_1691 : i32 to index
      %get3A_1693 = tpu.vector_load %arg4[%get3A_1692] {strides = array<i32>} : memref<4096xi32, #tpu.memory_space<vmem>>, vector<16xi32>,
      %get3A_1694 = vector.shape_cast %get3A_1693 : vector<16xi32> to vector<16xi32>
      %gt3A_1695 = arith.cmpi sgt, %get3A_1694, %broadcast_in_dim3A_10 : vector<16xi32>
      %eq3A_1696 = arith.cmpi eq, %get3A_1694, %broadcast_in_dim3A_10 : vector<16xi32>
      %add3A_1697 = vector.broadcast %add3A_1691 : i32 to vector<16xi32>
      %add3A_1698 = arith.addi %iota3A, %add3A_1697 : vector<16xi32>
      %le3A_1699 = arith.cmpi sle, %add3A_1698, %broadcast_in_dim3A_15 : vector<16xi32>
      %and3A_1700 = arith.andi %eq3A_1696, %le3A_1699 : vector<16xi1>
      %or3A_1701 = arith.ori %gt3A_1695, %and3A_1700 : vector<16xi1>
      %select_n3A_1702 = arith.select %or3A_1701, %broadcast_in_dim3A_17, %broadcast_in_dim3A_19 : vector<16xi1>, vector<16xf32>
      %swap3A_1703 = arith.index_cast %add3A_1691 : i32 to index
      %swap3A_1704 = tpu.vector_load %arg5[%swap3A_1703] {strides = array<i32>} : memref<4096xf32, #tpu.memory_space<vmem>>, vector<16xf32>,
      %swap3A_1705 = vector.shape_cast %swap3A_1704 : vector<16xf32> to vector<16xf32>
      %swap3A_1706 = vector.shape_cast %select_n3A_1702 : vector<16xf32> to vector<16xf32>
      tpu.vector_store %arg5[%swap3A_1703], %swap3A_1706 {strides = array<i32>} : memref<4096xf32, #tpu.memory_space<vmem>>, vector<16xf32>,
      %add3A_1707 = arith.constant 96 : i32
      %add3A_1708 = arith.addi %mul3A_1610, %add3A_1707 : i32
      %get3A_1709 = arith.index_cast %add3A_1708 : i32 to index
      %get3A_1710 = tpu.vector_load %arg4[%get3A_1709] {strides = array<i32>} : memref<4096xi32, #tpu.memory_space<vmem>>, vector<16xi32>,
      %get3A_1711 = vector.shape_cast %get3A_1710 : vector<16xi32> to vector<16xi32>
      %gt3A_1712 = arith.cmpi sgt, %get3A_1711, %broadcast_in_dim3A_10 : vector<16xi32>
      %eq3A_1713 = arith.cmpi eq, %get3A_1711, %broadcast_in_dim3A_10 : vector<16xi32>
      %add3A_1714 = vector.broadcast %add3A_1708 : i32 to vector<16xi32>
      %add3A_1715 = arith.addi %iota3A, %add3A_1714 : vector<16xi32>
      %le3A_1716 = arith.cmpi sle, %add3A_1715, %broadcast_in_dim3A_15 : vector<16xi32>
      %and3A_1717 = arith.andi %eq3A_1713, %le3A_1716 : vector<16xi1>
      %or3A_1718 = arith.ori %gt3A_1712, %and3A_1717 : vector<16xi1>
      %select_n3A_1719 = arith.select %or3A_1718, %broadcast_in_dim3A_17, %broadcast_in_dim3A_19 : vector<16xi1>, vector<16xf32>
      %swap3A_1720 = arith.index_cast %add3A_1708 : i32 to index
      %swap3A_1721 = tpu.vector_load %arg5[%swap3A_1720] {strides = array<i32>} : memref<4096xf32, #tpu.memory_space<vmem>>, vector<16xf32>,
      %swap3A_1722 = vector.shape_cast %swap3A_1721 : vector<16xf32> to vector<16xf32>
      %swap3A_1723 = vector.shape_cast %select_n3A_1719 : vector<16xf32> to vector<16xf32>
      tpu.vector_store %arg5[%swap3A_1720], %swap3A_1723 {strides = array<i32>} : memref<4096xf32, #tpu.memory_space<vmem>>, vector<16xf32>,
      %add3A_1724 = arith.constant 112 : i32
      %add3A_1725 = arith.addi %mul3A_1610, %add3A_1724 : i32
      %get3A_1726 = arith.index_cast %add3A_1725 : i32 to index
      %get3A_1727 = tpu.vector_load %arg4[%get3A_1726] {strides = array<i32>} : memref<4096xi32, #tpu.memory_space<vmem>>, vector<16xi32>,
      %get3A_1728 = vector.shape_cast %get3A_1727 : vector<16xi32> to vector<16xi32>
      %gt3A_1729 = arith.cmpi sgt, %get3A_1728, %broadcast_in_dim3A_10 : vector<16xi32>
      %eq3A_1730 = arith.cmpi eq, %get3A_1728, %broadcast_in_dim3A_10 : vector<16xi32>
      %add3A_1731 = vector.broadcast %add3A_1725 : i32 to vector<16xi32>
      %add3A_1732 = arith.addi %iota3A, %add3A_1731 : vector<16xi32>
      %le3A_1733 = arith.cmpi sle, %add3A_1732, %broadcast_in_dim3A_15 : vector<16xi32>
      %and3A_1734 = arith.andi %eq3A_1730, %le3A_1733 : vector<16xi1>
      %or3A_1735 = arith.ori %gt3A_1729, %and3A_1734 : vector<16xi1>
      %select_n3A_1736 = arith.select %or3A_1735, %broadcast_in_dim3A_17, %broadcast_in_dim3A_19 : vector<16xi1>, vector<16xf32>
      %swap3A_1737 = arith.index_cast %add3A_1725 : i32 to index
      %swap3A_1738 = tpu.vector_load %arg5[%swap3A_1737] {strides = array<i32>} : memref<4096xf32, #tpu.memory_space<vmem>>, vector<16xf32>,
      %swap3A_1739 = vector.shape_cast %swap3A_1738 : vector<16xf32> to vector<16xf32>
      %swap3A_1740 = vector.shape_cast %select_n3A_1736 : vector<16xf32> to vector<16xf32>
      tpu.vector_store %arg5[%swap3A_1737], %swap3A_1740 {strides = array<i32>} : memref<4096xf32, #tpu.memory_space<vmem>>, vector<16xf32>,
    }
    %scan3A_25 = arith.constant 32 : i32
    "tpu.region"() ({
      %run_scoped3A = tpu.sem_alloc : memref<!tpu.dma_semaphore, #tpu.memory_space<semaphore_mem>>
      %dma_start3A = arith.constant 0 : i32
      %dma_start3A_1608 = tpu.memref_slice %arg7[%arg1, %dma_start3A] : memref<16x4096xf32, #tpu.memory_space<vmem_shared>> -> memref<1x4096xf32, #tpu.memory_space<vmem_shared>>
      %dma_start3A_1609 = tpu.memref_squeeze %dma_start3A_1608 : memref<1x4096xf32, #tpu.memory_space<vmem_shared>> -> memref<4096xf32, #tpu.memory_space<vmem_shared>>
      %dma_start3A_1610 = arith.constant 0 : i32
      %dma_start3A_1611 = tpu.memref_slice %arg7[%arg1, %dma_start3A_1610] : memref<16x4096xf32, #tpu.memory_space<vmem_shared>> -> memref<1x4096xf32, #tpu.memory_space<vmem_shared>>
      %dma_start3A_1612 = tpu.memref_squeeze %dma_start3A_1611 : memref<1x4096xf32, #tpu.memory_space<vmem_shared>> -> memref<4096xf32, #tpu.memory_space<vmem_shared>>
      tpu.enqueue_dma source(%arg5 : memref<4096xf32, #tpu.memory_space<vmem>>) target(%dma_start3A_1612 : memref<4096xf32, #tpu.memory_space<vmem_shared>>) target_semaphore(%run_scoped3A : memref<!tpu.dma_semaphore, #tpu.memory_space<semaphore_mem>>)
      %dma_wait3A = arith.constant 0 : i32
      %dma_wait3A_1613 = tpu.memref_slice %arg7[%arg1, %dma_wait3A] : memref<16x4096xf32, #tpu.memory_space<vmem_shared>> -> memref<1x4096xf32, #tpu.memory_space<vmem_shared>>
      %dma_wait3A_1614 = tpu.memref_squeeze %dma_wait3A_1613 : memref<1x4096xf32, #tpu.memory_space<vmem_shared>> -> memref<4096xf32, #tpu.memory_space<vmem_shared>>
      %dma_wait3A_1615 = arith.constant 0 : i32
      %dma_wait3A_1616 = tpu.memref_slice %arg7[%arg1, %dma_wait3A_1615] : memref<16x4096xf32, #tpu.memory_space<vmem_shared>> -> memref<1x4096xf32, #tpu.memory_space<vmem_shared>>
      %dma_wait3A_1617 = tpu.memref_squeeze %dma_wait3A_1616 : memref<1x4096xf32, #tpu.memory_space<vmem_shared>> -> memref<4096xf32, #tpu.memory_space<vmem_shared>>
      tpu.wait_dma2 semaphore(%run_scoped3A : memref<!tpu.dma_semaphore, #tpu.memory_space<semaphore_mem>>) src(%arg5 : memref<4096xf32, #tpu.memory_space<vmem>>) dst(%dma_wait3A_1617 : memref<4096xf32, #tpu.memory_space<vmem_shared>>)
      tpu.yield
    }) : () -> ()
    %barrier3A = arith.constant 0 : index
    tpu.barrier barrier_id(%barrier3A)
    %mul3A = arith.constant 256 : i32
    %mul3A_26 = arith.muli %arg1, %mul3A : i32
    "tpu.region"() ({
      %run_scoped3A = tpu.sem_alloc : memref<!tpu.dma_semaphore, #tpu.memory_space<semaphore_mem>>
      %dma_start3A = arith.constant 0 : i32
      %dma_start3A_1608 = tpu.memref_slice %arg7[%dma_start3A, %mul3A_26] : memref<16x4096xf32, #tpu.memory_space<vmem_shared>> -> memref<16x256xf32, #tpu.memory_space<vmem_shared>>
      %dma_start3A_1609 = arith.constant 0 : i32
      %dma_start3A_1610 = tpu.memref_slice %arg7[%dma_start3A_1609, %mul3A_26] : memref<16x4096xf32, #tpu.memory_space<vmem_shared>> -> memref<16x256xf32, #tpu.memory_space<vmem_shared>>
      tpu.enqueue_dma source(%dma_start3A_1610 : memref<16x256xf32, #tpu.memory_space<vmem_shared>>) target(%arg6 : memref<16x256xf32, #tpu.memory_space<vmem>>) target_semaphore(%run_scoped3A : memref<!tpu.dma_semaphore, #tpu.memory_space<semaphore_mem>>)
      %dma_wait3A = arith.constant 0 : i32
      %dma_wait3A_1611 = tpu.memref_slice %arg7[%dma_wait3A, %mul3A_26] : memref<16x4096xf32, #tpu.memory_space<vmem_shared>> -> memref<16x256xf32, #tpu.memory_space<vmem_shared>>
      %dma_wait3A_1612 = arith.constant 0 : i32
      %dma_wait3A_1613 = tpu.memref_slice %arg7[%dma_wait3A_1612, %mul3A_26] : memref<16x4096xf32, #tpu.memory_space<vmem_shared>> -> memref<16x256xf32, #tpu.memory_space<vmem_shared>>
      tpu.wait_dma2 semaphore(%run_scoped3A : memref<!tpu.dma_semaphore, #tpu.memory_space<semaphore_mem>>) src(%dma_wait3A_1613 : memref<16x256xf32, #tpu.memory_space<vmem_shared>>) dst(%arg6 : memref<16x256xf32, #tpu.memory_space<vmem>>)
      tpu.yield
    }) : () -> ()
    %get3A = arith.constant 0 : i32
    %get3A_27 = arith.index_cast %get3A : i32 to index
    %get3A_28 = arith.constant 0 : index
    %get3A_29 = tpu.vector_load %arg6[%get3A_27, %get3A_28] {strides = array<i32>} : memref<16x256xf32, #tpu.memory_space<vmem>>, vector<1x16xf32>,
    %get3A_30 = vector.shape_cast %get3A_29 : vector<1x16xf32> to vector<16xf32>
    %get3A_31 = arith.constant 1 : i32
    %get3A_32 = arith.index_cast %get3A_31 : i32 to index
    %get3A_33 = arith.constant 0 : index
    %get3A_34 = tpu.vector_load %arg6[%get3A_32, %get3A_33] {strides = array<i32>} : memref<16x256xf32, #tpu.memory_space<vmem>>, vector<1x16xf32>,
    %get3A_35 = vector.shape_cast %get3A_34 : vector<1x16xf32> to vector<16xf32>
    %max3A = arith.maximumf %get3A_30, %get3A_35 : vector<16xf32>
    %get3A_36 = arith.constant 2 : i32
    %get3A_37 = arith.index_cast %get3A_36 : i32 to index
    %get3A_38 = arith.constant 0 : index
    %get3A_39 = tpu.vector_load %arg6[%get3A_37, %get3A_38] {strides = array<i32>} : memref<16x256xf32, #tpu.memory_space<vmem>>, vector<1x16xf32>,
    %get3A_40 = vector.shape_cast %get3A_39 : vector<1x16xf32> to vector<16xf32>
    %max3A_41 = arith.maximumf %max3A, %get3A_40 : vector<16xf32>
    %get3A_42 = arith.constant 3 : i32
    %get3A_43 = arith.index_cast %get3A_42 : i32 to index
    %get3A_44 = arith.constant 0 : index
    %get3A_45 = tpu.vector_load %arg6[%get3A_43, %get3A_44] {strides = array<i32>} : memref<16x256xf32, #tpu.memory_space<vmem>>, vector<1x16xf32>,
    %get3A_46 = vector.shape_cast %get3A_45 : vector<1x16xf32> to vector<16xf32>
    %max3A_47 = arith.maximumf %max3A_41, %get3A_46 : vector<16xf32>
    %get3A_48 = arith.constant 4 : i32
    %get3A_49 = arith.index_cast %get3A_48 : i32 to index
    %get3A_50 = arith.constant 0 : index
    %get3A_51 = tpu.vector_load %arg6[%get3A_49, %get3A_50] {strides = array<i32>} : memref<16x256xf32, #tpu.memory_space<vmem>>, vector<1x16xf32>,
    %get3A_52 = vector.shape_cast %get3A_51 : vector<1x16xf32> to vector<16xf32>
    %max3A_53 = arith.maximumf %max3A_47, %get3A_52 : vector<16xf32>
    %get3A_54 = arith.constant 5 : i32
    %get3A_55 = arith.index_cast %get3A_54 : i32 to index
    %get3A_56 = arith.constant 0 : index
    %get3A_57 = tpu.vector_load %arg6[%get3A_55, %get3A_56] {strides = array<i32>} : memref<16x256xf32, #tpu.memory_space<vmem>>, vector<1x16xf32>,
    %get3A_58 = vector.shape_cast %get3A_57 : vector<1x16xf32> to vector<16xf32>
    %max3A_59 = arith.maximumf %max3A_53, %get3A_58 : vector<16xf32>
    %get3A_60 = arith.constant 6 : i32
    %get3A_61 = arith.index_cast %get3A_60 : i32 to index
    %get3A_62 = arith.constant 0 : index
    %get3A_63 = tpu.vector_load %arg6[%get3A_61, %get3A_62] {strides = array<i32>} : memref<16x256xf32, #tpu.memory_space<vmem>>, vector<1x16xf32>,
    %get3A_64 = vector.shape_cast %get3A_63 : vector<1x16xf32> to vector<16xf32>
    %max3A_65 = arith.maximumf %max3A_59, %get3A_64 : vector<16xf32>
    %get3A_66 = arith.constant 7 : i32
    %get3A_67 = arith.index_cast %get3A_66 : i32 to index
    %get3A_68 = arith.constant 0 : index
    %get3A_69 = tpu.vector_load %arg6[%get3A_67, %get3A_68] {strides = array<i32>} : memref<16x256xf32, #tpu.memory_space<vmem>>, vector<1x16xf32>,
    %get3A_70 = vector.shape_cast %get3A_69 : vector<1x16xf32> to vector<16xf32>
    %max3A_71 = arith.maximumf %max3A_65, %get3A_70 : vector<16xf32>
    %get3A_72 = arith.constant 8 : i32
    %get3A_73 = arith.index_cast %get3A_72 : i32 to index
    %get3A_74 = arith.constant 0 : index
    %get3A_75 = tpu.vector_load %arg6[%get3A_73, %get3A_74] {strides = array<i32>} : memref<16x256xf32, #tpu.memory_space<vmem>>, vector<1x16xf32>,
    %get3A_76 = vector.shape_cast %get3A_75 : vector<1x16xf32> to vector<16xf32>
    %max3A_77 = arith.maximumf %max3A_71, %get3A_76 : vector<16xf32>
    %get3A_78 = arith.constant 9 : i32
    %get3A_79 = arith.index_cast %get3A_78 : i32 to index
    %get3A_80 = arith.constant 0 : index
    %get3A_81 = tpu.vector_load %arg6[%get3A_79, %get3A_80] {strides = array<i32>} : memref<16x256xf32, #tpu.memory_space<vmem>>, vector<1x16xf32>,
    %get3A_82 = vector.shape_cast %get3A_81 : vector<1x16xf32> to vector<16xf32>
    %max3A_83 = arith.maximumf %max3A_77, %get3A_82 : vector<16xf32>
    %get3A_84 = arith.constant 10 : i32
    %get3A_85 = arith.index_cast %get3A_84 : i32 to index
    %get3A_86 = arith.constant 0 : index
    %get3A_87 = tpu.vector_load %arg6[%get3A_85, %get3A_86] {strides = array<i32>} : memref<16x256xf32, #tpu.memory_space<vmem>>, vector<1x16xf32>,
    %get3A_88 = vector.shape_cast %get3A_87 : vector<1x16xf32> to vector<16xf32>
    %max3A_89 = arith.maximumf %max3A_83, %get3A_88 : vector<16xf32>
    %get3A_90 = arith.constant 11 : i32
    %get3A_91 = arith.index_cast %get3A_90 : i32 to index
    %get3A_92 = arith.constant 0 : index
    %get3A_93 = tpu.vector_load %arg6[%get3A_91, %get3A_92] {strides = array<i32>} : memref<16x256xf32, #tpu.memory_space<vmem>>, vector<1x16xf32>,
    %get3A_94 = vector.shape_cast %get3A_93 : vector<1x16xf32> to vector<16xf32>
    %max3A_95 = arith.maximumf %max3A_89, %get3A_94 : vector<16xf32>
    %get3A_96 = arith.constant 12 : i32
    %get3A_97 = arith.index_cast %get3A_96 : i32 to index
    %get3A_98 = arith.constant 0 : index
    %get3A_99 = tpu.vector_load %arg6[%get3A_97, %get3A_98] {strides = array<i32>} : memref<16x256xf32, #tpu.memory_space<vmem>>, vector<1x16xf32>,
    %get3A_100 = vector.shape_cast %get3A_99 : vector<1x16xf32> to vector<16xf32>
    %max3A_101 = arith.maximumf %max3A_95, %get3A_100 : vector<16xf32>
    %get3A_102 = arith.constant 13 : i32
    %get3A_103 = arith.index_cast %get3A_102 : i32 to index
    %get3A_104 = arith.constant 0 : index
    %get3A_105 = tpu.vector_load %arg6[%get3A_103, %get3A_104] {strides = array<i32>} : memref<16x256xf32, #tpu.memory_space<vmem>>, vector<1x16xf32>,
    %get3A_106 = vector.shape_cast %get3A_105 : vector<1x16xf32> to vector<16xf32>
    %max3A_107 = arith.maximumf %max3A_101, %get3A_106 : vector<16xf32>
    %get3A_108 = arith.constant 14 : i32
    %get3A_109 = arith.index_cast %get3A_108 : i32 to index
    %get3A_110 = arith.constant 0 : index
    %get3A_111 = tpu.vector_load %arg6[%get3A_109, %get3A_110] {strides = array<i32>} : memref<16x256xf32, #tpu.memory_space<vmem>>, vector<1x16xf32>,
    %get3A_112 = vector.shape_cast %get3A_111 : vector<1x16xf32> to vector<16xf32>
    %max3A_113 = arith.maximumf %max3A_107, %get3A_112 : vector<16xf32>
    %get3A_114 = arith.constant 15 : i32
    %get3A_115 = arith.index_cast %get3A_114 : i32 to index
    %get3A_116 = arith.constant 0 : index
    %get3A_117 = tpu.vector_load %arg6[%get3A_115, %get3A_116] {strides = array<i32>} : memref<16x256xf32, #tpu.memory_space<vmem>>, vector<1x16xf32>,
    %get3A_118 = vector.shape_cast %get3A_117 : vector<1x16xf32> to vector<16xf32>
    %max3A_119 = arith.maximumf %max3A_113, %get3A_118 : vector<16xf32>
    %swap3A = arith.constant 0 : index
    %swap3A_120 = tpu.vector_load %arg5[%swap3A] {strides = array<i32>} : memref<4096xf32, #tpu.memory_space<vmem>>, vector<16xf32>,
    %swap3A_121 = vector.shape_cast %swap3A_120 : vector<16xf32> to vector<16xf32>
    %swap3A_122 = vector.shape_cast %max3A_119 : vector<16xf32> to vector<16xf32>
    tpu.vector_store %arg5[%swap3A], %swap3A_122 {strides = array<i32>} : memref<4096xf32, #tpu.memory_space<vmem>>, vector<16xf32>,
    %get3A_123 = arith.constant 0 : i32
    %get3A_124 = arith.index_cast %get3A_123 : i32 to index
    %get3A_125 = arith.constant 16 : index
    %get3A_126 = tpu.vector_load %arg6[%get3A_124, %get3A_125] {strides = array<i32>} : memref<16x256xf32, #tpu.memory_space<vmem>>, vector<1x16xf32>,
    %get3A_127 = vector.shape_cast %get3A_126 : vector<1x16xf32> to vector<16xf32>
    %get3A_128 = arith.constant 1 : i32
    %get3A_129 = arith.index_cast %get3A_128 : i32 to index
    %get3A_130 = arith.constant 16 : index
    %get3A_131 = tpu.vector_load %arg6[%get3A_129, %get3A_130] {strides = array<i32>} : memref<16x256xf32, #tpu.memory_space<vmem>>, vector<1x16xf32>,
    %get3A_132 = vector.shape_cast %get3A_131 : vector<1x16xf32> to vector<16xf32>
    %max3A_133 = arith.maximumf %get3A_127, %get3A_132 : vector<16xf32>
    %get3A_134 = arith.constant 2 : i32
    %get3A_135 = arith.index_cast %get3A_134 : i32 to index
    %get3A_136 = arith.constant 16 : index
    %get3A_137 = tpu.vector_load %arg6[%get3A_135, %get3A_136] {strides = array<i32>} : memref<16x256xf32, #tpu.memory_space<vmem>>, vector<1x16xf32>,
    %get3A_138 = vector.shape_cast %get3A_137 : vector<1x16xf32> to vector<16xf32>
    %max3A_139 = arith.maximumf %max3A_133, %get3A_138 : vector<16xf32>
    %get3A_140 = arith.constant 3 : i32
    %get3A_141 = arith.index_cast %get3A_140 : i32 to index
    %get3A_142 = arith.constant 16 : index
    %get3A_143 = tpu.vector_load %arg6[%get3A_141, %get3A_142] {strides = array<i32>} : memref<16x256xf32, #tpu.memory_space<vmem>>, vector<1x16xf32>,
    %get3A_144 = vector.shape_cast %get3A_143 : vector<1x16xf32> to vector<16xf32>
    %max3A_145 = arith.maximumf %max3A_139, %get3A_144 : vector<16xf32>
    %get3A_146 = arith.constant 4 : i32
    %get3A_147 = arith.index_cast %get3A_146 : i32 to index
    %get3A_148 = arith.constant 16 : index
    %get3A_149 = tpu.vector_load %arg6[%get3A_147, %get3A_148] {strides = array<i32>} : memref<16x256xf32, #tpu.memory_space<vmem>>, vector<1x16xf32>,
    %get3A_150 = vector.shape_cast %get3A_149 : vector<1x16xf32> to vector<16xf32>
    %max3A_151 = arith.maximumf %max3A_145, %get3A_150 : vector<16xf32>
    %get3A_152 = arith.constant 5 : i32
    %get3A_153 = arith.index_cast %get3A_152 : i32 to index
    %get3A_154 = arith.constant 16 : index
    %get3A_155 = tpu.vector_load %arg6[%get3A_153, %get3A_154] {strides = array<i32>} : memref<16x256xf32, #tpu.memory_space<vmem>>, vector<1x16xf32>,
    %get3A_156 = vector.shape_cast %get3A_155 : vector<1x16xf32> to vector<16xf32>
    %max3A_157 = arith.maximumf %max3A_151, %get3A_156 : vector<16xf32>
    %get3A_158 = arith.constant 6 : i32
    %get3A_159 = arith.index_cast %get3A_158 : i32 to index
    %get3A_160 = arith.constant 16 : index
    %get3A_161 = tpu.vector_load %arg6[%get3A_159, %get3A_160] {strides = array<i32>} : memref<16x256xf32, #tpu.memory_space<vmem>>, vector<1x16xf32>,
    %get3A_162 = vector.shape_cast %get3A_161 : vector<1x16xf32> to vector<16xf32>
    %max3A_163 = arith.maximumf %max3A_157, %get3A_162 : vector<16xf32>
    %get3A_164 = arith.constant 7 : i32
    %get3A_165 = arith.index_cast %get3A_164 : i32 to index
    %get3A_166 = arith.constant 16 : index
    %get3A_167 = tpu.vector_load %arg6[%get3A_165, %get3A_166] {strides = array<i32>} : memref<16x256xf32, #tpu.memory_space<vmem>>, vector<1x16xf32>,
    %get3A_168 = vector.shape_cast %get3A_167 : vector<1x16xf32> to vector<16xf32>
    %max3A_169 = arith.maximumf %max3A_163, %get3A_168 : vector<16xf32>
    %get3A_170 = arith.constant 8 : i32
    %get3A_171 = arith.index_cast %get3A_170 : i32 to index
    %get3A_172 = arith.constant 16 : index
    %get3A_173 = tpu.vector_load %arg6[%get3A_171, %get3A_172] {strides = array<i32>} : memref<16x256xf32, #tpu.memory_space<vmem>>, vector<1x16xf32>,
    %get3A_174 = vector.shape_cast %get3A_173 : vector<1x16xf32> to vector<16xf32>
    %max3A_175 = arith.maximumf %max3A_169, %get3A_174 : vector<16xf32>
    %get3A_176 = arith.constant 9 : i32
    %get3A_177 = arith.index_cast %get3A_176 : i32 to index
    %get3A_178 = arith.constant 16 : index
    %get3A_179 = tpu.vector_load %arg6[%get3A_177, %get3A_178] {strides = array<i32>} : memref<16x256xf32, #tpu.memory_space<vmem>>, vector<1x16xf32>,
    %get3A_180 = vector.shape_cast %get3A_179 : vector<1x16xf32> to vector<16xf32>
    %max3A_181 = arith.maximumf %max3A_175, %get3A_180 : vector<16xf32>
    %get3A_182 = arith.constant 10 : i32
    %get3A_183 = arith.index_cast %get3A_182 : i32 to index
    %get3A_184 = arith.constant 16 : index
    %get3A_185 = tpu.vector_load %arg6[%get3A_183, %get3A_184] {strides = array<i32>} : memref<16x256xf32, #tpu.memory_space<vmem>>, vector<1x16xf32>,
    %get3A_186 = vector.shape_cast %get3A_185 : vector<1x16xf32> to vector<16xf32>
    %max3A_187 = arith.maximumf %max3A_181, %get3A_186 : vector<16xf32>
    %get3A_188 = arith.constant 11 : i32
    %get3A_189 = arith.index_cast %get3A_188 : i32 to index
    %get3A_190 = arith.constant 16 : index
    %get3A_191 = tpu.vector_load %arg6[%get3A_189, %get3A_190] {strides = array<i32>} : memref<16x256xf32, #tpu.memory_space<vmem>>, vector<1x16xf32>,
    %get3A_192 = vector.shape_cast %get3A_191 : vector<1x16xf32> to vector<16xf32>
    %max3A_193 = arith.maximumf %max3A_187, %get3A_192 : vector<16xf32>
    %get3A_194 = arith.constant 12 : i32
    %get3A_195 = arith.index_cast %get3A_194 : i32 to index
    %get3A_196 = arith.constant 16 : index
    %get3A_197 = tpu.vector_load %arg6[%get3A_195, %get3A_196] {strides = array<i32>} : memref<16x256xf32, #tpu.memory_space<vmem>>, vector<1x16xf32>,
    %get3A_198 = vector.shape_cast %get3A_197 : vector<1x16xf32> to vector<16xf32>
    %max3A_199 = arith.maximumf %max3A_193, %get3A_198 : vector<16xf32>
    %get3A_200 = arith.constant 13 : i32
    %get3A_201 = arith.index_cast %get3A_200 : i32 to index
    %get3A_202 = arith.constant 16 : index
    %get3A_203 = tpu.vector_load %arg6[%get3A_201, %get3A_202] {strides = array<i32>} : memref<16x256xf32, #tpu.memory_space<vmem>>, vector<1x16xf32>,
    %get3A_204 = vector.shape_cast %get3A_203 : vector<1x16xf32> to vector<16xf32>
    %max3A_205 = arith.maximumf %max3A_199, %get3A_204 : vector<16xf32>
    %get3A_206 = arith.constant 14 : i32
    %get3A_207 = arith.index_cast %get3A_206 : i32 to index
    %get3A_208 = arith.constant 16 : index
    %get3A_209 = tpu.vector_load %arg6[%get3A_207, %get3A_208] {strides = array<i32>} : memref<16x256xf32, #tpu.memory_space<vmem>>, vector<1x16xf32>,
    %get3A_210 = vector.shape_cast %get3A_209 : vector<1x16xf32> to vector<16xf32>
    %max3A_211 = arith.maximumf %max3A_205, %get3A_210 : vector<16xf32>
    %get3A_212 = arith.constant 15 : i32
    %get3A_213 = arith.index_cast %get3A_212 : i32 to index
    %get3A_214 = arith.constant 16 : index
    %get3A_215 = tpu.vector_load %arg6[%get3A_213, %get3A_214] {strides = array<i32>} : memref<16x256xf32, #tpu.memory_space<vmem>>, vector<1x16xf32>,
    %get3A_216 = vector.shape_cast %get3A_215 : vector<1x16xf32> to vector<16xf32>
    %max3A_217 = arith.maximumf %max3A_211, %get3A_216 : vector<16xf32>
    %swap3A_218 = arith.constant 16 : index
    %swap3A_219 = tpu.vector_load %arg5[%swap3A_218] {strides = array<i32>} : memref<4096xf32, #tpu.memory_space<vmem>>, vector<16xf32>,
    %swap3A_220 = vector.shape_cast %swap3A_219 : vector<16xf32> to vector<16xf32>
    %swap3A_221 = vector.shape_cast %max3A_217 : vector<16xf32> to vector<16xf32>
    tpu.vector_store %arg5[%swap3A_218], %swap3A_221 {strides = array<i32>} : memref<4096xf32, #tpu.memory_space<vmem>>, vector<16xf32>,
    %get3A_222 = arith.constant 0 : i32
    %get3A_223 = arith.index_cast %get3A_222 : i32 to index
    %get3A_224 = arith.constant 32 : index
    %get3A_225 = tpu.vector_load %arg6[%get3A_223, %get3A_224] {strides = array<i32>} : memref<16x256xf32, #tpu.memory_space<vmem>>, vector<1x16xf32>,
    %get3A_226 = vector.shape_cast %get3A_225 : vector<1x16xf32> to vector<16xf32>
    %get3A_227 = arith.constant 1 : i32
    %get3A_228 = arith.index_cast %get3A_227 : i32 to index
    %get3A_229 = arith.constant 32 : index
    %get3A_230 = tpu.vector_load %arg6[%get3A_228, %get3A_229] {strides = array<i32>} : memref<16x256xf32, #tpu.memory_space<vmem>>, vector<1x16xf32>,
    %get3A_231 = vector.shape_cast %get3A_230 : vector<1x16xf32> to vector<16xf32>
    %max3A_232 = arith.maximumf %get3A_226, %get3A_231 : vector<16xf32>
    %get3A_233 = arith.constant 2 : i32
    %get3A_234 = arith.index_cast %get3A_233 : i32 to index
    %get3A_235 = arith.constant 32 : index
    %get3A_236 = tpu.vector_load %arg6[%get3A_234, %get3A_235] {strides = array<i32>} : memref<16x256xf32, #tpu.memory_space<vmem>>, vector<1x16xf32>,
    %get3A_237 = vector.shape_cast %get3A_236 : vector<1x16xf32> to vector<16xf32>
    %max3A_238 = arith.maximumf %max3A_232, %get3A_237 : vector<16xf32>
    %get3A_239 = arith.constant 3 : i32
    %get3A_240 = arith.index_cast %get3A_239 : i32 to index
    %get3A_241 = arith.constant 32 : index
    %get3A_242 = tpu.vector_load %arg6[%get3A_240, %get3A_241] {strides = array<i32>} : memref<16x256xf32, #tpu.memory_space<vmem>>, vector<1x16xf32>,
    %get3A_243 = vector.shape_cast %get3A_242 : vector<1x16xf32> to vector<16xf32>
    %max3A_244 = arith.maximumf %max3A_238, %get3A_243 : vector<16xf32>
    %get3A_245 = arith.constant 4 : i32
    %get3A_246 = arith.index_cast %get3A_245 : i32 to index
    %get3A_247 = arith.constant 32 : index
    %get3A_248 = tpu.vector_load %arg6[%get3A_246, %get3A_247] {strides = array<i32>} : memref<16x256xf32, #tpu.memory_space<vmem>>, vector<1x16xf32>,
    %get3A_249 = vector.shape_cast %get3A_248 : vector<1x16xf32> to vector<16xf32>
    %max3A_250 = arith.maximumf %max3A_244, %get3A_249 : vector<16xf32>
    %get3A_251 = arith.constant 5 : i32
    %get3A_252 = arith.index_cast %get3A_251 : i32 to index
    %get3A_253 = arith.constant 32 : index
    %get3A_254 = tpu.vector_load %arg6[%get3A_252, %get3A_253] {strides = array<i32>} : memref<16x256xf32, #tpu.memory_space<vmem>>, vector<1x16xf32>,
    %get3A_255 = vector.shape_cast %get3A_254 : vector<1x16xf32> to vector<16xf32>
    %max3A_256 = arith.maximumf %max3A_250, %get3A_255 : vector<16xf32>
    %get3A_257 = arith.constant 6 : i32
    %get3A_258 = arith.index_cast %get3A_257 : i32 to index
    %get3A_259 = arith.constant 32 : index
    %get3A_260 = tpu.vector_load %arg6[%get3A_258, %get3A_259] {strides = array<i32>} : memref<16x256xf32, #tpu.memory_space<vmem>>, vector<1x16xf32>,
    %get3A_261 = vector.shape_cast %get3A_260 : vector<1x16xf32> to vector<16xf32>
    %max3A_262 = arith.maximumf %max3A_256, %get3A_261 : vector<16xf32>
    %get3A_263 = arith.constant 7 : i32
    %get3A_264 = arith.index_cast %get3A_263 : i32 to index
    %get3A_265 = arith.constant 32 : index
    %get3A_266 = tpu.vector_load %arg6[%get3A_264, %get3A_265] {strides = array<i32>} : memref<16x256xf32, #tpu.memory_space<vmem>>, vector<1x16xf32>,
    %get3A_267 = vector.shape_cast %get3A_266 : vector<1x16xf32> to vector<16xf32>
    %max3A_268 = arith.maximumf %max3A_262, %get3A_267 : vector<16xf32>
    %get3A_269 = arith.constant 8 : i32
    %get3A_270 = arith.index_cast %get3A_269 : i32 to index
    %get3A_271 = arith.constant 32 : index
    %get3A_272 = tpu.vector_load %arg6[%get3A_270, %get3A_271] {strides = array<i32>} : memref<16x256xf32, #tpu.memory_space<vmem>>, vector<1x16xf32>,
    %get3A_273 = vector.shape_cast %get3A_272 : vector<1x16xf32> to vector<16xf32>
    %max3A_274 = arith.maximumf %max3A_268, %get3A_273 : vector<16xf32>
    %get3A_275 = arith.constant 9 : i32
    %get3A_276 = arith.index_cast %get3A_275 : i32 to index
    %get3A_277 = arith.constant 32 : index
    %get3A_278 = tpu.vector_load %arg6[%get3A_276, %get3A_277] {strides = array<i32>} : memref<16x256xf32, #tpu.memory_space<vmem>>, vector<1x16xf32>,
    %get3A_279 = vector.shape_cast %get3A_278 : vector<1x16xf32> to vector<16xf32>
    %max3A_280 = arith.maximumf %max3A_274, %get3A_279 : vector<16xf32>
    %get3A_281 = arith.constant 10 : i32
    %get3A_282 = arith.index_cast %get3A_281 : i32 to index
    %get3A_283 = arith.constant 32 : index
    %get3A_284 = tpu.vector_load %arg6[%get3A_282, %get3A_283] {strides = array<i32>} : memref<16x256xf32, #tpu.memory_space<vmem>>, vector<1x16xf32>,
    %get3A_285 = vector.shape_cast %get3A_284 : vector<1x16xf32> to vector<16xf32>
    %max3A_286 = arith.maximumf %max3A_280, %get3A_285 : vector<16xf32>
    %get3A_287 = arith.constant 11 : i32
    %get3A_288 = arith.index_cast %get3A_287 : i32 to index
    %get3A_289 = arith.constant 32 : index
    %get3A_290 = tpu.vector_load %arg6[%get3A_288, %get3A_289] {strides = array<i32>} : memref<16x256xf32, #tpu.memory_space<vmem>>, vector<1x16xf32>,
    %get3A_291 = vector.shape_cast %get3A_290 : vector<1x16xf32> to vector<16xf32>
    %max3A_292 = arith.maximumf %max3A_286, %get3A_291 : vector<16xf32>
    %get3A_293 = arith.constant 12 : i32
    %get3A_294 = arith.index_cast %get3A_293 : i32 to index
    %get3A_295 = arith.constant 32 : index
    %get3A_296 = tpu.vector_load %arg6[%get3A_294, %get3A_295] {strides = array<i32>} : memref<16x256xf32, #tpu.memory_space<vmem>>, vector<1x16xf32>,
    %get3A_297 = vector.shape_cast %get3A_296 : vector<1x16xf32> to vector<16xf32>
    %max3A_298 = arith.maximumf %max3A_292, %get3A_297 : vector<16xf32>
    %get3A_299 = arith.constant 13 : i32
    %get3A_300 = arith.index_cast %get3A_299 : i32 to index
    %get3A_301 = arith.constant 32 : index
    %get3A_302 = tpu.vector_load %arg6[%get3A_300, %get3A_301] {strides = array<i32>} : memref<16x256xf32, #tpu.memory_space<vmem>>, vector<1x16xf32>,
    %get3A_303 = vector.shape_cast %get3A_302 : vector<1x16xf32> to vector<16xf32>
    %max3A_304 = arith.maximumf %max3A_298, %get3A_303 : vector<16xf32>
    %get3A_305 = arith.constant 14 : i32
    %get3A_306 = arith.index_cast %get3A_305 : i32 to index
    %get3A_307 = arith.constant 32 : index
    %get3A_308 = tpu.vector_load %arg6[%get3A_306, %get3A_307] {strides = array<i32>} : memref<16x256xf32, #tpu.memory_space<vmem>>, vector<1x16xf32>,
    %get3A_309 = vector.shape_cast %get3A_308 : vector<1x16xf32> to vector<16xf32>
    %max3A_310 = arith.maximumf %max3A_304, %get3A_309 : vector<16xf32>
    %get3A_311 = arith.constant 15 : i32
    %get3A_312 = arith.index_cast %get3A_311 : i32 to index
    %get3A_313 = arith.constant 32 : index
    %get3A_314 = tpu.vector_load %arg6[%get3A_312, %get3A_313] {strides = array<i32>} : memref<16x256xf32, #tpu.memory_space<vmem>>, vector<1x16xf32>,
    %get3A_315 = vector.shape_cast %get3A_314 : vector<1x16xf32> to vector<16xf32>
    %max3A_316 = arith.maximumf %max3A_310, %get3A_315 : vector<16xf32>
    %swap3A_317 = arith.constant 32 : index
    %swap3A_318 = tpu.vector_load %arg5[%swap3A_317] {strides = array<i32>} : memref<4096xf32, #tpu.memory_space<vmem>>, vector<16xf32>,
    %swap3A_319 = vector.shape_cast %swap3A_318 : vector<16xf32> to vector<16xf32>
    %swap3A_320 = vector.shape_cast %max3A_316 : vector<16xf32> to vector<16xf32>
    tpu.vector_store %arg5[%swap3A_317], %swap3A_320 {strides = array<i32>} : memref<4096xf32, #tpu.memory_space<vmem>>, vector<16xf32>,
    %get3A_321 = arith.constant 0 : i32
    %get3A_322 = arith.index_cast %get3A_321 : i32 to index
    %get3A_323 = arith.constant 48 : index
    %get3A_324 = tpu.vector_load %arg6[%get3A_322, %get3A_323] {strides = array<i32>} : memref<16x256xf32, #tpu.memory_space<vmem>>, vector<1x16xf32>,
    %get3A_325 = vector.shape_cast %get3A_324 : vector<1x16xf32> to vector<16xf32>
    %get3A_326 = arith.constant 1 : i32
    %get3A_327 = arith.index_cast %get3A_326 : i32 to index
    %get3A_328 = arith.constant 48 : index
    %get3A_329 = tpu.vector_load %arg6[%get3A_327, %get3A_328] {strides = array<i32>} : memref<16x256xf32, #tpu.memory_space<vmem>>, vector<1x16xf32>,
    %get3A_330 = vector.shape_cast %get3A_329 : vector<1x16xf32> to vector<16xf32>
    %max3A_331 = arith.maximumf %get3A_325, %get3A_330 : vector<16xf32>
    %get3A_332 = arith.constant 2 : i32
    %get3A_333 = arith.index_cast %get3A_332 : i32 to index
    %get3A_334 = arith.constant 48 : index
    %get3A_335 = tpu.vector_load %arg6[%get3A_333, %get3A_334] {strides = array<i32>} : memref<16x256xf32, #tpu.memory_space<vmem>>, vector<1x16xf32>,
    %get3A_336 = vector.shape_cast %get3A_335 : vector<1x16xf32> to vector<16xf32>
    %max3A_337 = arith.maximumf %max3A_331, %get3A_336 : vector<16xf32>
    %get3A_338 = arith.constant 3 : i32
    %get3A_339 = arith.index_cast %get3A_338 : i32 to index
    %get3A_340 = arith.constant 48 : index
    %get3A_341 = tpu.vector_load %arg6[%get3A_339, %get3A_340] {strides = array<i32>} : memref<16x256xf32, #tpu.memory_space<vmem>>, vector<1x16xf32>,
    %get3A_342 = vector.shape_cast %get3A_341 : vector<1x16xf32> to vector<16xf32>
    %max3A_343 = arith.maximumf %max3A_337, %get3A_342 : vector<16xf32>
    %get3A_344 = arith.constant 4 : i32
    %get3A_345 = arith.index_cast %get3A_344 : i32 to index
    %get3A_346 = arith.constant 48 : index
    %get3A_347 = tpu.vector_load %arg6[%get3A_345, %get3A_346] {strides = array<i32>} : memref<16x256xf32, #tpu.memory_space<vmem>>, vector<1x16xf32>,
    %get3A_348 = vector.shape_cast %get3A_347 : vector<1x16xf32> to vector<16xf32>
    %max3A_349 = arith.maximumf %max3A_343, %get3A_348 : vector<16xf32>
    %get3A_350 = arith.constant 5 : i32
    %get3A_351 = arith.index_cast %get3A_350 : i32 to index
    %get3A_352 = arith.constant 48 : index
    %get3A_353 = tpu.vector_load %arg6[%get3A_351, %get3A_352] {strides = array<i32>} : memref<16x256xf32, #tpu.memory_space<vmem>>, vector<1x16xf32>,
    %get3A_354 = vector.shape_cast %get3A_353 : vector<1x16xf32> to vector<16xf32>
    %max3A_355 = arith.maximumf %max3A_349, %get3A_354 : vector<16xf32>
    %get3A_356 = arith.constant 6 : i32
    %get3A_357 = arith.index_cast %get3A_356 : i32 to index
    %get3A_358 = arith.constant 48 : index
    %get3A_359 = tpu.vector_load %arg6[%get3A_357, %get3A_358] {strides = array<i32>} : memref<16x256xf32, #tpu.memory_space<vmem>>, vector<1x16xf32>,
    %get3A_360 = vector.shape_cast %get3A_359 : vector<1x16xf32> to vector<16xf32>
    %max3A_361 = arith.maximumf %max3A_355, %get3A_360 : vector<16xf32>
    %get3A_362 = arith.constant 7 : i32
    %get3A_363 = arith.index_cast %get3A_362 : i32 to index
    %get3A_364 = arith.constant 48 : index
    %get3A_365 = tpu.vector_load %arg6[%get3A_363, %get3A_364] {strides = array<i32>} : memref<16x256xf32, #tpu.memory_space<vmem>>, vector<1x16xf32>,
    %get3A_366 = vector.shape_cast %get3A_365 : vector<1x16xf32> to vector<16xf32>
    %max3A_367 = arith.maximumf %max3A_361, %get3A_366 : vector<16xf32>
    %get3A_368 = arith.constant 8 : i32
    %get3A_369 = arith.index_cast %get3A_368 : i32 to index
    %get3A_370 = arith.constant 48 : index
    %get3A_371 = tpu.vector_load %arg6[%get3A_369, %get3A_370] {strides = array<i32>} : memref<16x256xf32, #tpu.memory_space<vmem>>, vector<1x16xf32>,
    %get3A_372 = vector.shape_cast %get3A_371 : vector<1x16xf32> to vector<16xf32>
    %max3A_373 = arith.maximumf %max3A_367, %get3A_372 : vector<16xf32>
    %get3A_374 = arith.constant 9 : i32
    %get3A_375 = arith.index_cast %get3A_374 : i32 to index
    %get3A_376 = arith.constant 48 : index
    %get3A_377 = tpu.vector_load %arg6[%get3A_375, %get3A_376] {strides = array<i32>} : memref<16x256xf32, #tpu.memory_space<vmem>>, vector<1x16xf32>,
    %get3A_378 = vector.shape_cast %get3A_377 : vector<1x16xf32> to vector<16xf32>
    %max3A_379 = arith.maximumf %max3A_373, %get3A_378 : vector<16xf32>
    %get3A_380 = arith.constant 10 : i32
    %get3A_381 = arith.index_cast %get3A_380 : i32 to index
    %get3A_382 = arith.constant 48 : index
    %get3A_383 = tpu.vector_load %arg6[%get3A_381, %get3A_382] {strides = array<i32>} : memref<16x256xf32, #tpu.memory_space<vmem>>, vector<1x16xf32>,
    %get3A_384 = vector.shape_cast %get3A_383 : vector<1x16xf32> to vector<16xf32>
    %max3A_385 = arith.maximumf %max3A_379, %get3A_384 : vector<16xf32>
    %get3A_386 = arith.constant 11 : i32
    %get3A_387 = arith.index_cast %get3A_386 : i32 to index
    %get3A_388 = arith.constant 48 : index
    %get3A_389 = tpu.vector_load %arg6[%get3A_387, %get3A_388] {strides = array<i32>} : memref<16x256xf32, #tpu.memory_space<vmem>>, vector<1x16xf32>,
    %get3A_390 = vector.shape_cast %get3A_389 : vector<1x16xf32> to vector<16xf32>
    %max3A_391 = arith.maximumf %max3A_385, %get3A_390 : vector<16xf32>
    %get3A_392 = arith.constant 12 : i32
    %get3A_393 = arith.index_cast %get3A_392 : i32 to index
    %get3A_394 = arith.constant 48 : index
    %get3A_395 = tpu.vector_load %arg6[%get3A_393, %get3A_394] {strides = array<i32>} : memref<16x256xf32, #tpu.memory_space<vmem>>, vector<1x16xf32>,
    %get3A_396 = vector.shape_cast %get3A_395 : vector<1x16xf32> to vector<16xf32>
    %max3A_397 = arith.maximumf %max3A_391, %get3A_396 : vector<16xf32>
    %get3A_398 = arith.constant 13 : i32
    %get3A_399 = arith.index_cast %get3A_398 : i32 to index
    %get3A_400 = arith.constant 48 : index
    %get3A_401 = tpu.vector_load %arg6[%get3A_399, %get3A_400] {strides = array<i32>} : memref<16x256xf32, #tpu.memory_space<vmem>>, vector<1x16xf32>,
    %get3A_402 = vector.shape_cast %get3A_401 : vector<1x16xf32> to vector<16xf32>
    %max3A_403 = arith.maximumf %max3A_397, %get3A_402 : vector<16xf32>
    %get3A_404 = arith.constant 14 : i32
    %get3A_405 = arith.index_cast %get3A_404 : i32 to index
    %get3A_406 = arith.constant 48 : index
    %get3A_407 = tpu.vector_load %arg6[%get3A_405, %get3A_406] {strides = array<i32>} : memref<16x256xf32, #tpu.memory_space<vmem>>, vector<1x16xf32>,
    %get3A_408 = vector.shape_cast %get3A_407 : vector<1x16xf32> to vector<16xf32>
    %max3A_409 = arith.maximumf %max3A_403, %get3A_408 : vector<16xf32>
    %get3A_410 = arith.constant 15 : i32
    %get3A_411 = arith.index_cast %get3A_410 : i32 to index
    %get3A_412 = arith.constant 48 : index
    %get3A_413 = tpu.vector_load %arg6[%get3A_411, %get3A_412] {strides = array<i32>} : memref<16x256xf32, #tpu.memory_space<vmem>>, vector<1x16xf32>,
    %get3A_414 = vector.shape_cast %get3A_413 : vector<1x16xf32> to vector<16xf32>
    %max3A_415 = arith.maximumf %max3A_409, %get3A_414 : vector<16xf32>
    %swap3A_416 = arith.constant 48 : index
    %swap3A_417 = tpu.vector_load %arg5[%swap3A_416] {strides = array<i32>} : memref<4096xf32, #tpu.memory_space<vmem>>, vector<16xf32>,
    %swap3A_418 = vector.shape_cast %swap3A_417 : vector<16xf32> to vector<16xf32>
    %swap3A_419 = vector.shape_cast %max3A_415 : vector<16xf32> to vector<16xf32>
    tpu.vector_store %arg5[%swap3A_416], %swap3A_419 {strides = array<i32>} : memref<4096xf32, #tpu.memory_space<vmem>>, vector<16xf32>,
    %get3A_420 = arith.constant 0 : i32
    %get3A_421 = arith.index_cast %get3A_420 : i32 to index
    %get3A_422 = arith.constant 64 : index
    %get3A_423 = tpu.vector_load %arg6[%get3A_421, %get3A_422] {strides = array<i32>} : memref<16x256xf32, #tpu.memory_space<vmem>>, vector<1x16xf32>,
    %get3A_424 = vector.shape_cast %get3A_423 : vector<1x16xf32> to vector<16xf32>
    %get3A_425 = arith.constant 1 : i32
    %get3A_426 = arith.index_cast %get3A_425 : i32 to index
    %get3A_427 = arith.constant 64 : index
    %get3A_428 = tpu.vector_load %arg6[%get3A_426, %get3A_427] {strides = array<i32>} : memref<16x256xf32, #tpu.memory_space<vmem>>, vector<1x16xf32>,
    %get3A_429 = vector.shape_cast %get3A_428 : vector<1x16xf32> to vector<16xf32>
    %max3A_430 = arith.maximumf %get3A_424, %get3A_429 : vector<16xf32>
    %get3A_431 = arith.constant 2 : i32
    %get3A_432 = arith.index_cast %get3A_431 : i32 to index
    %get3A_433 = arith.constant 64 : index
    %get3A_434 = tpu.vector_load %arg6[%get3A_432, %get3A_433] {strides = array<i32>} : memref<16x256xf32, #tpu.memory_space<vmem>>, vector<1x16xf32>,
    %get3A_435 = vector.shape_cast %get3A_434 : vector<1x16xf32> to vector<16xf32>
    %max3A_436 = arith.maximumf %max3A_430, %get3A_435 : vector<16xf32>
    %get3A_437 = arith.constant 3 : i32
    %get3A_438 = arith.index_cast %get3A_437 : i32 to index
    %get3A_439 = arith.constant 64 : index
    %get3A_440 = tpu.vector_load %arg6[%get3A_438, %get3A_439] {strides = array<i32>} : memref<16x256xf32, #tpu.memory_space<vmem>>, vector<1x16xf32>,
    %get3A_441 = vector.shape_cast %get3A_440 : vector<1x16xf32> to vector<16xf32>
    %max3A_442 = arith.maximumf %max3A_436, %get3A_441 : vector<16xf32>
    %get3A_443 = arith.constant 4 : i32
    %get3A_444 = arith.index_cast %get3A_443 : i32 to index
    %get3A_445 = arith.constant 64 : index
    %get3A_446 = tpu.vector_load %arg6[%get3A_444, %get3A_445] {strides = array<i32>} : memref<16x256xf32, #tpu.memory_space<vmem>>, vector<1x16xf32>,
    %get3A_447 = vector.shape_cast %get3A_446 : vector<1x16xf32> to vector<16xf32>
    %max3A_448 = arith.maximumf %max3A_442, %get3A_447 : vector<16xf32>
    %get3A_449 = arith.constant 5 : i32
    %get3A_450 = arith.index_cast %get3A_449 : i32 to index
    %get3A_451 = arith.constant 64 : index
    %get3A_452 = tpu.vector_load %arg6[%get3A_450, %get3A_451] {strides = array<i32>} : memref<16x256xf32, #tpu.memory_space<vmem>>, vector<1x16xf32>,
    %get3A_453 = vector.shape_cast %get3A_452 : vector<1x16xf32> to vector<16xf32>
    %max3A_454 = arith.maximumf %max3A_448, %get3A_453 : vector<16xf32>
    %get3A_455 = arith.constant 6 : i32
    %get3A_456 = arith.index_cast %get3A_455 : i32 to index
    %get3A_457 = arith.constant 64 : index
    %get3A_458 = tpu.vector_load %arg6[%get3A_456, %get3A_457] {strides = array<i32>} : memref<16x256xf32, #tpu.memory_space<vmem>>, vector<1x16xf32>,
    %get3A_459 = vector.shape_cast %get3A_458 : vector<1x16xf32> to vector<16xf32>
    %max3A_460 = arith.maximumf %max3A_454, %get3A_459 : vector<16xf32>
    %get3A_461 = arith.constant 7 : i32
    %get3A_462 = arith.index_cast %get3A_461 : i32 to index
    %get3A_463 = arith.constant 64 : index
    %get3A_464 = tpu.vector_load %arg6[%get3A_462, %get3A_463] {strides = array<i32>} : memref<16x256xf32, #tpu.memory_space<vmem>>, vector<1x16xf32>,
    %get3A_465 = vector.shape_cast %get3A_464 : vector<1x16xf32> to vector<16xf32>
    %max3A_466 = arith.maximumf %max3A_460, %get3A_465 : vector<16xf32>
    %get3A_467 = arith.constant 8 : i32
    %get3A_468 = arith.index_cast %get3A_467 : i32 to index
    %get3A_469 = arith.constant 64 : index
    %get3A_470 = tpu.vector_load %arg6[%get3A_468, %get3A_469] {strides = array<i32>} : memref<16x256xf32, #tpu.memory_space<vmem>>, vector<1x16xf32>,
    %get3A_471 = vector.shape_cast %get3A_470 : vector<1x16xf32> to vector<16xf32>
    %max3A_472 = arith.maximumf %max3A_466, %get3A_471 : vector<16xf32>
    %get3A_473 = arith.constant 9 : i32
    %get3A_474 = arith.index_cast %get3A_473 : i32 to index
    %get3A_475 = arith.constant 64 : index
    %get3A_476 = tpu.vector_load %arg6[%get3A_474, %get3A_475] {strides = array<i32>} : memref<16x256xf32, #tpu.memory_space<vmem>>, vector<1x16xf32>,
    %get3A_477 = vector.shape_cast %get3A_476 : vector<1x16xf32> to vector<16xf32>
    %max3A_478 = arith.maximumf %max3A_472, %get3A_477 : vector<16xf32>
    %get3A_479 = arith.constant 10 : i32
    %get3A_480 = arith.index_cast %get3A_479 : i32 to index
    %get3A_481 = arith.constant 64 : index
    %get3A_482 = tpu.vector_load %arg6[%get3A_480, %get3A_481] {strides = array<i32>} : memref<16x256xf32, #tpu.memory_space<vmem>>, vector<1x16xf32>,
    %get3A_483 = vector.shape_cast %get3A_482 : vector<1x16xf32> to vector<16xf32>
    %max3A_484 = arith.maximumf %max3A_478, %get3A_483 : vector<16xf32>
    %get3A_485 = arith.constant 11 : i32
    %get3A_486 = arith.index_cast %get3A_485 : i32 to index
    %get3A_487 = arith.constant 64 : index
    %get3A_488 = tpu.vector_load %arg6[%get3A_486, %get3A_487] {strides = array<i32>} : memref<16x256xf32, #tpu.memory_space<vmem>>, vector<1x16xf32>,
    %get3A_489 = vector.shape_cast %get3A_488 : vector<1x16xf32> to vector<16xf32>
    %max3A_490 = arith.maximumf %max3A_484, %get3A_489 : vector<16xf32>
    %get3A_491 = arith.constant 12 : i32
    %get3A_492 = arith.index_cast %get3A_491 : i32 to index
    %get3A_493 = arith.constant 64 : index
    %get3A_494 = tpu.vector_load %arg6[%get3A_492, %get3A_493] {strides = array<i32>} : memref<16x256xf32, #tpu.memory_space<vmem>>, vector<1x16xf32>,
    %get3A_495 = vector.shape_cast %get3A_494 : vector<1x16xf32> to vector<16xf32>
    %max3A_496 = arith.maximumf %max3A_490, %get3A_495 : vector<16xf32>
    %get3A_497 = arith.constant 13 : i32
    %get3A_498 = arith.index_cast %get3A_497 : i32 to index
    %get3A_499 = arith.constant 64 : index
    %get3A_500 = tpu.vector_load %arg6[%get3A_498, %get3A_499] {strides = array<i32>} : memref<16x256xf32, #tpu.memory_space<vmem>>, vector<1x16xf32>,
    %get3A_501 = vector.shape_cast %get3A_500 : vector<1x16xf32> to vector<16xf32>
    %max3A_502 = arith.maximumf %max3A_496, %get3A_501 : vector<16xf32>
    %get3A_503 = arith.constant 14 : i32
    %get3A_504 = arith.index_cast %get3A_503 : i32 to index
    %get3A_505 = arith.constant 64 : index
    %get3A_506 = tpu.vector_load %arg6[%get3A_504, %get3A_505] {strides = array<i32>} : memref<16x256xf32, #tpu.memory_space<vmem>>, vector<1x16xf32>,
    %get3A_507 = vector.shape_cast %get3A_506 : vector<1x16xf32> to vector<16xf32>
    %max3A_508 = arith.maximumf %max3A_502, %get3A_507 : vector<16xf32>
    %get3A_509 = arith.constant 15 : i32
    %get3A_510 = arith.index_cast %get3A_509 : i32 to index
    %get3A_511 = arith.constant 64 : index
    %get3A_512 = tpu.vector_load %arg6[%get3A_510, %get3A_511] {strides = array<i32>} : memref<16x256xf32, #tpu.memory_space<vmem>>, vector<1x16xf32>,
    %get3A_513 = vector.shape_cast %get3A_512 : vector<1x16xf32> to vector<16xf32>
    %max3A_514 = arith.maximumf %max3A_508, %get3A_513 : vector<16xf32>
    %swap3A_515 = arith.constant 64 : index
    %swap3A_516 = tpu.vector_load %arg5[%swap3A_515] {strides = array<i32>} : memref<4096xf32, #tpu.memory_space<vmem>>, vector<16xf32>,
    %swap3A_517 = vector.shape_cast %swap3A_516 : vector<16xf32> to vector<16xf32>
    %swap3A_518 = vector.shape_cast %max3A_514 : vector<16xf32> to vector<16xf32>
    tpu.vector_store %arg5[%swap3A_515], %swap3A_518 {strides = array<i32>} : memref<4096xf32, #tpu.memory_space<vmem>>, vector<16xf32>,
    %get3A_519 = arith.constant 0 : i32
    %get3A_520 = arith.index_cast %get3A_519 : i32 to index
    %get3A_521 = arith.constant 80 : index
    %get3A_522 = tpu.vector_load %arg6[%get3A_520, %get3A_521] {strides = array<i32>} : memref<16x256xf32, #tpu.memory_space<vmem>>, vector<1x16xf32>,
    %get3A_523 = vector.shape_cast %get3A_522 : vector<1x16xf32> to vector<16xf32>
    %get3A_524 = arith.constant 1 : i32
    %get3A_525 = arith.index_cast %get3A_524 : i32 to index
    %get3A_526 = arith.constant 80 : index
    %get3A_527 = tpu.vector_load %arg6[%get3A_525, %get3A_526] {strides = array<i32>} : memref<16x256xf32, #tpu.memory_space<vmem>>, vector<1x16xf32>,
    %get3A_528 = vector.shape_cast %get3A_527 : vector<1x16xf32> to vector<16xf32>
    %max3A_529 = arith.maximumf %get3A_523, %get3A_528 : vector<16xf32>
    %get3A_530 = arith.constant 2 : i32
    %get3A_531 = arith.index_cast %get3A_530 : i32 to index
    %get3A_532 = arith.constant 80 : index
    %get3A_533 = tpu.vector_load %arg6[%get3A_531, %get3A_532] {strides = array<i32>} : memref<16x256xf32, #tpu.memory_space<vmem>>, vector<1x16xf32>,
    %get3A_534 = vector.shape_cast %get3A_533 : vector<1x16xf32> to vector<16xf32>
    %max3A_535 = arith.maximumf %max3A_529, %get3A_534 : vector<16xf32>
    %get3A_536 = arith.constant 3 : i32
    %get3A_537 = arith.index_cast %get3A_536 : i32 to index
    %get3A_538 = arith.constant 80 : index
    %get3A_539 = tpu.vector_load %arg6[%get3A_537, %get3A_538] {strides = array<i32>} : memref<16x256xf32, #tpu.memory_space<vmem>>, vector<1x16xf32>,
    %get3A_540 = vector.shape_cast %get3A_539 : vector<1x16xf32> to vector<16xf32>
    %max3A_541 = arith.maximumf %max3A_535, %get3A_540 : vector<16xf32>
    %get3A_542 = arith.constant 4 : i32
    %get3A_543 = arith.index_cast %get3A_542 : i32 to index
    %get3A_544 = arith.constant 80 : index
    %get3A_545 = tpu.vector_load %arg6[%get3A_543, %get3A_544] {strides = array<i32>} : memref<16x256xf32, #tpu.memory_space<vmem>>, vector<1x16xf32>,
    %get3A_546 = vector.shape_cast %get3A_545 : vector<1x16xf32> to vector<16xf32>
    %max3A_547 = arith.maximumf %max3A_541, %get3A_546 : vector<16xf32>
    %get3A_548 = arith.constant 5 : i32
    %get3A_549 = arith.index_cast %get3A_548 : i32 to index
    %get3A_550 = arith.constant 80 : index
    %get3A_551 = tpu.vector_load %arg6[%get3A_549, %get3A_550] {strides = array<i32>} : memref<16x256xf32, #tpu.memory_space<vmem>>, vector<1x16xf32>,
    %get3A_552 = vector.shape_cast %get3A_551 : vector<1x16xf32> to vector<16xf32>
    %max3A_553 = arith.maximumf %max3A_547, %get3A_552 : vector<16xf32>
    %get3A_554 = arith.constant 6 : i32
    %get3A_555 = arith.index_cast %get3A_554 : i32 to index
    %get3A_556 = arith.constant 80 : index
    %get3A_557 = tpu.vector_load %arg6[%get3A_555, %get3A_556] {strides = array<i32>} : memref<16x256xf32, #tpu.memory_space<vmem>>, vector<1x16xf32>,
    %get3A_558 = vector.shape_cast %get3A_557 : vector<1x16xf32> to vector<16xf32>
    %max3A_559 = arith.maximumf %max3A_553, %get3A_558 : vector<16xf32>
    %get3A_560 = arith.constant 7 : i32
    %get3A_561 = arith.index_cast %get3A_560 : i32 to index
    %get3A_562 = arith.constant 80 : index
    %get3A_563 = tpu.vector_load %arg6[%get3A_561, %get3A_562] {strides = array<i32>} : memref<16x256xf32, #tpu.memory_space<vmem>>, vector<1x16xf32>,
    %get3A_564 = vector.shape_cast %get3A_563 : vector<1x16xf32> to vector<16xf32>
    %max3A_565 = arith.maximumf %max3A_559, %get3A_564 : vector<16xf32>
    %get3A_566 = arith.constant 8 : i32
    %get3A_567 = arith.index_cast %get3A_566 : i32 to index
    %get3A_568 = arith.constant 80 : index
    %get3A_569 = tpu.vector_load %arg6[%get3A_567, %get3A_568] {strides = array<i32>} : memref<16x256xf32, #tpu.memory_space<vmem>>, vector<1x16xf32>,
    %get3A_570 = vector.shape_cast %get3A_569 : vector<1x16xf32> to vector<16xf32>
    %max3A_571 = arith.maximumf %max3A_565, %get3A_570 : vector<16xf32>
    %get3A_572 = arith.constant 9 : i32
    %get3A_573 = arith.index_cast %get3A_572 : i32 to index
    %get3A_574 = arith.constant 80 : index
    %get3A_575 = tpu.vector_load %arg6[%get3A_573, %get3A_574] {strides = array<i32>} : memref<16x256xf32, #tpu.memory_space<vmem>>, vector<1x16xf32>,
    %get3A_576 = vector.shape_cast %get3A_575 : vector<1x16xf32> to vector<16xf32>
    %max3A_577 = arith.maximumf %max3A_571, %get3A_576 : vector<16xf32>
    %get3A_578 = arith.constant 10 : i32
    %get3A_579 = arith.index_cast %get3A_578 : i32 to index
    %get3A_580 = arith.constant 80 : index
    %get3A_581 = tpu.vector_load %arg6[%get3A_579, %get3A_580] {strides = array<i32>} : memref<16x256xf32, #tpu.memory_space<vmem>>, vector<1x16xf32>,
    %get3A_582 = vector.shape_cast %get3A_581 : vector<1x16xf32> to vector<16xf32>
    %max3A_583 = arith.maximumf %max3A_577, %get3A_582 : vector<16xf32>
    %get3A_584 = arith.constant 11 : i32
    %get3A_585 = arith.index_cast %get3A_584 : i32 to index
    %get3A_586 = arith.constant 80 : index
    %get3A_587 = tpu.vector_load %arg6[%get3A_585, %get3A_586] {strides = array<i32>} : memref<16x256xf32, #tpu.memory_space<vmem>>, vector<1x16xf32>,
    %get3A_588 = vector.shape_cast %get3A_587 : vector<1x16xf32> to vector<16xf32>
    %max3A_589 = arith.maximumf %max3A_583, %get3A_588 : vector<16xf32>
    %get3A_590 = arith.constant 12 : i32
    %get3A_591 = arith.index_cast %get3A_590 : i32 to index
    %get3A_592 = arith.constant 80 : index
    %get3A_593 = tpu.vector_load %arg6[%get3A_591, %get3A_592] {strides = array<i32>} : memref<16x256xf32, #tpu.memory_space<vmem>>, vector<1x16xf32>,
    %get3A_594 = vector.shape_cast %get3A_593 : vector<1x16xf32> to vector<16xf32>
    %max3A_595 = arith.maximumf %max3A_589, %get3A_594 : vector<16xf32>
    %get3A_596 = arith.constant 13 : i32
    %get3A_597 = arith.index_cast %get3A_596 : i32 to index
    %get3A_598 = arith.constant 80 : index
    %get3A_599 = tpu.vector_load %arg6[%get3A_597, %get3A_598] {strides = array<i32>} : memref<16x256xf32, #tpu.memory_space<vmem>>, vector<1x16xf32>,
    %get3A_600 = vector.shape_cast %get3A_599 : vector<1x16xf32> to vector<16xf32>
    %max3A_601 = arith.maximumf %max3A_595, %get3A_600 : vector<16xf32>
    %get3A_602 = arith.constant 14 : i32
    %get3A_603 = arith.index_cast %get3A_602 : i32 to index
    %get3A_604 = arith.constant 80 : index
    %get3A_605 = tpu.vector_load %arg6[%get3A_603, %get3A_604] {strides = array<i32>} : memref<16x256xf32, #tpu.memory_space<vmem>>, vector<1x16xf32>,
    %get3A_606 = vector.shape_cast %get3A_605 : vector<1x16xf32> to vector<16xf32>
    %max3A_607 = arith.maximumf %max3A_601, %get3A_606 : vector<16xf32>
    %get3A_608 = arith.constant 15 : i32
    %get3A_609 = arith.index_cast %get3A_608 : i32 to index
    %get3A_610 = arith.constant 80 : index
    %get3A_611 = tpu.vector_load %arg6[%get3A_609, %get3A_610] {strides = array<i32>} : memref<16x256xf32, #tpu.memory_space<vmem>>, vector<1x16xf32>,
    %get3A_612 = vector.shape_cast %get3A_611 : vector<1x16xf32> to vector<16xf32>
    %max3A_613 = arith.maximumf %max3A_607, %get3A_612 : vector<16xf32>
    %swap3A_614 = arith.constant 80 : index
    %swap3A_615 = tpu.vector_load %arg5[%swap3A_614] {strides = array<i32>} : memref<4096xf32, #tpu.memory_space<vmem>>, vector<16xf32>,
    %swap3A_616 = vector.shape_cast %swap3A_615 : vector<16xf32> to vector<16xf32>
    %swap3A_617 = vector.shape_cast %max3A_613 : vector<16xf32> to vector<16xf32>
    tpu.vector_store %arg5[%swap3A_614], %swap3A_617 {strides = array<i32>} : memref<4096xf32, #tpu.memory_space<vmem>>, vector<16xf32>,
    %get3A_618 = arith.constant 0 : i32
    %get3A_619 = arith.index_cast %get3A_618 : i32 to index
    %get3A_620 = arith.constant 96 : index
    %get3A_621 = tpu.vector_load %arg6[%get3A_619, %get3A_620] {strides = array<i32>} : memref<16x256xf32, #tpu.memory_space<vmem>>, vector<1x16xf32>,
    %get3A_622 = vector.shape_cast %get3A_621 : vector<1x16xf32> to vector<16xf32>
    %get3A_623 = arith.constant 1 : i32
    %get3A_624 = arith.index_cast %get3A_623 : i32 to index
    %get3A_625 = arith.constant 96 : index
    %get3A_626 = tpu.vector_load %arg6[%get3A_624, %get3A_625] {strides = array<i32>} : memref<16x256xf32, #tpu.memory_space<vmem>>, vector<1x16xf32>,
    %get3A_627 = vector.shape_cast %get3A_626 : vector<1x16xf32> to vector<16xf32>
    %max3A_628 = arith.maximumf %get3A_622, %get3A_627 : vector<16xf32>
    %get3A_629 = arith.constant 2 : i32
    %get3A_630 = arith.index_cast %get3A_629 : i32 to index
    %get3A_631 = arith.constant 96 : index
    %get3A_632 = tpu.vector_load %arg6[%get3A_630, %get3A_631] {strides = array<i32>} : memref<16x256xf32, #tpu.memory_space<vmem>>, vector<1x16xf32>,
    %get3A_633 = vector.shape_cast %get3A_632 : vector<1x16xf32> to vector<16xf32>
    %max3A_634 = arith.maximumf %max3A_628, %get3A_633 : vector<16xf32>
    %get3A_635 = arith.constant 3 : i32
    %get3A_636 = arith.index_cast %get3A_635 : i32 to index
    %get3A_637 = arith.constant 96 : index
    %get3A_638 = tpu.vector_load %arg6[%get3A_636, %get3A_637] {strides = array<i32>} : memref<16x256xf32, #tpu.memory_space<vmem>>, vector<1x16xf32>,
    %get3A_639 = vector.shape_cast %get3A_638 : vector<1x16xf32> to vector<16xf32>
    %max3A_640 = arith.maximumf %max3A_634, %get3A_639 : vector<16xf32>
    %get3A_641 = arith.constant 4 : i32
    %get3A_642 = arith.index_cast %get3A_641 : i32 to index
    %get3A_643 = arith.constant 96 : index
    %get3A_644 = tpu.vector_load %arg6[%get3A_642, %get3A_643] {strides = array<i32>} : memref<16x256xf32, #tpu.memory_space<vmem>>, vector<1x16xf32>,
    %get3A_645 = vector.shape_cast %get3A_644 : vector<1x16xf32> to vector<16xf32>
    %max3A_646 = arith.maximumf %max3A_640, %get3A_645 : vector<16xf32>
    %get3A_647 = arith.constant 5 : i32
    %get3A_648 = arith.index_cast %get3A_647 : i32 to index
    %get3A_649 = arith.constant 96 : index
    %get3A_650 = tpu.vector_load %arg6[%get3A_648, %get3A_649] {strides = array<i32>} : memref<16x256xf32, #tpu.memory_space<vmem>>, vector<1x16xf32>,
    %get3A_651 = vector.shape_cast %get3A_650 : vector<1x16xf32> to vector<16xf32>
    %max3A_652 = arith.maximumf %max3A_646, %get3A_651 : vector<16xf32>
    %get3A_653 = arith.constant 6 : i32
    %get3A_654 = arith.index_cast %get3A_653 : i32 to index
    %get3A_655 = arith.constant 96 : index
    %get3A_656 = tpu.vector_load %arg6[%get3A_654, %get3A_655] {strides = array<i32>} : memref<16x256xf32, #tpu.memory_space<vmem>>, vector<1x16xf32>,
    %get3A_657 = vector.shape_cast %get3A_656 : vector<1x16xf32> to vector<16xf32>
    %max3A_658 = arith.maximumf %max3A_652, %get3A_657 : vector<16xf32>
    %get3A_659 = arith.constant 7 : i32
    %get3A_660 = arith.index_cast %get3A_659 : i32 to index
    %get3A_661 = arith.constant 96 : index
    %get3A_662 = tpu.vector_load %arg6[%get3A_660, %get3A_661] {strides = array<i32>} : memref<16x256xf32, #tpu.memory_space<vmem>>, vector<1x16xf32>,
    %get3A_663 = vector.shape_cast %get3A_662 : vector<1x16xf32> to vector<16xf32>
    %max3A_664 = arith.maximumf %max3A_658, %get3A_663 : vector<16xf32>
    %get3A_665 = arith.constant 8 : i32
    %get3A_666 = arith.index_cast %get3A_665 : i32 to index
    %get3A_667 = arith.constant 96 : index
    %get3A_668 = tpu.vector_load %arg6[%get3A_666, %get3A_667] {strides = array<i32>} : memref<16x256xf32, #tpu.memory_space<vmem>>, vector<1x16xf32>,
    %get3A_669 = vector.shape_cast %get3A_668 : vector<1x16xf32> to vector<16xf32>
    %max3A_670 = arith.maximumf %max3A_664, %get3A_669 : vector<16xf32>
    %get3A_671 = arith.constant 9 : i32
    %get3A_672 = arith.index_cast %get3A_671 : i32 to index
    %get3A_673 = arith.constant 96 : index
    %get3A_674 = tpu.vector_load %arg6[%get3A_672, %get3A_673] {strides = array<i32>} : memref<16x256xf32, #tpu.memory_space<vmem>>, vector<1x16xf32>,
    %get3A_675 = vector.shape_cast %get3A_674 : vector<1x16xf32> to vector<16xf32>
    %max3A_676 = arith.maximumf %max3A_670, %get3A_675 : vector<16xf32>
    %get3A_677 = arith.constant 10 : i32
    %get3A_678 = arith.index_cast %get3A_677 : i32 to index
    %get3A_679 = arith.constant 96 : index
    %get3A_680 = tpu.vector_load %arg6[%get3A_678, %get3A_679] {strides = array<i32>} : memref<16x256xf32, #tpu.memory_space<vmem>>, vector<1x16xf32>,
    %get3A_681 = vector.shape_cast %get3A_680 : vector<1x16xf32> to vector<16xf32>
    %max3A_682 = arith.maximumf %max3A_676, %get3A_681 : vector<16xf32>
    %get3A_683 = arith.constant 11 : i32
    %get3A_684 = arith.index_cast %get3A_683 : i32 to index
    %get3A_685 = arith.constant 96 : index
    %get3A_686 = tpu.vector_load %arg6[%get3A_684, %get3A_685] {strides = array<i32>} : memref<16x256xf32, #tpu.memory_space<vmem>>, vector<1x16xf32>,
    %get3A_687 = vector.shape_cast %get3A_686 : vector<1x16xf32> to vector<16xf32>
    %max3A_688 = arith.maximumf %max3A_682, %get3A_687 : vector<16xf32>
    %get3A_689 = arith.constant 12 : i32
    %get3A_690 = arith.index_cast %get3A_689 : i32 to index
    %get3A_691 = arith.constant 96 : index
    %get3A_692 = tpu.vector_load %arg6[%get3A_690, %get3A_691] {strides = array<i32>} : memref<16x256xf32, #tpu.memory_space<vmem>>, vector<1x16xf32>,
    %get3A_693 = vector.shape_cast %get3A_692 : vector<1x16xf32> to vector<16xf32>
    %max3A_694 = arith.maximumf %max3A_688, %get3A_693 : vector<16xf32>
    %get3A_695 = arith.constant 13 : i32
    %get3A_696 = arith.index_cast %get3A_695 : i32 to index
    %get3A_697 = arith.constant 96 : index
    %get3A_698 = tpu.vector_load %arg6[%get3A_696, %get3A_697] {strides = array<i32>} : memref<16x256xf32, #tpu.memory_space<vmem>>, vector<1x16xf32>,
    %get3A_699 = vector.shape_cast %get3A_698 : vector<1x16xf32> to vector<16xf32>
    %max3A_700 = arith.maximumf %max3A_694, %get3A_699 : vector<16xf32>
    %get3A_701 = arith.constant 14 : i32
    %get3A_702 = arith.index_cast %get3A_701 : i32 to index
    %get3A_703 = arith.constant 96 : index
    %get3A_704 = tpu.vector_load %arg6[%get3A_702, %get3A_703] {strides = array<i32>} : memref<16x256xf32, #tpu.memory_space<vmem>>, vector<1x16xf32>,
    %get3A_705 = vector.shape_cast %get3A_704 : vector<1x16xf32> to vector<16xf32>
    %max3A_706 = arith.maximumf %max3A_700, %get3A_705 : vector<16xf32>
    %get3A_707 = arith.constant 15 : i32
    %get3A_708 = arith.index_cast %get3A_707 : i32 to index
    %get3A_709 = arith.constant 96 : index
    %get3A_710 = tpu.vector_load %arg6[%get3A_708, %get3A_709] {strides = array<i32>} : memref<16x256xf32, #tpu.memory_space<vmem>>, vector<1x16xf32>,
    %get3A_711 = vector.shape_cast %get3A_710 : vector<1x16xf32> to vector<16xf32>
    %max3A_712 = arith.maximumf %max3A_706, %get3A_711 : vector<16xf32>
    %swap3A_713 = arith.constant 96 : index
    %swap3A_714 = tpu.vector_load %arg5[%swap3A_713] {strides = array<i32>} : memref<4096xf32, #tpu.memory_space<vmem>>, vector<16xf32>,
    %swap3A_715 = vector.shape_cast %swap3A_714 : vector<16xf32> to vector<16xf32>
    %swap3A_716 = vector.shape_cast %max3A_712 : vector<16xf32> to vector<16xf32>
    tpu.vector_store %arg5[%swap3A_713], %swap3A_716 {strides = array<i32>} : memref<4096xf32, #tpu.memory_space<vmem>>, vector<16xf32>,
    %get3A_717 = arith.constant 0 : i32
    %get3A_718 = arith.index_cast %get3A_717 : i32 to index
    %get3A_719 = arith.constant 112 : index
    %get3A_720 = tpu.vector_load %arg6[%get3A_718, %get3A_719] {strides = array<i32>} : memref<16x256xf32, #tpu.memory_space<vmem>>, vector<1x16xf32>,
    %get3A_721 = vector.shape_cast %get3A_720 : vector<1x16xf32> to vector<16xf32>
    %get3A_722 = arith.constant 1 : i32
    %get3A_723 = arith.index_cast %get3A_722 : i32 to index
    %get3A_724 = arith.constant 112 : index
    %get3A_725 = tpu.vector_load %arg6[%get3A_723, %get3A_724] {strides = array<i32>} : memref<16x256xf32, #tpu.memory_space<vmem>>, vector<1x16xf32>,
    %get3A_726 = vector.shape_cast %get3A_725 : vector<1x16xf32> to vector<16xf32>
    %max3A_727 = arith.maximumf %get3A_721, %get3A_726 : vector<16xf32>
    %get3A_728 = arith.constant 2 : i32
    %get3A_729 = arith.index_cast %get3A_728 : i32 to index
    %get3A_730 = arith.constant 112 : index
    %get3A_731 = tpu.vector_load %arg6[%get3A_729, %get3A_730] {strides = array<i32>} : memref<16x256xf32, #tpu.memory_space<vmem>>, vector<1x16xf32>,
    %get3A_732 = vector.shape_cast %get3A_731 : vector<1x16xf32> to vector<16xf32>
    %max3A_733 = arith.maximumf %max3A_727, %get3A_732 : vector<16xf32>
    %get3A_734 = arith.constant 3 : i32
    %get3A_735 = arith.index_cast %get3A_734 : i32 to index
    %get3A_736 = arith.constant 112 : index
    %get3A_737 = tpu.vector_load %arg6[%get3A_735, %get3A_736] {strides = array<i32>} : memref<16x256xf32, #tpu.memory_space<vmem>>, vector<1x16xf32>,
    %get3A_738 = vector.shape_cast %get3A_737 : vector<1x16xf32> to vector<16xf32>
    %max3A_739 = arith.maximumf %max3A_733, %get3A_738 : vector<16xf32>
    %get3A_740 = arith.constant 4 : i32
    %get3A_741 = arith.index_cast %get3A_740 : i32 to index
    %get3A_742 = arith.constant 112 : index
    %get3A_743 = tpu.vector_load %arg6[%get3A_741, %get3A_742] {strides = array<i32>} : memref<16x256xf32, #tpu.memory_space<vmem>>, vector<1x16xf32>,
    %get3A_744 = vector.shape_cast %get3A_743 : vector<1x16xf32> to vector<16xf32>
    %max3A_745 = arith.maximumf %max3A_739, %get3A_744 : vector<16xf32>
    %get3A_746 = arith.constant 5 : i32
    %get3A_747 = arith.index_cast %get3A_746 : i32 to index
    %get3A_748 = arith.constant 112 : index
    %get3A_749 = tpu.vector_load %arg6[%get3A_747, %get3A_748] {strides = array<i32>} : memref<16x256xf32, #tpu.memory_space<vmem>>, vector<1x16xf32>,
    %get3A_750 = vector.shape_cast %get3A_749 : vector<1x16xf32> to vector<16xf32>
    %max3A_751 = arith.maximumf %max3A_745, %get3A_750 : vector<16xf32>
    %get3A_752 = arith.constant 6 : i32
    %get3A_753 = arith.index_cast %get3A_752 : i32 to index
    %get3A_754 = arith.constant 112 : index
    %get3A_755 = tpu.vector_load %arg6[%get3A_753, %get3A_754] {strides = array<i32>} : memref<16x256xf32, #tpu.memory_space<vmem>>, vector<1x16xf32>,
    %get3A_756 = vector.shape_cast %get3A_755 : vector<1x16xf32> to vector<16xf32>
    %max3A_757 = arith.maximumf %max3A_751, %get3A_756 : vector<16xf32>
    %get3A_758 = arith.constant 7 : i32
    %get3A_759 = arith.index_cast %get3A_758 : i32 to index
    %get3A_760 = arith.constant 112 : index
    %get3A_761 = tpu.vector_load %arg6[%get3A_759, %get3A_760] {strides = array<i32>} : memref<16x256xf32, #tpu.memory_space<vmem>>, vector<1x16xf32>,
    %get3A_762 = vector.shape_cast %get3A_761 : vector<1x16xf32> to vector<16xf32>
    %max3A_763 = arith.maximumf %max3A_757, %get3A_762 : vector<16xf32>
    %get3A_764 = arith.constant 8 : i32
    %get3A_765 = arith.index_cast %get3A_764 : i32 to index
    %get3A_766 = arith.constant 112 : index
    %get3A_767 = tpu.vector_load %arg6[%get3A_765, %get3A_766] {strides = array<i32>} : memref<16x256xf32, #tpu.memory_space<vmem>>, vector<1x16xf32>,
    %get3A_768 = vector.shape_cast %get3A_767 : vector<1x16xf32> to vector<16xf32>
    %max3A_769 = arith.maximumf %max3A_763, %get3A_768 : vector<16xf32>
    %get3A_770 = arith.constant 9 : i32
    %get3A_771 = arith.index_cast %get3A_770 : i32 to index
    %get3A_772 = arith.constant 112 : index
    %get3A_773 = tpu.vector_load %arg6[%get3A_771, %get3A_772] {strides = array<i32>} : memref<16x256xf32, #tpu.memory_space<vmem>>, vector<1x16xf32>,
    %get3A_774 = vector.shape_cast %get3A_773 : vector<1x16xf32> to vector<16xf32>
    %max3A_775 = arith.maximumf %max3A_769, %get3A_774 : vector<16xf32>
    %get3A_776 = arith.constant 10 : i32
    %get3A_777 = arith.index_cast %get3A_776 : i32 to index
    %get3A_778 = arith.constant 112 : index
    %get3A_779 = tpu.vector_load %arg6[%get3A_777, %get3A_778] {strides = array<i32>} : memref<16x256xf32, #tpu.memory_space<vmem>>, vector<1x16xf32>,
    %get3A_780 = vector.shape_cast %get3A_779 : vector<1x16xf32> to vector<16xf32>
    %max3A_781 = arith.maximumf %max3A_775, %get3A_780 : vector<16xf32>
    %get3A_782 = arith.constant 11 : i32
    %get3A_783 = arith.index_cast %get3A_782 : i32 to index
    %get3A_784 = arith.constant 112 : index
    %get3A_785 = tpu.vector_load %arg6[%get3A_783, %get3A_784] {strides = array<i32>} : memref<16x256xf32, #tpu.memory_space<vmem>>, vector<1x16xf32>,
    %get3A_786 = vector.shape_cast %get3A_785 : vector<1x16xf32> to vector<16xf32>
    %max3A_787 = arith.maximumf %max3A_781, %get3A_786 : vector<16xf32>
    %get3A_788 = arith.constant 12 : i32
    %get3A_789 = arith.index_cast %get3A_788 : i32 to index
    %get3A_790 = arith.constant 112 : index
    %get3A_791 = tpu.vector_load %arg6[%get3A_789, %get3A_790] {strides = array<i32>} : memref<16x256xf32, #tpu.memory_space<vmem>>, vector<1x16xf32>,
    %get3A_792 = vector.shape_cast %get3A_791 : vector<1x16xf32> to vector<16xf32>
    %max3A_793 = arith.maximumf %max3A_787, %get3A_792 : vector<16xf32>
    %get3A_794 = arith.constant 13 : i32
    %get3A_795 = arith.index_cast %get3A_794 : i32 to index
    %get3A_796 = arith.constant 112 : index
    %get3A_797 = tpu.vector_load %arg6[%get3A_795, %get3A_796] {strides = array<i32>} : memref<16x256xf32, #tpu.memory_space<vmem>>, vector<1x16xf32>,
    %get3A_798 = vector.shape_cast %get3A_797 : vector<1x16xf32> to vector<16xf32>
    %max3A_799 = arith.maximumf %max3A_793, %get3A_798 : vector<16xf32>
    %get3A_800 = arith.constant 14 : i32
    %get3A_801 = arith.index_cast %get3A_800 : i32 to index
    %get3A_802 = arith.constant 112 : index
    %get3A_803 = tpu.vector_load %arg6[%get3A_801, %get3A_802] {strides = array<i32>} : memref<16x256xf32, #tpu.memory_space<vmem>>, vector<1x16xf32>,
    %get3A_804 = vector.shape_cast %get3A_803 : vector<1x16xf32> to vector<16xf32>
    %max3A_805 = arith.maximumf %max3A_799, %get3A_804 : vector<16xf32>
    %get3A_806 = arith.constant 15 : i32
    %get3A_807 = arith.index_cast %get3A_806 : i32 to index
    %get3A_808 = arith.constant 112 : index
    %get3A_809 = tpu.vector_load %arg6[%get3A_807, %get3A_808] {strides = array<i32>} : memref<16x256xf32, #tpu.memory_space<vmem>>, vector<1x16xf32>,
    %get3A_810 = vector.shape_cast %get3A_809 : vector<1x16xf32> to vector<16xf32>
    %max3A_811 = arith.maximumf %max3A_805, %get3A_810 : vector<16xf32>
    %swap3A_812 = arith.constant 112 : index
    %swap3A_813 = tpu.vector_load %arg5[%swap3A_812] {strides = array<i32>} : memref<4096xf32, #tpu.memory_space<vmem>>, vector<16xf32>,
    %swap3A_814 = vector.shape_cast %swap3A_813 : vector<16xf32> to vector<16xf32>
    %swap3A_815 = vector.shape_cast %max3A_811 : vector<16xf32> to vector<16xf32>
    tpu.vector_store %arg5[%swap3A_812], %swap3A_815 {strides = array<i32>} : memref<4096xf32, #tpu.memory_space<vmem>>, vector<16xf32>,
    %get3A_816 = arith.constant 0 : i32
    %get3A_817 = arith.index_cast %get3A_816 : i32 to index
    %get3A_818 = arith.constant 128 : index
    %get3A_819 = tpu.vector_load %arg6[%get3A_817, %get3A_818] {strides = array<i32>} : memref<16x256xf32, #tpu.memory_space<vmem>>, vector<1x16xf32>,
    %get3A_820 = vector.shape_cast %get3A_819 : vector<1x16xf32> to vector<16xf32>
    %get3A_821 = arith.constant 1 : i32
    %get3A_822 = arith.index_cast %get3A_821 : i32 to index
    %get3A_823 = arith.constant 128 : index
    %get3A_824 = tpu.vector_load %arg6[%get3A_822, %get3A_823] {strides = array<i32>} : memref<16x256xf32, #tpu.memory_space<vmem>>, vector<1x16xf32>,
    %get3A_825 = vector.shape_cast %get3A_824 : vector<1x16xf32> to vector<16xf32>
    %max3A_826 = arith.maximumf %get3A_820, %get3A_825 : vector<16xf32>
    %get3A_827 = arith.constant 2 : i32
    %get3A_828 = arith.index_cast %get3A_827 : i32 to index
    %get3A_829 = arith.constant 128 : index
    %get3A_830 = tpu.vector_load %arg6[%get3A_828, %get3A_829] {strides = array<i32>} : memref<16x256xf32, #tpu.memory_space<vmem>>, vector<1x16xf32>,
    %get3A_831 = vector.shape_cast %get3A_830 : vector<1x16xf32> to vector<16xf32>
    %max3A_832 = arith.maximumf %max3A_826, %get3A_831 : vector<16xf32>
    %get3A_833 = arith.constant 3 : i32
    %get3A_834 = arith.index_cast %get3A_833 : i32 to index
    %get3A_835 = arith.constant 128 : index
    %get3A_836 = tpu.vector_load %arg6[%get3A_834, %get3A_835] {strides = array<i32>} : memref<16x256xf32, #tpu.memory_space<vmem>>, vector<1x16xf32>,
    %get3A_837 = vector.shape_cast %get3A_836 : vector<1x16xf32> to vector<16xf32>
    %max3A_838 = arith.maximumf %max3A_832, %get3A_837 : vector<16xf32>
    %get3A_839 = arith.constant 4 : i32
    %get3A_840 = arith.index_cast %get3A_839 : i32 to index
    %get3A_841 = arith.constant 128 : index
    %get3A_842 = tpu.vector_load %arg6[%get3A_840, %get3A_841] {strides = array<i32>} : memref<16x256xf32, #tpu.memory_space<vmem>>, vector<1x16xf32>,
    %get3A_843 = vector.shape_cast %get3A_842 : vector<1x16xf32> to vector<16xf32>
    %max3A_844 = arith.maximumf %max3A_838, %get3A_843 : vector<16xf32>
    %get3A_845 = arith.constant 5 : i32
    %get3A_846 = arith.index_cast %get3A_845 : i32 to index
    %get3A_847 = arith.constant 128 : index
    %get3A_848 = tpu.vector_load %arg6[%get3A_846, %get3A_847] {strides = array<i32>} : memref<16x256xf32, #tpu.memory_space<vmem>>, vector<1x16xf32>,
    %get3A_849 = vector.shape_cast %get3A_848 : vector<1x16xf32> to vector<16xf32>
    %max3A_850 = arith.maximumf %max3A_844, %get3A_849 : vector<16xf32>
    %get3A_851 = arith.constant 6 : i32
    %get3A_852 = arith.index_cast %get3A_851 : i32 to index
    %get3A_853 = arith.constant 128 : index
    %get3A_854 = tpu.vector_load %arg6[%get3A_852, %get3A_853] {strides = array<i32>} : memref<16x256xf32, #tpu.memory_space<vmem>>, vector<1x16xf32>,
    %get3A_855 = vector.shape_cast %get3A_854 : vector<1x16xf32> to vector<16xf32>
    %max3A_856 = arith.maximumf %max3A_850, %get3A_855 : vector<16xf32>
    %get3A_857 = arith.constant 7 : i32
    %get3A_858 = arith.index_cast %get3A_857 : i32 to index
    %get3A_859 = arith.constant 128 : index
    %get3A_860 = tpu.vector_load %arg6[%get3A_858, %get3A_859] {strides = array<i32>} : memref<16x256xf32, #tpu.memory_space<vmem>>, vector<1x16xf32>,
    %get3A_861 = vector.shape_cast %get3A_860 : vector<1x16xf32> to vector<16xf32>
    %max3A_862 = arith.maximumf %max3A_856, %get3A_861 : vector<16xf32>
    %get3A_863 = arith.constant 8 : i32
    %get3A_864 = arith.index_cast %get3A_863 : i32 to index
    %get3A_865 = arith.constant 128 : index
    %get3A_866 = tpu.vector_load %arg6[%get3A_864, %get3A_865] {strides = array<i32>} : memref<16x256xf32, #tpu.memory_space<vmem>>, vector<1x16xf32>,
    %get3A_867 = vector.shape_cast %get3A_866 : vector<1x16xf32> to vector<16xf32>
    %max3A_868 = arith.maximumf %max3A_862, %get3A_867 : vector<16xf32>
    %get3A_869 = arith.constant 9 : i32
    %get3A_870 = arith.index_cast %get3A_869 : i32 to index
    %get3A_871 = arith.constant 128 : index
    %get3A_872 = tpu.vector_load %arg6[%get3A_870, %get3A_871] {strides = array<i32>} : memref<16x256xf32, #tpu.memory_space<vmem>>, vector<1x16xf32>,
    %get3A_873 = vector.shape_cast %get3A_872 : vector<1x16xf32> to vector<16xf32>
    %max3A_874 = arith.maximumf %max3A_868, %get3A_873 : vector<16xf32>
    %get3A_875 = arith.constant 10 : i32
    %get3A_876 = arith.index_cast %get3A_875 : i32 to index
    %get3A_877 = arith.constant 128 : index
    %get3A_878 = tpu.vector_load %arg6[%get3A_876, %get3A_877] {strides = array<i32>} : memref<16x256xf32, #tpu.memory_space<vmem>>, vector<1x16xf32>,
    %get3A_879 = vector.shape_cast %get3A_878 : vector<1x16xf32> to vector<16xf32>
    %max3A_880 = arith.maximumf %max3A_874, %get3A_879 : vector<16xf32>
    %get3A_881 = arith.constant 11 : i32
    %get3A_882 = arith.index_cast %get3A_881 : i32 to index
    %get3A_883 = arith.constant 128 : index
    %get3A_884 = tpu.vector_load %arg6[%get3A_882, %get3A_883] {strides = array<i32>} : memref<16x256xf32, #tpu.memory_space<vmem>>, vector<1x16xf32>,
    %get3A_885 = vector.shape_cast %get3A_884 : vector<1x16xf32> to vector<16xf32>
    %max3A_886 = arith.maximumf %max3A_880, %get3A_885 : vector<16xf32>
    %get3A_887 = arith.constant 12 : i32
    %get3A_888 = arith.index_cast %get3A_887 : i32 to index
    %get3A_889 = arith.constant 128 : index
    %get3A_890 = tpu.vector_load %arg6[%get3A_888, %get3A_889] {strides = array<i32>} : memref<16x256xf32, #tpu.memory_space<vmem>>, vector<1x16xf32>,
    %get3A_891 = vector.shape_cast %get3A_890 : vector<1x16xf32> to vector<16xf32>
    %max3A_892 = arith.maximumf %max3A_886, %get3A_891 : vector<16xf32>
    %get3A_893 = arith.constant 13 : i32
    %get3A_894 = arith.index_cast %get3A_893 : i32 to index
    %get3A_895 = arith.constant 128 : index
    %get3A_896 = tpu.vector_load %arg6[%get3A_894, %get3A_895] {strides = array<i32>} : memref<16x256xf32, #tpu.memory_space<vmem>>, vector<1x16xf32>,
    %get3A_897 = vector.shape_cast %get3A_896 : vector<1x16xf32> to vector<16xf32>
    %max3A_898 = arith.maximumf %max3A_892, %get3A_897 : vector<16xf32>
    %get3A_899 = arith.constant 14 : i32
    %get3A_900 = arith.index_cast %get3A_899 : i32 to index
    %get3A_901 = arith.constant 128 : index
    %get3A_902 = tpu.vector_load %arg6[%get3A_900, %get3A_901] {strides = array<i32>} : memref<16x256xf32, #tpu.memory_space<vmem>>, vector<1x16xf32>,
    %get3A_903 = vector.shape_cast %get3A_902 : vector<1x16xf32> to vector<16xf32>
    %max3A_904 = arith.maximumf %max3A_898, %get3A_903 : vector<16xf32>
    %get3A_905 = arith.constant 15 : i32
    %get3A_906 = arith.index_cast %get3A_905 : i32 to index
    %get3A_907 = arith.constant 128 : index
    %get3A_908 = tpu.vector_load %arg6[%get3A_906, %get3A_907] {strides = array<i32>} : memref<16x256xf32, #tpu.memory_space<vmem>>, vector<1x16xf32>,
    %get3A_909 = vector.shape_cast %get3A_908 : vector<1x16xf32> to vector<16xf32>
    %max3A_910 = arith.maximumf %max3A_904, %get3A_909 : vector<16xf32>
    %swap3A_911 = arith.constant 128 : index
    %swap3A_912 = tpu.vector_load %arg5[%swap3A_911] {strides = array<i32>} : memref<4096xf32, #tpu.memory_space<vmem>>, vector<16xf32>,
    %swap3A_913 = vector.shape_cast %swap3A_912 : vector<16xf32> to vector<16xf32>
    %swap3A_914 = vector.shape_cast %max3A_910 : vector<16xf32> to vector<16xf32>
    tpu.vector_store %arg5[%swap3A_911], %swap3A_914 {strides = array<i32>} : memref<4096xf32, #tpu.memory_space<vmem>>, vector<16xf32>,
    %get3A_915 = arith.constant 0 : i32
    %get3A_916 = arith.index_cast %get3A_915 : i32 to index
    %get3A_917 = arith.constant 144 : index
    %get3A_918 = tpu.vector_load %arg6[%get3A_916, %get3A_917] {strides = array<i32>} : memref<16x256xf32, #tpu.memory_space<vmem>>, vector<1x16xf32>,
    %get3A_919 = vector.shape_cast %get3A_918 : vector<1x16xf32> to vector<16xf32>
    %get3A_920 = arith.constant 1 : i32
    %get3A_921 = arith.index_cast %get3A_920 : i32 to index
    %get3A_922 = arith.constant 144 : index
    %get3A_923 = tpu.vector_load %arg6[%get3A_921, %get3A_922] {strides = array<i32>} : memref<16x256xf32, #tpu.memory_space<vmem>>, vector<1x16xf32>,
    %get3A_924 = vector.shape_cast %get3A_923 : vector<1x16xf32> to vector<16xf32>
    %max3A_925 = arith.maximumf %get3A_919, %get3A_924 : vector<16xf32>
    %get3A_926 = arith.constant 2 : i32
    %get3A_927 = arith.index_cast %get3A_926 : i32 to index
    %get3A_928 = arith.constant 144 : index
    %get3A_929 = tpu.vector_load %arg6[%get3A_927, %get3A_928] {strides = array<i32>} : memref<16x256xf32, #tpu.memory_space<vmem>>, vector<1x16xf32>,
    %get3A_930 = vector.shape_cast %get3A_929 : vector<1x16xf32> to vector<16xf32>
    %max3A_931 = arith.maximumf %max3A_925, %get3A_930 : vector<16xf32>
    %get3A_932 = arith.constant 3 : i32
    %get3A_933 = arith.index_cast %get3A_932 : i32 to index
    %get3A_934 = arith.constant 144 : index
    %get3A_935 = tpu.vector_load %arg6[%get3A_933, %get3A_934] {strides = array<i32>} : memref<16x256xf32, #tpu.memory_space<vmem>>, vector<1x16xf32>,
    %get3A_936 = vector.shape_cast %get3A_935 : vector<1x16xf32> to vector<16xf32>
    %max3A_937 = arith.maximumf %max3A_931, %get3A_936 : vector<16xf32>
    %get3A_938 = arith.constant 4 : i32
    %get3A_939 = arith.index_cast %get3A_938 : i32 to index
    %get3A_940 = arith.constant 144 : index
    %get3A_941 = tpu.vector_load %arg6[%get3A_939, %get3A_940] {strides = array<i32>} : memref<16x256xf32, #tpu.memory_space<vmem>>, vector<1x16xf32>,
    %get3A_942 = vector.shape_cast %get3A_941 : vector<1x16xf32> to vector<16xf32>
    %max3A_943 = arith.maximumf %max3A_937, %get3A_942 : vector<16xf32>
    %get3A_944 = arith.constant 5 : i32
    %get3A_945 = arith.index_cast %get3A_944 : i32 to index
    %get3A_946 = arith.constant 144 : index
    %get3A_947 = tpu.vector_load %arg6[%get3A_945, %get3A_946] {strides = array<i32>} : memref<16x256xf32, #tpu.memory_space<vmem>>, vector<1x16xf32>,
    %get3A_948 = vector.shape_cast %get3A_947 : vector<1x16xf32> to vector<16xf32>
    %max3A_949 = arith.maximumf %max3A_943, %get3A_948 : vector<16xf32>
    %get3A_950 = arith.constant 6 : i32
    %get3A_951 = arith.index_cast %get3A_950 : i32 to index
    %get3A_952 = arith.constant 144 : index
    %get3A_953 = tpu.vector_load %arg6[%get3A_951, %get3A_952] {strides = array<i32>} : memref<16x256xf32, #tpu.memory_space<vmem>>, vector<1x16xf32>,
    %get3A_954 = vector.shape_cast %get3A_953 : vector<1x16xf32> to vector<16xf32>
    %max3A_955 = arith.maximumf %max3A_949, %get3A_954 : vector<16xf32>
    %get3A_956 = arith.constant 7 : i32
    %get3A_957 = arith.index_cast %get3A_956 : i32 to index
    %get3A_958 = arith.constant 144 : index
    %get3A_959 = tpu.vector_load %arg6[%get3A_957, %get3A_958] {strides = array<i32>} : memref<16x256xf32, #tpu.memory_space<vmem>>, vector<1x16xf32>,
    %get3A_960 = vector.shape_cast %get3A_959 : vector<1x16xf32> to vector<16xf32>
    %max3A_961 = arith.maximumf %max3A_955, %get3A_960 : vector<16xf32>
    %get3A_962 = arith.constant 8 : i32
    %get3A_963 = arith.index_cast %get3A_962 : i32 to index
    %get3A_964 = arith.constant 144 : index
    %get3A_965 = tpu.vector_load %arg6[%get3A_963, %get3A_964] {strides = array<i32>} : memref<16x256xf32, #tpu.memory_space<vmem>>, vector<1x16xf32>,
    %get3A_966 = vector.shape_cast %get3A_965 : vector<1x16xf32> to vector<16xf32>
    %max3A_967 = arith.maximumf %max3A_961, %get3A_966 : vector<16xf32>
    %get3A_968 = arith.constant 9 : i32
    %get3A_969 = arith.index_cast %get3A_968 : i32 to index
    %get3A_970 = arith.constant 144 : index
    %get3A_971 = tpu.vector_load %arg6[%get3A_969, %get3A_970] {strides = array<i32>} : memref<16x256xf32, #tpu.memory_space<vmem>>, vector<1x16xf32>,
    %get3A_972 = vector.shape_cast %get3A_971 : vector<1x16xf32> to vector<16xf32>
    %max3A_973 = arith.maximumf %max3A_967, %get3A_972 : vector<16xf32>
    %get3A_974 = arith.constant 10 : i32
    %get3A_975 = arith.index_cast %get3A_974 : i32 to index
    %get3A_976 = arith.constant 144 : index
    %get3A_977 = tpu.vector_load %arg6[%get3A_975, %get3A_976] {strides = array<i32>} : memref<16x256xf32, #tpu.memory_space<vmem>>, vector<1x16xf32>,
    %get3A_978 = vector.shape_cast %get3A_977 : vector<1x16xf32> to vector<16xf32>
    %max3A_979 = arith.maximumf %max3A_973, %get3A_978 : vector<16xf32>
    %get3A_980 = arith.constant 11 : i32
    %get3A_981 = arith.index_cast %get3A_980 : i32 to index
    %get3A_982 = arith.constant 144 : index
    %get3A_983 = tpu.vector_load %arg6[%get3A_981, %get3A_982] {strides = array<i32>} : memref<16x256xf32, #tpu.memory_space<vmem>>, vector<1x16xf32>,
    %get3A_984 = vector.shape_cast %get3A_983 : vector<1x16xf32> to vector<16xf32>
    %max3A_985 = arith.maximumf %max3A_979, %get3A_984 : vector<16xf32>
    %get3A_986 = arith.constant 12 : i32
    %get3A_987 = arith.index_cast %get3A_986 : i32 to index
    %get3A_988 = arith.constant 144 : index
    %get3A_989 = tpu.vector_load %arg6[%get3A_987, %get3A_988] {strides = array<i32>} : memref<16x256xf32, #tpu.memory_space<vmem>>, vector<1x16xf32>,
    %get3A_990 = vector.shape_cast %get3A_989 : vector<1x16xf32> to vector<16xf32>
    %max3A_991 = arith.maximumf %max3A_985, %get3A_990 : vector<16xf32>
    %get3A_992 = arith.constant 13 : i32
    %get3A_993 = arith.index_cast %get3A_992 : i32 to index
    %get3A_994 = arith.constant 144 : index
    %get3A_995 = tpu.vector_load %arg6[%get3A_993, %get3A_994] {strides = array<i32>} : memref<16x256xf32, #tpu.memory_space<vmem>>, vector<1x16xf32>,
    %get3A_996 = vector.shape_cast %get3A_995 : vector<1x16xf32> to vector<16xf32>
    %max3A_997 = arith.maximumf %max3A_991, %get3A_996 : vector<16xf32>
    %get3A_998 = arith.constant 14 : i32
    %get3A_999 = arith.index_cast %get3A_998 : i32 to index
    %get3A_1000 = arith.constant 144 : index
    %get3A_1001 = tpu.vector_load %arg6[%get3A_999, %get3A_1000] {strides = array<i32>} : memref<16x256xf32, #tpu.memory_space<vmem>>, vector<1x16xf32>,
    %get3A_1002 = vector.shape_cast %get3A_1001 : vector<1x16xf32> to vector<16xf32>
    %max3A_1003 = arith.maximumf %max3A_997, %get3A_1002 : vector<16xf32>
    %get3A_1004 = arith.constant 15 : i32
    %get3A_1005 = arith.index_cast %get3A_1004 : i32 to index
    %get3A_1006 = arith.constant 144 : index
    %get3A_1007 = tpu.vector_load %arg6[%get3A_1005, %get3A_1006] {strides = array<i32>} : memref<16x256xf32, #tpu.memory_space<vmem>>, vector<1x16xf32>,
    %get3A_1008 = vector.shape_cast %get3A_1007 : vector<1x16xf32> to vector<16xf32>
    %max3A_1009 = arith.maximumf %max3A_1003, %get3A_1008 : vector<16xf32>
    %swap3A_1010 = arith.constant 144 : index
    %swap3A_1011 = tpu.vector_load %arg5[%swap3A_1010] {strides = array<i32>} : memref<4096xf32, #tpu.memory_space<vmem>>, vector<16xf32>,
    %swap3A_1012 = vector.shape_cast %swap3A_1011 : vector<16xf32> to vector<16xf32>
    %swap3A_1013 = vector.shape_cast %max3A_1009 : vector<16xf32> to vector<16xf32>
    tpu.vector_store %arg5[%swap3A_1010], %swap3A_1013 {strides = array<i32>} : memref<4096xf32, #tpu.memory_space<vmem>>, vector<16xf32>,
    %get3A_1014 = arith.constant 0 : i32
    %get3A_1015 = arith.index_cast %get3A_1014 : i32 to index
    %get3A_1016 = arith.constant 160 : index
    %get3A_1017 = tpu.vector_load %arg6[%get3A_1015, %get3A_1016] {strides = array<i32>} : memref<16x256xf32, #tpu.memory_space<vmem>>, vector<1x16xf32>,
    %get3A_1018 = vector.shape_cast %get3A_1017 : vector<1x16xf32> to vector<16xf32>
    %get3A_1019 = arith.constant 1 : i32
    %get3A_1020 = arith.index_cast %get3A_1019 : i32 to index
    %get3A_1021 = arith.constant 160 : index
    %get3A_1022 = tpu.vector_load %arg6[%get3A_1020, %get3A_1021] {strides = array<i32>} : memref<16x256xf32, #tpu.memory_space<vmem>>, vector<1x16xf32>,
    %get3A_1023 = vector.shape_cast %get3A_1022 : vector<1x16xf32> to vector<16xf32>
    %max3A_1024 = arith.maximumf %get3A_1018, %get3A_1023 : vector<16xf32>
    %get3A_1025 = arith.constant 2 : i32
    %get3A_1026 = arith.index_cast %get3A_1025 : i32 to index
    %get3A_1027 = arith.constant 160 : index
    %get3A_1028 = tpu.vector_load %arg6[%get3A_1026, %get3A_1027] {strides = array<i32>} : memref<16x256xf32, #tpu.memory_space<vmem>>, vector<1x16xf32>,
    %get3A_1029 = vector.shape_cast %get3A_1028 : vector<1x16xf32> to vector<16xf32>
    %max3A_1030 = arith.maximumf %max3A_1024, %get3A_1029 : vector<16xf32>
    %get3A_1031 = arith.constant 3 : i32
    %get3A_1032 = arith.index_cast %get3A_1031 : i32 to index
    %get3A_1033 = arith.constant 160 : index
    %get3A_1034 = tpu.vector_load %arg6[%get3A_1032, %get3A_1033] {strides = array<i32>} : memref<16x256xf32, #tpu.memory_space<vmem>>, vector<1x16xf32>,
    %get3A_1035 = vector.shape_cast %get3A_1034 : vector<1x16xf32> to vector<16xf32>
    %max3A_1036 = arith.maximumf %max3A_1030, %get3A_1035 : vector<16xf32>
    %get3A_1037 = arith.constant 4 : i32
    %get3A_1038 = arith.index_cast %get3A_1037 : i32 to index
    %get3A_1039 = arith.constant 160 : index
    %get3A_1040 = tpu.vector_load %arg6[%get3A_1038, %get3A_1039] {strides = array<i32>} : memref<16x256xf32, #tpu.memory_space<vmem>>, vector<1x16xf32>,
    %get3A_1041 = vector.shape_cast %get3A_1040 : vector<1x16xf32> to vector<16xf32>
    %max3A_1042 = arith.maximumf %max3A_1036, %get3A_1041 : vector<16xf32>
    %get3A_1043 = arith.constant 5 : i32
    %get3A_1044 = arith.index_cast %get3A_1043 : i32 to index
    %get3A_1045 = arith.constant 160 : index
    %get3A_1046 = tpu.vector_load %arg6[%get3A_1044, %get3A_1045] {strides = array<i32>} : memref<16x256xf32, #tpu.memory_space<vmem>>, vector<1x16xf32>,
    %get3A_1047 = vector.shape_cast %get3A_1046 : vector<1x16xf32> to vector<16xf32>
    %max3A_1048 = arith.maximumf %max3A_1042, %get3A_1047 : vector<16xf32>
    %get3A_1049 = arith.constant 6 : i32
    %get3A_1050 = arith.index_cast %get3A_1049 : i32 to index
    %get3A_1051 = arith.constant 160 : index
    %get3A_1052 = tpu.vector_load %arg6[%get3A_1050, %get3A_1051] {strides = array<i32>} : memref<16x256xf32, #tpu.memory_space<vmem>>, vector<1x16xf32>,
    %get3A_1053 = vector.shape_cast %get3A_1052 : vector<1x16xf32> to vector<16xf32>
    %max3A_1054 = arith.maximumf %max3A_1048, %get3A_1053 : vector<16xf32>
    %get3A_1055 = arith.constant 7 : i32
    %get3A_1056 = arith.index_cast %get3A_1055 : i32 to index
    %get3A_1057 = arith.constant 160 : index
    %get3A_1058 = tpu.vector_load %arg6[%get3A_1056, %get3A_1057] {strides = array<i32>} : memref<16x256xf32, #tpu.memory_space<vmem>>, vector<1x16xf32>,
    %get3A_1059 = vector.shape_cast %get3A_1058 : vector<1x16xf32> to vector<16xf32>
    %max3A_1060 = arith.maximumf %max3A_1054, %get3A_1059 : vector<16xf32>
    %get3A_1061 = arith.constant 8 : i32
    %get3A_1062 = arith.index_cast %get3A_1061 : i32 to index
    %get3A_1063 = arith.constant 160 : index
    %get3A_1064 = tpu.vector_load %arg6[%get3A_1062, %get3A_1063] {strides = array<i32>} : memref<16x256xf32, #tpu.memory_space<vmem>>, vector<1x16xf32>,
    %get3A_1065 = vector.shape_cast %get3A_1064 : vector<1x16xf32> to vector<16xf32>
    %max3A_1066 = arith.maximumf %max3A_1060, %get3A_1065 : vector<16xf32>
    %get3A_1067 = arith.constant 9 : i32
    %get3A_1068 = arith.index_cast %get3A_1067 : i32 to index
    %get3A_1069 = arith.constant 160 : index
    %get3A_1070 = tpu.vector_load %arg6[%get3A_1068, %get3A_1069] {strides = array<i32>} : memref<16x256xf32, #tpu.memory_space<vmem>>, vector<1x16xf32>,
    %get3A_1071 = vector.shape_cast %get3A_1070 : vector<1x16xf32> to vector<16xf32>
    %max3A_1072 = arith.maximumf %max3A_1066, %get3A_1071 : vector<16xf32>
    %get3A_1073 = arith.constant 10 : i32
    %get3A_1074 = arith.index_cast %get3A_1073 : i32 to index
    %get3A_1075 = arith.constant 160 : index
    %get3A_1076 = tpu.vector_load %arg6[%get3A_1074, %get3A_1075] {strides = array<i32>} : memref<16x256xf32, #tpu.memory_space<vmem>>, vector<1x16xf32>,
    %get3A_1077 = vector.shape_cast %get3A_1076 : vector<1x16xf32> to vector<16xf32>
    %max3A_1078 = arith.maximumf %max3A_1072, %get3A_1077 : vector<16xf32>
    %get3A_1079 = arith.constant 11 : i32
    %get3A_1080 = arith.index_cast %get3A_1079 : i32 to index
    %get3A_1081 = arith.constant 160 : index
    %get3A_1082 = tpu.vector_load %arg6[%get3A_1080, %get3A_1081] {strides = array<i32>} : memref<16x256xf32, #tpu.memory_space<vmem>>, vector<1x16xf32>,
    %get3A_1083 = vector.shape_cast %get3A_1082 : vector<1x16xf32> to vector<16xf32>
    %max3A_1084 = arith.maximumf %max3A_1078, %get3A_1083 : vector<16xf32>
    %get3A_1085 = arith.constant 12 : i32
    %get3A_1086 = arith.index_cast %get3A_1085 : i32 to index
    %get3A_1087 = arith.constant 160 : index
    %get3A_1088 = tpu.vector_load %arg6[%get3A_1086, %get3A_1087] {strides = array<i32>} : memref<16x256xf32, #tpu.memory_space<vmem>>, vector<1x16xf32>,
    %get3A_1089 = vector.shape_cast %get3A_1088 : vector<1x16xf32> to vector<16xf32>
    %max3A_1090 = arith.maximumf %max3A_1084, %get3A_1089 : vector<16xf32>
    %get3A_1091 = arith.constant 13 : i32
    %get3A_1092 = arith.index_cast %get3A_1091 : i32 to index
    %get3A_1093 = arith.constant 160 : index
    %get3A_1094 = tpu.vector_load %arg6[%get3A_1092, %get3A_1093] {strides = array<i32>} : memref<16x256xf32, #tpu.memory_space<vmem>>, vector<1x16xf32>,
    %get3A_1095 = vector.shape_cast %get3A_1094 : vector<1x16xf32> to vector<16xf32>
    %max3A_1096 = arith.maximumf %max3A_1090, %get3A_1095 : vector<16xf32>
    %get3A_1097 = arith.constant 14 : i32
    %get3A_1098 = arith.index_cast %get3A_1097 : i32 to index
    %get3A_1099 = arith.constant 160 : index
    %get3A_1100 = tpu.vector_load %arg6[%get3A_1098, %get3A_1099] {strides = array<i32>} : memref<16x256xf32, #tpu.memory_space<vmem>>, vector<1x16xf32>,
    %get3A_1101 = vector.shape_cast %get3A_1100 : vector<1x16xf32> to vector<16xf32>
    %max3A_1102 = arith.maximumf %max3A_1096, %get3A_1101 : vector<16xf32>
    %get3A_1103 = arith.constant 15 : i32
    %get3A_1104 = arith.index_cast %get3A_1103 : i32 to index
    %get3A_1105 = arith.constant 160 : index
    %get3A_1106 = tpu.vector_load %arg6[%get3A_1104, %get3A_1105] {strides = array<i32>} : memref<16x256xf32, #tpu.memory_space<vmem>>, vector<1x16xf32>,
    %get3A_1107 = vector.shape_cast %get3A_1106 : vector<1x16xf32> to vector<16xf32>
    %max3A_1108 = arith.maximumf %max3A_1102, %get3A_1107 : vector<16xf32>
    %swap3A_1109 = arith.constant 160 : index
    %swap3A_1110 = tpu.vector_load %arg5[%swap3A_1109] {strides = array<i32>} : memref<4096xf32, #tpu.memory_space<vmem>>, vector<16xf32>,
    %swap3A_1111 = vector.shape_cast %swap3A_1110 : vector<16xf32> to vector<16xf32>
    %swap3A_1112 = vector.shape_cast %max3A_1108 : vector<16xf32> to vector<16xf32>
    tpu.vector_store %arg5[%swap3A_1109], %swap3A_1112 {strides = array<i32>} : memref<4096xf32, #tpu.memory_space<vmem>>, vector<16xf32>,
    %get3A_1113 = arith.constant 0 : i32
    %get3A_1114 = arith.index_cast %get3A_1113 : i32 to index
    %get3A_1115 = arith.constant 176 : index
    %get3A_1116 = tpu.vector_load %arg6[%get3A_1114, %get3A_1115] {strides = array<i32>} : memref<16x256xf32, #tpu.memory_space<vmem>>, vector<1x16xf32>,
    %get3A_1117 = vector.shape_cast %get3A_1116 : vector<1x16xf32> to vector<16xf32>
    %get3A_1118 = arith.constant 1 : i32
    %get3A_1119 = arith.index_cast %get3A_1118 : i32 to index
    %get3A_1120 = arith.constant 176 : index
    %get3A_1121 = tpu.vector_load %arg6[%get3A_1119, %get3A_1120] {strides = array<i32>} : memref<16x256xf32, #tpu.memory_space<vmem>>, vector<1x16xf32>,
    %get3A_1122 = vector.shape_cast %get3A_1121 : vector<1x16xf32> to vector<16xf32>
    %max3A_1123 = arith.maximumf %get3A_1117, %get3A_1122 : vector<16xf32>
    %get3A_1124 = arith.constant 2 : i32
    %get3A_1125 = arith.index_cast %get3A_1124 : i32 to index
    %get3A_1126 = arith.constant 176 : index
    %get3A_1127 = tpu.vector_load %arg6[%get3A_1125, %get3A_1126] {strides = array<i32>} : memref<16x256xf32, #tpu.memory_space<vmem>>, vector<1x16xf32>,
    %get3A_1128 = vector.shape_cast %get3A_1127 : vector<1x16xf32> to vector<16xf32>
    %max3A_1129 = arith.maximumf %max3A_1123, %get3A_1128 : vector<16xf32>
    %get3A_1130 = arith.constant 3 : i32
    %get3A_1131 = arith.index_cast %get3A_1130 : i32 to index
    %get3A_1132 = arith.constant 176 : index
    %get3A_1133 = tpu.vector_load %arg6[%get3A_1131, %get3A_1132] {strides = array<i32>} : memref<16x256xf32, #tpu.memory_space<vmem>>, vector<1x16xf32>,
    %get3A_1134 = vector.shape_cast %get3A_1133 : vector<1x16xf32> to vector<16xf32>
    %max3A_1135 = arith.maximumf %max3A_1129, %get3A_1134 : vector<16xf32>
    %get3A_1136 = arith.constant 4 : i32
    %get3A_1137 = arith.index_cast %get3A_1136 : i32 to index
    %get3A_1138 = arith.constant 176 : index
    %get3A_1139 = tpu.vector_load %arg6[%get3A_1137, %get3A_1138] {strides = array<i32>} : memref<16x256xf32, #tpu.memory_space<vmem>>, vector<1x16xf32>,
    %get3A_1140 = vector.shape_cast %get3A_1139 : vector<1x16xf32> to vector<16xf32>
    %max3A_1141 = arith.maximumf %max3A_1135, %get3A_1140 : vector<16xf32>
    %get3A_1142 = arith.constant 5 : i32
    %get3A_1143 = arith.index_cast %get3A_1142 : i32 to index
    %get3A_1144 = arith.constant 176 : index
    %get3A_1145 = tpu.vector_load %arg6[%get3A_1143, %get3A_1144] {strides = array<i32>} : memref<16x256xf32, #tpu.memory_space<vmem>>, vector<1x16xf32>,
    %get3A_1146 = vector.shape_cast %get3A_1145 : vector<1x16xf32> to vector<16xf32>
    %max3A_1147 = arith.maximumf %max3A_1141, %get3A_1146 : vector<16xf32>
    %get3A_1148 = arith.constant 6 : i32
    %get3A_1149 = arith.index_cast %get3A_1148 : i32 to index
    %get3A_1150 = arith.constant 176 : index
    %get3A_1151 = tpu.vector_load %arg6[%get3A_1149, %get3A_1150] {strides = array<i32>} : memref<16x256xf32, #tpu.memory_space<vmem>>, vector<1x16xf32>,
    %get3A_1152 = vector.shape_cast %get3A_1151 : vector<1x16xf32> to vector<16xf32>
    %max3A_1153 = arith.maximumf %max3A_1147, %get3A_1152 : vector<16xf32>
    %get3A_1154 = arith.constant 7 : i32
    %get3A_1155 = arith.index_cast %get3A_1154 : i32 to index
    %get3A_1156 = arith.constant 176 : index
    %get3A_1157 = tpu.vector_load %arg6[%get3A_1155, %get3A_1156] {strides = array<i32>} : memref<16x256xf32, #tpu.memory_space<vmem>>, vector<1x16xf32>,
    %get3A_1158 = vector.shape_cast %get3A_1157 : vector<1x16xf32> to vector<16xf32>
    %max3A_1159 = arith.maximumf %max3A_1153, %get3A_1158 : vector<16xf32>
    %get3A_1160 = arith.constant 8 : i32
    %get3A_1161 = arith.index_cast %get3A_1160 : i32 to index
    %get3A_1162 = arith.constant 176 : index
    %get3A_1163 = tpu.vector_load %arg6[%get3A_1161, %get3A_1162] {strides = array<i32>} : memref<16x256xf32, #tpu.memory_space<vmem>>, vector<1x16xf32>,
    %get3A_1164 = vector.shape_cast %get3A_1163 : vector<1x16xf32> to vector<16xf32>
    %max3A_1165 = arith.maximumf %max3A_1159, %get3A_1164 : vector<16xf32>
    %get3A_1166 = arith.constant 9 : i32
    %get3A_1167 = arith.index_cast %get3A_1166 : i32 to index
    %get3A_1168 = arith.constant 176 : index
    %get3A_1169 = tpu.vector_load %arg6[%get3A_1167, %get3A_1168] {strides = array<i32>} : memref<16x256xf32, #tpu.memory_space<vmem>>, vector<1x16xf32>,
    %get3A_1170 = vector.shape_cast %get3A_1169 : vector<1x16xf32> to vector<16xf32>
    %max3A_1171 = arith.maximumf %max3A_1165, %get3A_1170 : vector<16xf32>
    %get3A_1172 = arith.constant 10 : i32
    %get3A_1173 = arith.index_cast %get3A_1172 : i32 to index
    %get3A_1174 = arith.constant 176 : index
    %get3A_1175 = tpu.vector_load %arg6[%get3A_1173, %get3A_1174] {strides = array<i32>} : memref<16x256xf32, #tpu.memory_space<vmem>>, vector<1x16xf32>,
    %get3A_1176 = vector.shape_cast %get3A_1175 : vector<1x16xf32> to vector<16xf32>
    %max3A_1177 = arith.maximumf %max3A_1171, %get3A_1176 : vector<16xf32>
    %get3A_1178 = arith.constant 11 : i32
    %get3A_1179 = arith.index_cast %get3A_1178 : i32 to index
    %get3A_1180 = arith.constant 176 : index
    %get3A_1181 = tpu.vector_load %arg6[%get3A_1179, %get3A_1180] {strides = array<i32>} : memref<16x256xf32, #tpu.memory_space<vmem>>, vector<1x16xf32>,
    %get3A_1182 = vector.shape_cast %get3A_1181 : vector<1x16xf32> to vector<16xf32>
    %max3A_1183 = arith.maximumf %max3A_1177, %get3A_1182 : vector<16xf32>
    %get3A_1184 = arith.constant 12 : i32
    %get3A_1185 = arith.index_cast %get3A_1184 : i32 to index
    %get3A_1186 = arith.constant 176 : index
    %get3A_1187 = tpu.vector_load %arg6[%get3A_1185, %get3A_1186] {strides = array<i32>} : memref<16x256xf32, #tpu.memory_space<vmem>>, vector<1x16xf32>,
    %get3A_1188 = vector.shape_cast %get3A_1187 : vector<1x16xf32> to vector<16xf32>
    %max3A_1189 = arith.maximumf %max3A_1183, %get3A_1188 : vector<16xf32>
    %get3A_1190 = arith.constant 13 : i32
    %get3A_1191 = arith.index_cast %get3A_1190 : i32 to index
    %get3A_1192 = arith.constant 176 : index
    %get3A_1193 = tpu.vector_load %arg6[%get3A_1191, %get3A_1192] {strides = array<i32>} : memref<16x256xf32, #tpu.memory_space<vmem>>, vector<1x16xf32>,
    %get3A_1194 = vector.shape_cast %get3A_1193 : vector<1x16xf32> to vector<16xf32>
    %max3A_1195 = arith.maximumf %max3A_1189, %get3A_1194 : vector<16xf32>
    %get3A_1196 = arith.constant 14 : i32
    %get3A_1197 = arith.index_cast %get3A_1196 : i32 to index
    %get3A_1198 = arith.constant 176 : index
    %get3A_1199 = tpu.vector_load %arg6[%get3A_1197, %get3A_1198] {strides = array<i32>} : memref<16x256xf32, #tpu.memory_space<vmem>>, vector<1x16xf32>,
    %get3A_1200 = vector.shape_cast %get3A_1199 : vector<1x16xf32> to vector<16xf32>
    %max3A_1201 = arith.maximumf %max3A_1195, %get3A_1200 : vector<16xf32>
    %get3A_1202 = arith.constant 15 : i32
    %get3A_1203 = arith.index_cast %get3A_1202 : i32 to index
    %get3A_1204 = arith.constant 176 : index
    %get3A_1205 = tpu.vector_load %arg6[%get3A_1203, %get3A_1204] {strides = array<i32>} : memref<16x256xf32, #tpu.memory_space<vmem>>, vector<1x16xf32>,
    %get3A_1206 = vector.shape_cast %get3A_1205 : vector<1x16xf32> to vector<16xf32>
    %max3A_1207 = arith.maximumf %max3A_1201, %get3A_1206 : vector<16xf32>
    %swap3A_1208 = arith.constant 176 : index
    %swap3A_1209 = tpu.vector_load %arg5[%swap3A_1208] {strides = array<i32>} : memref<4096xf32, #tpu.memory_space<vmem>>, vector<16xf32>,
    %swap3A_1210 = vector.shape_cast %swap3A_1209 : vector<16xf32> to vector<16xf32>
    %swap3A_1211 = vector.shape_cast %max3A_1207 : vector<16xf32> to vector<16xf32>
    tpu.vector_store %arg5[%swap3A_1208], %swap3A_1211 {strides = array<i32>} : memref<4096xf32, #tpu.memory_space<vmem>>, vector<16xf32>,
    %get3A_1212 = arith.constant 0 : i32
    %get3A_1213 = arith.index_cast %get3A_1212 : i32 to index
    %get3A_1214 = arith.constant 192 : index
    %get3A_1215 = tpu.vector_load %arg6[%get3A_1213, %get3A_1214] {strides = array<i32>} : memref<16x256xf32, #tpu.memory_space<vmem>>, vector<1x16xf32>,
    %get3A_1216 = vector.shape_cast %get3A_1215 : vector<1x16xf32> to vector<16xf32>
    %get3A_1217 = arith.constant 1 : i32
    %get3A_1218 = arith.index_cast %get3A_1217 : i32 to index
    %get3A_1219 = arith.constant 192 : index
    %get3A_1220 = tpu.vector_load %arg6[%get3A_1218, %get3A_1219] {strides = array<i32>} : memref<16x256xf32, #tpu.memory_space<vmem>>, vector<1x16xf32>,
    %get3A_1221 = vector.shape_cast %get3A_1220 : vector<1x16xf32> to vector<16xf32>
    %max3A_1222 = arith.maximumf %get3A_1216, %get3A_1221 : vector<16xf32>
    %get3A_1223 = arith.constant 2 : i32
    %get3A_1224 = arith.index_cast %get3A_1223 : i32 to index
    %get3A_1225 = arith.constant 192 : index
    %get3A_1226 = tpu.vector_load %arg6[%get3A_1224, %get3A_1225] {strides = array<i32>} : memref<16x256xf32, #tpu.memory_space<vmem>>, vector<1x16xf32>,
    %get3A_1227 = vector.shape_cast %get3A_1226 : vector<1x16xf32> to vector<16xf32>
    %max3A_1228 = arith.maximumf %max3A_1222, %get3A_1227 : vector<16xf32>
    %get3A_1229 = arith.constant 3 : i32
    %get3A_1230 = arith.index_cast %get3A_1229 : i32 to index
    %get3A_1231 = arith.constant 192 : index
    %get3A_1232 = tpu.vector_load %arg6[%get3A_1230, %get3A_1231] {strides = array<i32>} : memref<16x256xf32, #tpu.memory_space<vmem>>, vector<1x16xf32>,
    %get3A_1233 = vector.shape_cast %get3A_1232 : vector<1x16xf32> to vector<16xf32>
    %max3A_1234 = arith.maximumf %max3A_1228, %get3A_1233 : vector<16xf32>
    %get3A_1235 = arith.constant 4 : i32
    %get3A_1236 = arith.index_cast %get3A_1235 : i32 to index
    %get3A_1237 = arith.constant 192 : index
    %get3A_1238 = tpu.vector_load %arg6[%get3A_1236, %get3A_1237] {strides = array<i32>} : memref<16x256xf32, #tpu.memory_space<vmem>>, vector<1x16xf32>,
    %get3A_1239 = vector.shape_cast %get3A_1238 : vector<1x16xf32> to vector<16xf32>
    %max3A_1240 = arith.maximumf %max3A_1234, %get3A_1239 : vector<16xf32>
    %get3A_1241 = arith.constant 5 : i32
    %get3A_1242 = arith.index_cast %get3A_1241 : i32 to index
    %get3A_1243 = arith.constant 192 : index
    %get3A_1244 = tpu.vector_load %arg6[%get3A_1242, %get3A_1243] {strides = array<i32>} : memref<16x256xf32, #tpu.memory_space<vmem>>, vector<1x16xf32>,
    %get3A_1245 = vector.shape_cast %get3A_1244 : vector<1x16xf32> to vector<16xf32>
    %max3A_1246 = arith.maximumf %max3A_1240, %get3A_1245 : vector<16xf32>
    %get3A_1247 = arith.constant 6 : i32
    %get3A_1248 = arith.index_cast %get3A_1247 : i32 to index
    %get3A_1249 = arith.constant 192 : index
    %get3A_1250 = tpu.vector_load %arg6[%get3A_1248, %get3A_1249] {strides = array<i32>} : memref<16x256xf32, #tpu.memory_space<vmem>>, vector<1x16xf32>,
    %get3A_1251 = vector.shape_cast %get3A_1250 : vector<1x16xf32> to vector<16xf32>
    %max3A_1252 = arith.maximumf %max3A_1246, %get3A_1251 : vector<16xf32>
    %get3A_1253 = arith.constant 7 : i32
    %get3A_1254 = arith.index_cast %get3A_1253 : i32 to index
    %get3A_1255 = arith.constant 192 : index
    %get3A_1256 = tpu.vector_load %arg6[%get3A_1254, %get3A_1255] {strides = array<i32>} : memref<16x256xf32, #tpu.memory_space<vmem>>, vector<1x16xf32>,
    %get3A_1257 = vector.shape_cast %get3A_1256 : vector<1x16xf32> to vector<16xf32>
    %max3A_1258 = arith.maximumf %max3A_1252, %get3A_1257 : vector<16xf32>
    %get3A_1259 = arith.constant 8 : i32
    %get3A_1260 = arith.index_cast %get3A_1259 : i32 to index
    %get3A_1261 = arith.constant 192 : index
    %get3A_1262 = tpu.vector_load %arg6[%get3A_1260, %get3A_1261] {strides = array<i32>} : memref<16x256xf32, #tpu.memory_space<vmem>>, vector<1x16xf32>,
    %get3A_1263 = vector.shape_cast %get3A_1262 : vector<1x16xf32> to vector<16xf32>
    %max3A_1264 = arith.maximumf %max3A_1258, %get3A_1263 : vector<16xf32>
    %get3A_1265 = arith.constant 9 : i32
    %get3A_1266 = arith.index_cast %get3A_1265 : i32 to index
    %get3A_1267 = arith.constant 192 : index
    %get3A_1268 = tpu.vector_load %arg6[%get3A_1266, %get3A_1267] {strides = array<i32>} : memref<16x256xf32, #tpu.memory_space<vmem>>, vector<1x16xf32>,
    %get3A_1269 = vector.shape_cast %get3A_1268 : vector<1x16xf32> to vector<16xf32>
    %max3A_1270 = arith.maximumf %max3A_1264, %get3A_1269 : vector<16xf32>
    %get3A_1271 = arith.constant 10 : i32
    %get3A_1272 = arith.index_cast %get3A_1271 : i32 to index
    %get3A_1273 = arith.constant 192 : index
    %get3A_1274 = tpu.vector_load %arg6[%get3A_1272, %get3A_1273] {strides = array<i32>} : memref<16x256xf32, #tpu.memory_space<vmem>>, vector<1x16xf32>,
    %get3A_1275 = vector.shape_cast %get3A_1274 : vector<1x16xf32> to vector<16xf32>
    %max3A_1276 = arith.maximumf %max3A_1270, %get3A_1275 : vector<16xf32>
    %get3A_1277 = arith.constant 11 : i32
    %get3A_1278 = arith.index_cast %get3A_1277 : i32 to index
    %get3A_1279 = arith.constant 192 : index
    %get3A_1280 = tpu.vector_load %arg6[%get3A_1278, %get3A_1279] {strides = array<i32>} : memref<16x256xf32, #tpu.memory_space<vmem>>, vector<1x16xf32>,
    %get3A_1281 = vector.shape_cast %get3A_1280 : vector<1x16xf32> to vector<16xf32>
    %max3A_1282 = arith.maximumf %max3A_1276, %get3A_1281 : vector<16xf32>
    %get3A_1283 = arith.constant 12 : i32
    %get3A_1284 = arith.index_cast %get3A_1283 : i32 to index
    %get3A_1285 = arith.constant 192 : index
    %get3A_1286 = tpu.vector_load %arg6[%get3A_1284, %get3A_1285] {strides = array<i32>} : memref<16x256xf32, #tpu.memory_space<vmem>>, vector<1x16xf32>,
    %get3A_1287 = vector.shape_cast %get3A_1286 : vector<1x16xf32> to vector<16xf32>
    %max3A_1288 = arith.maximumf %max3A_1282, %get3A_1287 : vector<16xf32>
    %get3A_1289 = arith.constant 13 : i32
    %get3A_1290 = arith.index_cast %get3A_1289 : i32 to index
    %get3A_1291 = arith.constant 192 : index
    %get3A_1292 = tpu.vector_load %arg6[%get3A_1290, %get3A_1291] {strides = array<i32>} : memref<16x256xf32, #tpu.memory_space<vmem>>, vector<1x16xf32>,
    %get3A_1293 = vector.shape_cast %get3A_1292 : vector<1x16xf32> to vector<16xf32>
    %max3A_1294 = arith.maximumf %max3A_1288, %get3A_1293 : vector<16xf32>
    %get3A_1295 = arith.constant 14 : i32
    %get3A_1296 = arith.index_cast %get3A_1295 : i32 to index
    %get3A_1297 = arith.constant 192 : index
    %get3A_1298 = tpu.vector_load %arg6[%get3A_1296, %get3A_1297] {strides = array<i32>} : memref<16x256xf32, #tpu.memory_space<vmem>>, vector<1x16xf32>,
    %get3A_1299 = vector.shape_cast %get3A_1298 : vector<1x16xf32> to vector<16xf32>
    %max3A_1300 = arith.maximumf %max3A_1294, %get3A_1299 : vector<16xf32>
    %get3A_1301 = arith.constant 15 : i32
    %get3A_1302 = arith.index_cast %get3A_1301 : i32 to index
    %get3A_1303 = arith.constant 192 : index
    %get3A_1304 = tpu.vector_load %arg6[%get3A_1302, %get3A_1303] {strides = array<i32>} : memref<16x256xf32, #tpu.memory_space<vmem>>, vector<1x16xf32>,
    %get3A_1305 = vector.shape_cast %get3A_1304 : vector<1x16xf32> to vector<16xf32>
    %max3A_1306 = arith.maximumf %max3A_1300, %get3A_1305 : vector<16xf32>
    %swap3A_1307 = arith.constant 192 : index
    %swap3A_1308 = tpu.vector_load %arg5[%swap3A_1307] {strides = array<i32>} : memref<4096xf32, #tpu.memory_space<vmem>>, vector<16xf32>,
    %swap3A_1309 = vector.shape_cast %swap3A_1308 : vector<16xf32> to vector<16xf32>
    %swap3A_1310 = vector.shape_cast %max3A_1306 : vector<16xf32> to vector<16xf32>
    tpu.vector_store %arg5[%swap3A_1307], %swap3A_1310 {strides = array<i32>} : memref<4096xf32, #tpu.memory_space<vmem>>, vector<16xf32>,
    %get3A_1311 = arith.constant 0 : i32
    %get3A_1312 = arith.index_cast %get3A_1311 : i32 to index
    %get3A_1313 = arith.constant 208 : index
    %get3A_1314 = tpu.vector_load %arg6[%get3A_1312, %get3A_1313] {strides = array<i32>} : memref<16x256xf32, #tpu.memory_space<vmem>>, vector<1x16xf32>,
    %get3A_1315 = vector.shape_cast %get3A_1314 : vector<1x16xf32> to vector<16xf32>
    %get3A_1316 = arith.constant 1 : i32
    %get3A_1317 = arith.index_cast %get3A_1316 : i32 to index
    %get3A_1318 = arith.constant 208 : index
    %get3A_1319 = tpu.vector_load %arg6[%get3A_1317, %get3A_1318] {strides = array<i32>} : memref<16x256xf32, #tpu.memory_space<vmem>>, vector<1x16xf32>,
    %get3A_1320 = vector.shape_cast %get3A_1319 : vector<1x16xf32> to vector<16xf32>
    %max3A_1321 = arith.maximumf %get3A_1315, %get3A_1320 : vector<16xf32>
    %get3A_1322 = arith.constant 2 : i32
    %get3A_1323 = arith.index_cast %get3A_1322 : i32 to index
    %get3A_1324 = arith.constant 208 : index
    %get3A_1325 = tpu.vector_load %arg6[%get3A_1323, %get3A_1324] {strides = array<i32>} : memref<16x256xf32, #tpu.memory_space<vmem>>, vector<1x16xf32>,
    %get3A_1326 = vector.shape_cast %get3A_1325 : vector<1x16xf32> to vector<16xf32>
    %max3A_1327 = arith.maximumf %max3A_1321, %get3A_1326 : vector<16xf32>
    %get3A_1328 = arith.constant 3 : i32
    %get3A_1329 = arith.index_cast %get3A_1328 : i32 to index
    %get3A_1330 = arith.constant 208 : index
    %get3A_1331 = tpu.vector_load %arg6[%get3A_1329, %get3A_1330] {strides = array<i32>} : memref<16x256xf32, #tpu.memory_space<vmem>>, vector<1x16xf32>,
    %get3A_1332 = vector.shape_cast %get3A_1331 : vector<1x16xf32> to vector<16xf32>
    %max3A_1333 = arith.maximumf %max3A_1327, %get3A_1332 : vector<16xf32>
    %get3A_1334 = arith.constant 4 : i32
    %get3A_1335 = arith.index_cast %get3A_1334 : i32 to index
    %get3A_1336 = arith.constant 208 : index
    %get3A_1337 = tpu.vector_load %arg6[%get3A_1335, %get3A_1336] {strides = array<i32>} : memref<16x256xf32, #tpu.memory_space<vmem>>, vector<1x16xf32>,
    %get3A_1338 = vector.shape_cast %get3A_1337 : vector<1x16xf32> to vector<16xf32>
    %max3A_1339 = arith.maximumf %max3A_1333, %get3A_1338 : vector<16xf32>
    %get3A_1340 = arith.constant 5 : i32
    %get3A_1341 = arith.index_cast %get3A_1340 : i32 to index
    %get3A_1342 = arith.constant 208 : index
    %get3A_1343 = tpu.vector_load %arg6[%get3A_1341, %get3A_1342] {strides = array<i32>} : memref<16x256xf32, #tpu.memory_space<vmem>>, vector<1x16xf32>,
    %get3A_1344 = vector.shape_cast %get3A_1343 : vector<1x16xf32> to vector<16xf32>
    %max3A_1345 = arith.maximumf %max3A_1339, %get3A_1344 : vector<16xf32>
    %get3A_1346 = arith.constant 6 : i32
    %get3A_1347 = arith.index_cast %get3A_1346 : i32 to index
    %get3A_1348 = arith.constant 208 : index
    %get3A_1349 = tpu.vector_load %arg6[%get3A_1347, %get3A_1348] {strides = array<i32>} : memref<16x256xf32, #tpu.memory_space<vmem>>, vector<1x16xf32>,
    %get3A_1350 = vector.shape_cast %get3A_1349 : vector<1x16xf32> to vector<16xf32>
    %max3A_1351 = arith.maximumf %max3A_1345, %get3A_1350 : vector<16xf32>
    %get3A_1352 = arith.constant 7 : i32
    %get3A_1353 = arith.index_cast %get3A_1352 : i32 to index
    %get3A_1354 = arith.constant 208 : index
    %get3A_1355 = tpu.vector_load %arg6[%get3A_1353, %get3A_1354] {strides = array<i32>} : memref<16x256xf32, #tpu.memory_space<vmem>>, vector<1x16xf32>,
    %get3A_1356 = vector.shape_cast %get3A_1355 : vector<1x16xf32> to vector<16xf32>
    %max3A_1357 = arith.maximumf %max3A_1351, %get3A_1356 : vector<16xf32>
    %get3A_1358 = arith.constant 8 : i32
    %get3A_1359 = arith.index_cast %get3A_1358 : i32 to index
    %get3A_1360 = arith.constant 208 : index
    %get3A_1361 = tpu.vector_load %arg6[%get3A_1359, %get3A_1360] {strides = array<i32>} : memref<16x256xf32, #tpu.memory_space<vmem>>, vector<1x16xf32>,
    %get3A_1362 = vector.shape_cast %get3A_1361 : vector<1x16xf32> to vector<16xf32>
    %max3A_1363 = arith.maximumf %max3A_1357, %get3A_1362 : vector<16xf32>
    %get3A_1364 = arith.constant 9 : i32
    %get3A_1365 = arith.index_cast %get3A_1364 : i32 to index
    %get3A_1366 = arith.constant 208 : index
    %get3A_1367 = tpu.vector_load %arg6[%get3A_1365, %get3A_1366] {strides = array<i32>} : memref<16x256xf32, #tpu.memory_space<vmem>>, vector<1x16xf32>,
    %get3A_1368 = vector.shape_cast %get3A_1367 : vector<1x16xf32> to vector<16xf32>
    %max3A_1369 = arith.maximumf %max3A_1363, %get3A_1368 : vector<16xf32>
    %get3A_1370 = arith.constant 10 : i32
    %get3A_1371 = arith.index_cast %get3A_1370 : i32 to index
    %get3A_1372 = arith.constant 208 : index
    %get3A_1373 = tpu.vector_load %arg6[%get3A_1371, %get3A_1372] {strides = array<i32>} : memref<16x256xf32, #tpu.memory_space<vmem>>, vector<1x16xf32>,
    %get3A_1374 = vector.shape_cast %get3A_1373 : vector<1x16xf32> to vector<16xf32>
    %max3A_1375 = arith.maximumf %max3A_1369, %get3A_1374 : vector<16xf32>
    %get3A_1376 = arith.constant 11 : i32
    %get3A_1377 = arith.index_cast %get3A_1376 : i32 to index
    %get3A_1378 = arith.constant 208 : index
    %get3A_1379 = tpu.vector_load %arg6[%get3A_1377, %get3A_1378] {strides = array<i32>} : memref<16x256xf32, #tpu.memory_space<vmem>>, vector<1x16xf32>,
    %get3A_1380 = vector.shape_cast %get3A_1379 : vector<1x16xf32> to vector<16xf32>
    %max3A_1381 = arith.maximumf %max3A_1375, %get3A_1380 : vector<16xf32>
    %get3A_1382 = arith.constant 12 : i32
    %get3A_1383 = arith.index_cast %get3A_1382 : i32 to index
    %get3A_1384 = arith.constant 208 : index
    %get3A_1385 = tpu.vector_load %arg6[%get3A_1383, %get3A_1384] {strides = array<i32>} : memref<16x256xf32, #tpu.memory_space<vmem>>, vector<1x16xf32>,
    %get3A_1386 = vector.shape_cast %get3A_1385 : vector<1x16xf32> to vector<16xf32>
    %max3A_1387 = arith.maximumf %max3A_1381, %get3A_1386 : vector<16xf32>
    %get3A_1388 = arith.constant 13 : i32
    %get3A_1389 = arith.index_cast %get3A_1388 : i32 to index
    %get3A_1390 = arith.constant 208 : index
    %get3A_1391 = tpu.vector_load %arg6[%get3A_1389, %get3A_1390] {strides = array<i32>} : memref<16x256xf32, #tpu.memory_space<vmem>>, vector<1x16xf32>,
    %get3A_1392 = vector.shape_cast %get3A_1391 : vector<1x16xf32> to vector<16xf32>
    %max3A_1393 = arith.maximumf %max3A_1387, %get3A_1392 : vector<16xf32>
    %get3A_1394 = arith.constant 14 : i32
    %get3A_1395 = arith.index_cast %get3A_1394 : i32 to index
    %get3A_1396 = arith.constant 208 : index
    %get3A_1397 = tpu.vector_load %arg6[%get3A_1395, %get3A_1396] {strides = array<i32>} : memref<16x256xf32, #tpu.memory_space<vmem>>, vector<1x16xf32>,
    %get3A_1398 = vector.shape_cast %get3A_1397 : vector<1x16xf32> to vector<16xf32>
    %max3A_1399 = arith.maximumf %max3A_1393, %get3A_1398 : vector<16xf32>
    %get3A_1400 = arith.constant 15 : i32
    %get3A_1401 = arith.index_cast %get3A_1400 : i32 to index
    %get3A_1402 = arith.constant 208 : index
    %get3A_1403 = tpu.vector_load %arg6[%get3A_1401, %get3A_1402] {strides = array<i32>} : memref<16x256xf32, #tpu.memory_space<vmem>>, vector<1x16xf32>,
    %get3A_1404 = vector.shape_cast %get3A_1403 : vector<1x16xf32> to vector<16xf32>
    %max3A_1405 = arith.maximumf %max3A_1399, %get3A_1404 : vector<16xf32>
    %swap3A_1406 = arith.constant 208 : index
    %swap3A_1407 = tpu.vector_load %arg5[%swap3A_1406] {strides = array<i32>} : memref<4096xf32, #tpu.memory_space<vmem>>, vector<16xf32>,
    %swap3A_1408 = vector.shape_cast %swap3A_1407 : vector<16xf32> to vector<16xf32>
    %swap3A_1409 = vector.shape_cast %max3A_1405 : vector<16xf32> to vector<16xf32>
    tpu.vector_store %arg5[%swap3A_1406], %swap3A_1409 {strides = array<i32>} : memref<4096xf32, #tpu.memory_space<vmem>>, vector<16xf32>,
    %get3A_1410 = arith.constant 0 : i32
    %get3A_1411 = arith.index_cast %get3A_1410 : i32 to index
    %get3A_1412 = arith.constant 224 : index
    %get3A_1413 = tpu.vector_load %arg6[%get3A_1411, %get3A_1412] {strides = array<i32>} : memref<16x256xf32, #tpu.memory_space<vmem>>, vector<1x16xf32>,
    %get3A_1414 = vector.shape_cast %get3A_1413 : vector<1x16xf32> to vector<16xf32>
    %get3A_1415 = arith.constant 1 : i32
    %get3A_1416 = arith.index_cast %get3A_1415 : i32 to index
    %get3A_1417 = arith.constant 224 : index
    %get3A_1418 = tpu.vector_load %arg6[%get3A_1416, %get3A_1417] {strides = array<i32>} : memref<16x256xf32, #tpu.memory_space<vmem>>, vector<1x16xf32>,
    %get3A_1419 = vector.shape_cast %get3A_1418 : vector<1x16xf32> to vector<16xf32>
    %max3A_1420 = arith.maximumf %get3A_1414, %get3A_1419 : vector<16xf32>
    %get3A_1421 = arith.constant 2 : i32
    %get3A_1422 = arith.index_cast %get3A_1421 : i32 to index
    %get3A_1423 = arith.constant 224 : index
    %get3A_1424 = tpu.vector_load %arg6[%get3A_1422, %get3A_1423] {strides = array<i32>} : memref<16x256xf32, #tpu.memory_space<vmem>>, vector<1x16xf32>,
    %get3A_1425 = vector.shape_cast %get3A_1424 : vector<1x16xf32> to vector<16xf32>
    %max3A_1426 = arith.maximumf %max3A_1420, %get3A_1425 : vector<16xf32>
    %get3A_1427 = arith.constant 3 : i32
    %get3A_1428 = arith.index_cast %get3A_1427 : i32 to index
    %get3A_1429 = arith.constant 224 : index
    %get3A_1430 = tpu.vector_load %arg6[%get3A_1428, %get3A_1429] {strides = array<i32>} : memref<16x256xf32, #tpu.memory_space<vmem>>, vector<1x16xf32>,
    %get3A_1431 = vector.shape_cast %get3A_1430 : vector<1x16xf32> to vector<16xf32>
    %max3A_1432 = arith.maximumf %max3A_1426, %get3A_1431 : vector<16xf32>
    %get3A_1433 = arith.constant 4 : i32
    %get3A_1434 = arith.index_cast %get3A_1433 : i32 to index
    %get3A_1435 = arith.constant 224 : index
    %get3A_1436 = tpu.vector_load %arg6[%get3A_1434, %get3A_1435] {strides = array<i32>} : memref<16x256xf32, #tpu.memory_space<vmem>>, vector<1x16xf32>,
    %get3A_1437 = vector.shape_cast %get3A_1436 : vector<1x16xf32> to vector<16xf32>
    %max3A_1438 = arith.maximumf %max3A_1432, %get3A_1437 : vector<16xf32>
    %get3A_1439 = arith.constant 5 : i32
    %get3A_1440 = arith.index_cast %get3A_1439 : i32 to index
    %get3A_1441 = arith.constant 224 : index
    %get3A_1442 = tpu.vector_load %arg6[%get3A_1440, %get3A_1441] {strides = array<i32>} : memref<16x256xf32, #tpu.memory_space<vmem>>, vector<1x16xf32>,
    %get3A_1443 = vector.shape_cast %get3A_1442 : vector<1x16xf32> to vector<16xf32>
    %max3A_1444 = arith.maximumf %max3A_1438, %get3A_1443 : vector<16xf32>
    %get3A_1445 = arith.constant 6 : i32
    %get3A_1446 = arith.index_cast %get3A_1445 : i32 to index
    %get3A_1447 = arith.constant 224 : index
    %get3A_1448 = tpu.vector_load %arg6[%get3A_1446, %get3A_1447] {strides = array<i32>} : memref<16x256xf32, #tpu.memory_space<vmem>>, vector<1x16xf32>,
    %get3A_1449 = vector.shape_cast %get3A_1448 : vector<1x16xf32> to vector<16xf32>
    %max3A_1450 = arith.maximumf %max3A_1444, %get3A_1449 : vector<16xf32>
    %get3A_1451 = arith.constant 7 : i32
    %get3A_1452 = arith.index_cast %get3A_1451 : i32 to index
    %get3A_1453 = arith.constant 224 : index
    %get3A_1454 = tpu.vector_load %arg6[%get3A_1452, %get3A_1453] {strides = array<i32>} : memref<16x256xf32, #tpu.memory_space<vmem>>, vector<1x16xf32>,
    %get3A_1455 = vector.shape_cast %get3A_1454 : vector<1x16xf32> to vector<16xf32>
    %max3A_1456 = arith.maximumf %max3A_1450, %get3A_1455 : vector<16xf32>
    %get3A_1457 = arith.constant 8 : i32
    %get3A_1458 = arith.index_cast %get3A_1457 : i32 to index
    %get3A_1459 = arith.constant 224 : index
    %get3A_1460 = tpu.vector_load %arg6[%get3A_1458, %get3A_1459] {strides = array<i32>} : memref<16x256xf32, #tpu.memory_space<vmem>>, vector<1x16xf32>,
    %get3A_1461 = vector.shape_cast %get3A_1460 : vector<1x16xf32> to vector<16xf32>
    %max3A_1462 = arith.maximumf %max3A_1456, %get3A_1461 : vector<16xf32>
    %get3A_1463 = arith.constant 9 : i32
    %get3A_1464 = arith.index_cast %get3A_1463 : i32 to index
    %get3A_1465 = arith.constant 224 : index
    %get3A_1466 = tpu.vector_load %arg6[%get3A_1464, %get3A_1465] {strides = array<i32>} : memref<16x256xf32, #tpu.memory_space<vmem>>, vector<1x16xf32>,
    %get3A_1467 = vector.shape_cast %get3A_1466 : vector<1x16xf32> to vector<16xf32>
    %max3A_1468 = arith.maximumf %max3A_1462, %get3A_1467 : vector<16xf32>
    %get3A_1469 = arith.constant 10 : i32
    %get3A_1470 = arith.index_cast %get3A_1469 : i32 to index
    %get3A_1471 = arith.constant 224 : index
    %get3A_1472 = tpu.vector_load %arg6[%get3A_1470, %get3A_1471] {strides = array<i32>} : memref<16x256xf32, #tpu.memory_space<vmem>>, vector<1x16xf32>,
    %get3A_1473 = vector.shape_cast %get3A_1472 : vector<1x16xf32> to vector<16xf32>
    %max3A_1474 = arith.maximumf %max3A_1468, %get3A_1473 : vector<16xf32>
    %get3A_1475 = arith.constant 11 : i32
    %get3A_1476 = arith.index_cast %get3A_1475 : i32 to index
    %get3A_1477 = arith.constant 224 : index
    %get3A_1478 = tpu.vector_load %arg6[%get3A_1476, %get3A_1477] {strides = array<i32>} : memref<16x256xf32, #tpu.memory_space<vmem>>, vector<1x16xf32>,
    %get3A_1479 = vector.shape_cast %get3A_1478 : vector<1x16xf32> to vector<16xf32>
    %max3A_1480 = arith.maximumf %max3A_1474, %get3A_1479 : vector<16xf32>
    %get3A_1481 = arith.constant 12 : i32
    %get3A_1482 = arith.index_cast %get3A_1481 : i32 to index
    %get3A_1483 = arith.constant 224 : index
    %get3A_1484 = tpu.vector_load %arg6[%get3A_1482, %get3A_1483] {strides = array<i32>} : memref<16x256xf32, #tpu.memory_space<vmem>>, vector<1x16xf32>,
    %get3A_1485 = vector.shape_cast %get3A_1484 : vector<1x16xf32> to vector<16xf32>
    %max3A_1486 = arith.maximumf %max3A_1480, %get3A_1485 : vector<16xf32>
    %get3A_1487 = arith.constant 13 : i32
    %get3A_1488 = arith.index_cast %get3A_1487 : i32 to index
    %get3A_1489 = arith.constant 224 : index
    %get3A_1490 = tpu.vector_load %arg6[%get3A_1488, %get3A_1489] {strides = array<i32>} : memref<16x256xf32, #tpu.memory_space<vmem>>, vector<1x16xf32>,
    %get3A_1491 = vector.shape_cast %get3A_1490 : vector<1x16xf32> to vector<16xf32>
    %max3A_1492 = arith.maximumf %max3A_1486, %get3A_1491 : vector<16xf32>
    %get3A_1493 = arith.constant 14 : i32
    %get3A_1494 = arith.index_cast %get3A_1493 : i32 to index
    %get3A_1495 = arith.constant 224 : index
    %get3A_1496 = tpu.vector_load %arg6[%get3A_1494, %get3A_1495] {strides = array<i32>} : memref<16x256xf32, #tpu.memory_space<vmem>>, vector<1x16xf32>,
    %get3A_1497 = vector.shape_cast %get3A_1496 : vector<1x16xf32> to vector<16xf32>
    %max3A_1498 = arith.maximumf %max3A_1492, %get3A_1497 : vector<16xf32>
    %get3A_1499 = arith.constant 15 : i32
    %get3A_1500 = arith.index_cast %get3A_1499 : i32 to index
    %get3A_1501 = arith.constant 224 : index
    %get3A_1502 = tpu.vector_load %arg6[%get3A_1500, %get3A_1501] {strides = array<i32>} : memref<16x256xf32, #tpu.memory_space<vmem>>, vector<1x16xf32>,
    %get3A_1503 = vector.shape_cast %get3A_1502 : vector<1x16xf32> to vector<16xf32>
    %max3A_1504 = arith.maximumf %max3A_1498, %get3A_1503 : vector<16xf32>
    %swap3A_1505 = arith.constant 224 : index
    %swap3A_1506 = tpu.vector_load %arg5[%swap3A_1505] {strides = array<i32>} : memref<4096xf32, #tpu.memory_space<vmem>>, vector<16xf32>,
    %swap3A_1507 = vector.shape_cast %swap3A_1506 : vector<16xf32> to vector<16xf32>
    %swap3A_1508 = vector.shape_cast %max3A_1504 : vector<16xf32> to vector<16xf32>
    tpu.vector_store %arg5[%swap3A_1505], %swap3A_1508 {strides = array<i32>} : memref<4096xf32, #tpu.memory_space<vmem>>, vector<16xf32>,
    %get3A_1509 = arith.constant 0 : i32
    %get3A_1510 = arith.index_cast %get3A_1509 : i32 to index
    %get3A_1511 = arith.constant 240 : index
    %get3A_1512 = tpu.vector_load %arg6[%get3A_1510, %get3A_1511] {strides = array<i32>} : memref<16x256xf32, #tpu.memory_space<vmem>>, vector<1x16xf32>,
    %get3A_1513 = vector.shape_cast %get3A_1512 : vector<1x16xf32> to vector<16xf32>
    %get3A_1514 = arith.constant 1 : i32
    %get3A_1515 = arith.index_cast %get3A_1514 : i32 to index
    %get3A_1516 = arith.constant 240 : index
    %get3A_1517 = tpu.vector_load %arg6[%get3A_1515, %get3A_1516] {strides = array<i32>} : memref<16x256xf32, #tpu.memory_space<vmem>>, vector<1x16xf32>,
    %get3A_1518 = vector.shape_cast %get3A_1517 : vector<1x16xf32> to vector<16xf32>
    %max3A_1519 = arith.maximumf %get3A_1513, %get3A_1518 : vector<16xf32>
    %get3A_1520 = arith.constant 2 : i32
    %get3A_1521 = arith.index_cast %get3A_1520 : i32 to index
    %get3A_1522 = arith.constant 240 : index
    %get3A_1523 = tpu.vector_load %arg6[%get3A_1521, %get3A_1522] {strides = array<i32>} : memref<16x256xf32, #tpu.memory_space<vmem>>, vector<1x16xf32>,
    %get3A_1524 = vector.shape_cast %get3A_1523 : vector<1x16xf32> to vector<16xf32>
    %max3A_1525 = arith.maximumf %max3A_1519, %get3A_1524 : vector<16xf32>
    %get3A_1526 = arith.constant 3 : i32
    %get3A_1527 = arith.index_cast %get3A_1526 : i32 to index
    %get3A_1528 = arith.constant 240 : index
    %get3A_1529 = tpu.vector_load %arg6[%get3A_1527, %get3A_1528] {strides = array<i32>} : memref<16x256xf32, #tpu.memory_space<vmem>>, vector<1x16xf32>,
    %get3A_1530 = vector.shape_cast %get3A_1529 : vector<1x16xf32> to vector<16xf32>
    %max3A_1531 = arith.maximumf %max3A_1525, %get3A_1530 : vector<16xf32>
    %get3A_1532 = arith.constant 4 : i32
    %get3A_1533 = arith.index_cast %get3A_1532 : i32 to index
    %get3A_1534 = arith.constant 240 : index
    %get3A_1535 = tpu.vector_load %arg6[%get3A_1533, %get3A_1534] {strides = array<i32>} : memref<16x256xf32, #tpu.memory_space<vmem>>, vector<1x16xf32>,
    %get3A_1536 = vector.shape_cast %get3A_1535 : vector<1x16xf32> to vector<16xf32>
    %max3A_1537 = arith.maximumf %max3A_1531, %get3A_1536 : vector<16xf32>
    %get3A_1538 = arith.constant 5 : i32
    %get3A_1539 = arith.index_cast %get3A_1538 : i32 to index
    %get3A_1540 = arith.constant 240 : index
    %get3A_1541 = tpu.vector_load %arg6[%get3A_1539, %get3A_1540] {strides = array<i32>} : memref<16x256xf32, #tpu.memory_space<vmem>>, vector<1x16xf32>,
    %get3A_1542 = vector.shape_cast %get3A_1541 : vector<1x16xf32> to vector<16xf32>
    %max3A_1543 = arith.maximumf %max3A_1537, %get3A_1542 : vector<16xf32>
    %get3A_1544 = arith.constant 6 : i32
    %get3A_1545 = arith.index_cast %get3A_1544 : i32 to index
    %get3A_1546 = arith.constant 240 : index
    %get3A_1547 = tpu.vector_load %arg6[%get3A_1545, %get3A_1546] {strides = array<i32>} : memref<16x256xf32, #tpu.memory_space<vmem>>, vector<1x16xf32>,
    %get3A_1548 = vector.shape_cast %get3A_1547 : vector<1x16xf32> to vector<16xf32>
    %max3A_1549 = arith.maximumf %max3A_1543, %get3A_1548 : vector<16xf32>
    %get3A_1550 = arith.constant 7 : i32
    %get3A_1551 = arith.index_cast %get3A_1550 : i32 to index
    %get3A_1552 = arith.constant 240 : index
    %get3A_1553 = tpu.vector_load %arg6[%get3A_1551, %get3A_1552] {strides = array<i32>} : memref<16x256xf32, #tpu.memory_space<vmem>>, vector<1x16xf32>,
    %get3A_1554 = vector.shape_cast %get3A_1553 : vector<1x16xf32> to vector<16xf32>
    %max3A_1555 = arith.maximumf %max3A_1549, %get3A_1554 : vector<16xf32>
    %get3A_1556 = arith.constant 8 : i32
    %get3A_1557 = arith.index_cast %get3A_1556 : i32 to index
    %get3A_1558 = arith.constant 240 : index
    %get3A_1559 = tpu.vector_load %arg6[%get3A_1557, %get3A_1558] {strides = array<i32>} : memref<16x256xf32, #tpu.memory_space<vmem>>, vector<1x16xf32>,
    %get3A_1560 = vector.shape_cast %get3A_1559 : vector<1x16xf32> to vector<16xf32>
    %max3A_1561 = arith.maximumf %max3A_1555, %get3A_1560 : vector<16xf32>
    %get3A_1562 = arith.constant 9 : i32
    %get3A_1563 = arith.index_cast %get3A_1562 : i32 to index
    %get3A_1564 = arith.constant 240 : index
    %get3A_1565 = tpu.vector_load %arg6[%get3A_1563, %get3A_1564] {strides = array<i32>} : memref<16x256xf32, #tpu.memory_space<vmem>>, vector<1x16xf32>,
    %get3A_1566 = vector.shape_cast %get3A_1565 : vector<1x16xf32> to vector<16xf32>
    %max3A_1567 = arith.maximumf %max3A_1561, %get3A_1566 : vector<16xf32>
    %get3A_1568 = arith.constant 10 : i32
    %get3A_1569 = arith.index_cast %get3A_1568 : i32 to index
    %get3A_1570 = arith.constant 240 : index
    %get3A_1571 = tpu.vector_load %arg6[%get3A_1569, %get3A_1570] {strides = array<i32>} : memref<16x256xf32, #tpu.memory_space<vmem>>, vector<1x16xf32>,
    %get3A_1572 = vector.shape_cast %get3A_1571 : vector<1x16xf32> to vector<16xf32>
    %max3A_1573 = arith.maximumf %max3A_1567, %get3A_1572 : vector<16xf32>
    %get3A_1574 = arith.constant 11 : i32
    %get3A_1575 = arith.index_cast %get3A_1574 : i32 to index
    %get3A_1576 = arith.constant 240 : index
    %get3A_1577 = tpu.vector_load %arg6[%get3A_1575, %get3A_1576] {strides = array<i32>} : memref<16x256xf32, #tpu.memory_space<vmem>>, vector<1x16xf32>,
    %get3A_1578 = vector.shape_cast %get3A_1577 : vector<1x16xf32> to vector<16xf32>
    %max3A_1579 = arith.maximumf %max3A_1573, %get3A_1578 : vector<16xf32>
    %get3A_1580 = arith.constant 12 : i32
    %get3A_1581 = arith.index_cast %get3A_1580 : i32 to index
    %get3A_1582 = arith.constant 240 : index
    %get3A_1583 = tpu.vector_load %arg6[%get3A_1581, %get3A_1582] {strides = array<i32>} : memref<16x256xf32, #tpu.memory_space<vmem>>, vector<1x16xf32>,
    %get3A_1584 = vector.shape_cast %get3A_1583 : vector<1x16xf32> to vector<16xf32>
    %max3A_1585 = arith.maximumf %max3A_1579, %get3A_1584 : vector<16xf32>
    %get3A_1586 = arith.constant 13 : i32
    %get3A_1587 = arith.index_cast %get3A_1586 : i32 to index
    %get3A_1588 = arith.constant 240 : index
    %get3A_1589 = tpu.vector_load %arg6[%get3A_1587, %get3A_1588] {strides = array<i32>} : memref<16x256xf32, #tpu.memory_space<vmem>>, vector<1x16xf32>,
    %get3A_1590 = vector.shape_cast %get3A_1589 : vector<1x16xf32> to vector<16xf32>
    %max3A_1591 = arith.maximumf %max3A_1585, %get3A_1590 : vector<16xf32>
    %get3A_1592 = arith.constant 14 : i32
    %get3A_1593 = arith.index_cast %get3A_1592 : i32 to index
    %get3A_1594 = arith.constant 240 : index
    %get3A_1595 = tpu.vector_load %arg6[%get3A_1593, %get3A_1594] {strides = array<i32>} : memref<16x256xf32, #tpu.memory_space<vmem>>, vector<1x16xf32>,
    %get3A_1596 = vector.shape_cast %get3A_1595 : vector<1x16xf32> to vector<16xf32>
    %max3A_1597 = arith.maximumf %max3A_1591, %get3A_1596 : vector<16xf32>
    %get3A_1598 = arith.constant 15 : i32
    %get3A_1599 = arith.index_cast %get3A_1598 : i32 to index
    %get3A_1600 = arith.constant 240 : index
    %get3A_1601 = tpu.vector_load %arg6[%get3A_1599, %get3A_1600] {strides = array<i32>} : memref<16x256xf32, #tpu.memory_space<vmem>>, vector<1x16xf32>,
    %get3A_1602 = vector.shape_cast %get3A_1601 : vector<1x16xf32> to vector<16xf32>
    %max3A_1603 = arith.maximumf %max3A_1597, %get3A_1602 : vector<16xf32>
    %swap3A_1604 = arith.constant 240 : index
    %swap3A_1605 = tpu.vector_load %arg5[%swap3A_1604] {strides = array<i32>} : memref<4096xf32, #tpu.memory_space<vmem>>, vector<16xf32>,
    %swap3A_1606 = vector.shape_cast %swap3A_1605 : vector<16xf32> to vector<16xf32>
    %swap3A_1607 = vector.shape_cast %max3A_1603 : vector<16xf32> to vector<16xf32>
    tpu.vector_store %arg5[%swap3A_1604], %swap3A_1607 {strides = array<i32>} : memref<4096xf32, #tpu.memory_space<vmem>>, vector<16xf32>,
    "tpu.region"() ({
      %run_scoped3A = tpu.sem_alloc : memref<!tpu.dma_semaphore, #tpu.memory_space<semaphore_mem>>
      %dma_start3A = arith.constant 0 : i32
      %dma_start3A_1608 = tpu.memref_slice %arg5[%dma_start3A] : memref<4096xf32, #tpu.memory_space<vmem>> -> memref<256xf32, #tpu.memory_space<vmem>>
      %dma_start3A_1609 = tpu.memref_slice %arg3[%arg0, %mul3A_26] : memref<2x4096xf32, #tpu.memory_space<hbm>> -> memref<1x256xf32, #tpu.memory_space<hbm>>
      %dma_start3A_1610 = tpu.memref_squeeze %dma_start3A_1609 : memref<1x256xf32, #tpu.memory_space<hbm>> -> memref<256xf32, #tpu.memory_space<hbm>>
      %dma_start3A_1611 = tpu.memref_slice %arg3[%arg0, %mul3A_26] : memref<2x4096xf32, #tpu.memory_space<hbm>> -> memref<1x256xf32, #tpu.memory_space<hbm>>
      %dma_start3A_1612 = tpu.memref_squeeze %dma_start3A_1611 : memref<1x256xf32, #tpu.memory_space<hbm>> -> memref<256xf32, #tpu.memory_space<hbm>>
      %dma_start3A_1613 = arith.constant 0 : i32
      %dma_start3A_1614 = tpu.memref_slice %arg5[%dma_start3A_1613] : memref<4096xf32, #tpu.memory_space<vmem>> -> memref<256xf32, #tpu.memory_space<vmem>>
      tpu.enqueue_dma source(%dma_start3A_1614 : memref<256xf32, #tpu.memory_space<vmem>>) target(%dma_start3A_1612 : memref<256xf32, #tpu.memory_space<hbm>>) target_semaphore(%run_scoped3A : memref<!tpu.dma_semaphore, #tpu.memory_space<semaphore_mem>>)
      %dma_wait3A = arith.constant 0 : i32
      %dma_wait3A_1615 = tpu.memref_slice %arg5[%dma_wait3A] : memref<4096xf32, #tpu.memory_space<vmem>> -> memref<256xf32, #tpu.memory_space<vmem>>
      %dma_wait3A_1616 = tpu.memref_slice %arg3[%arg0, %mul3A_26] : memref<2x4096xf32, #tpu.memory_space<hbm>> -> memref<1x256xf32, #tpu.memory_space<hbm>>
      %dma_wait3A_1617 = tpu.memref_squeeze %dma_wait3A_1616 : memref<1x256xf32, #tpu.memory_space<hbm>> -> memref<256xf32, #tpu.memory_space<hbm>>
      %dma_wait3A_1618 = tpu.memref_slice %arg3[%arg0, %mul3A_26] : memref<2x4096xf32, #tpu.memory_space<hbm>> -> memref<1x256xf32, #tpu.memory_space<hbm>>
      %dma_wait3A_1619 = tpu.memref_squeeze %dma_wait3A_1618 : memref<1x256xf32, #tpu.memory_space<hbm>> -> memref<256xf32, #tpu.memory_space<hbm>>
      %dma_wait3A_1620 = arith.constant 0 : i32
      %dma_wait3A_1621 = tpu.memref_slice %arg5[%dma_wait3A_1620] : memref<4096xf32, #tpu.memory_space<vmem>> -> memref<256xf32, #tpu.memory_space<vmem>>
      tpu.wait_dma2 semaphore(%run_scoped3A : memref<!tpu.dma_semaphore, #tpu.memory_space<semaphore_mem>>) src(%dma_wait3A_1621 : memref<256xf32, #tpu.memory_space<vmem>>) dst(%dma_wait3A_1619 : memref<256xf32, #tpu.memory_space<hbm>>)
      tpu.yield
    }) : () -> ()
    return
  }
}

module attributes {stable_mosaic.version = 14 : i64} {
  func.func @_router_body(%arg0: i32, %arg1: memref<512x2048xf32, #tpu.memory_space<vmem>>, %arg2: memref<2048x16xf32, #tpu.memory_space<vmem>>, %arg3: memref<512x16xf32, #tpu.memory_space<vmem>>, %arg4: memref<512x16xf32, #tpu.memory_space<vmem>>, %arg5: memref<16x512xi32, #tpu.memory_space<vmem>>) attributes {dimension_semantics = [#tpu.dimension_semantics<arbitrary>], iteration_bounds = array<i64: 16>, scalar_prefetch = 0 : i64, scratch_operands = 0 : i64, tpu.core_type = #tpu.core_type<tc>, window_params = [{transform_indices = @transform_0, window_bounds = array<i64: 512, 2048>}, {pipeline_mode = #tpu.pipeline_mode<synchronous>, transform_indices = @transform_1, window_bounds = array<i64: 2048, 16>}, {transform_indices = @transform_2, window_bounds = array<i64: 512, 16>}, {transform_indices = @transform_3, window_bounds = array<i64: 512, 16>}, {transform_indices = @transform_4, window_bounds = array<i64: 16, 512>}]} {
    %get3A = arith.constant 0 : index
    %get3A_0 = arith.constant 0 : index
    %get3A_1 = vector.load %arg1[%get3A, %get3A_0] : memref<512x2048xf32, #tpu.memory_space<vmem>>, vector<512x2048xf32>
    %get3A_2 = arith.constant 0 : index
    %get3A_3 = arith.constant 0 : index
    %get3A_4 = vector.load %arg2[%get3A_2, %get3A_3] : memref<2048x16xf32, #tpu.memory_space<vmem>>, vector<2048x16xf32>
    %dot_general3A = arith.constant dense<0.000000e+00> : vector<512x16xf32>
    %dot_general3A_5 = tpu.matmul %get3A_1, %get3A_4, %dot_general3A {dimension_numbers = #tpu.dot_dimension_numbers<[1], [0], [0], [1], [0, 0, 1, 1], [], []>, transpose_lhs_hint = false} : vector<512x2048xf32>, vector<2048x16xf32>, vector<512x16xf32> -> vector<512x16xf32>
    %reduce_max3A = arith.constant dense<0xFF800000> : vector<512xf32>
    %reduce_max3A_6 = vector.multi_reduction <maximumf>, %dot_general3A_5, %reduce_max3A [1] : vector<512x16xf32> to vector<512xf32>
    %broadcast_in_dim3A = vector.shape_cast %reduce_max3A_6 : vector<512xf32> to vector<512x1xf32>
    %sub3A = vector.broadcast %broadcast_in_dim3A : vector<512x1xf32> to vector<512x16xf32>
    %sub3A_7 = arith.subf %dot_general3A_5, %sub3A : vector<512x16xf32>
    %exp3A = math.exp %sub3A_7 : vector<512x16xf32>
    %reduce_sum3A = arith.constant dense<0.000000e+00> : vector<512xf32>
    %reduce_sum3A_8 = vector.multi_reduction <add>, %exp3A, %reduce_sum3A [1] : vector<512x16xf32> to vector<512xf32>
    %broadcast_in_dim3A_9 = vector.shape_cast %reduce_sum3A_8 : vector<512xf32> to vector<512x1xf32>
    %div3A = vector.broadcast %broadcast_in_dim3A_9 : vector<512x1xf32> to vector<512x16xf32>
    %div3A_10 = arith.divf %exp3A, %div3A : vector<512x16xf32>
    %swap3A = arith.constant 0 : index
    %swap3A_11 = arith.constant 0 : index
    %swap3A_12 = vector.load %arg3[%swap3A, %swap3A_11] : memref<512x16xf32, #tpu.memory_space<vmem>>, vector<512x16xf32>
    tpu.vector_store %arg3[%swap3A, %swap3A_11], %dot_general3A_5 {strides = array<i32>} : memref<512x16xf32, #tpu.memory_space<vmem>>, vector<512x16xf32>,
    %swap3A_13 = arith.constant 0 : index
    %swap3A_14 = arith.constant 0 : index
    %swap3A_15 = vector.load %arg4[%swap3A_13, %swap3A_14] : memref<512x16xf32, #tpu.memory_space<vmem>>, vector<512x16xf32>
    tpu.vector_store %arg4[%swap3A_13, %swap3A_14], %div3A_10 {strides = array<i32>} : memref<512x16xf32, #tpu.memory_space<vmem>>, vector<512x16xf32>,
    %transpose3A = tpu.transpose %div3A_10, [1, 0] : vector<512x16xf32> -> vector<16x512xf32>
    %bitcast_convert_type3A = tpu.bitcast %transpose3A : vector<16x512xf32> -> vector<16x512xi32>
    %swap3A_16 = arith.constant 0 : index
    %swap3A_17 = arith.constant 0 : index
    %swap3A_18 = vector.load %arg5[%swap3A_16, %swap3A_17] : memref<16x512xi32, #tpu.memory_space<vmem>>, vector<16x512xi32>
    tpu.vector_store %arg5[%swap3A_16, %swap3A_17], %bitcast_convert_type3A {strides = array<i32>} : memref<16x512xi32, #tpu.memory_space<vmem>>, vector<16x512xi32>,
    return
  }
  func.func @transform_0(%arg0: i32) -> (i32, i32) {
    %c0_i32 = arith.constant 0 : i32
    %c0_i32_0 = arith.constant 0 : i32
    return %arg0, %c0_i32 : i32, i32
  }
  func.func @transform_1(%arg0: i32) -> (i32, i32) {
    %c0_i32 = arith.constant 0 : i32
    %c0_i32_0 = arith.constant 0 : i32
    %c0_i32_1 = arith.constant 0 : i32
    return %c0_i32, %c0_i32_0 : i32, i32
  }
  func.func @transform_2(%arg0: i32) -> (i32, i32) {
    %c0_i32 = arith.constant 0 : i32
    %c0_i32_0 = arith.constant 0 : i32
    return %arg0, %c0_i32 : i32, i32
  }
  func.func @transform_3(%arg0: i32) -> (i32, i32) {
    %c0_i32 = arith.constant 0 : i32
    %c0_i32_0 = arith.constant 0 : i32
    return %arg0, %c0_i32 : i32, i32
  }
  func.func @transform_4(%arg0: i32) -> (i32, i32) {
    %jit3A = arith.constant 8 : i32
    %div3A = arith.divsi %arg0, %jit3A : i32
    %sign3A = arith.constant 0 : i32
    %sign3A_0 = arith.cmpi sgt, %arg0, %sign3A : i32
    %sign3A_1 = arith.extui %sign3A_0 : i1 to i32
    %sign3A_2 = arith.constant 0 : i32
    %sign3A_3 = arith.cmpi slt, %arg0, %sign3A_2 : i32
    %sign3A_4 = arith.extui %sign3A_3 : i1 to i32
    %sign3A_5 = arith.subi %sign3A_1, %sign3A_4 : i32
    %sign3A_6 = arith.constant 0 : i32
    %sign3A_7 = arith.cmpi sgt, %jit3A, %sign3A_6 : i32
    %sign3A_8 = arith.extui %sign3A_7 : i1 to i32
    %sign3A_9 = arith.constant 0 : i32
    %sign3A_10 = arith.cmpi slt, %jit3A, %sign3A_9 : i32
    %sign3A_11 = arith.extui %sign3A_10 : i1 to i32
    %sign3A_12 = arith.subi %sign3A_8, %sign3A_11 : i32
    %ne3A = arith.cmpi ne, %sign3A_5, %sign3A_12 : i32
    %rem3A = arith.remsi %arg0, %jit3A : i32
    %ne3A_13 = arith.constant 0 : i32
    %ne3A_14 = arith.cmpi ne, %rem3A, %ne3A_13 : i32
    %and3A = arith.andi %ne3A, %ne3A_14 : i1
    %sub3A = arith.constant 1 : i32
    %sub3A_15 = arith.subi %div3A, %sub3A : i32
    %select_n3A = arith.select %and3A, %sub3A_15, %div3A : i32
    %jit3A_16 = arith.constant 8 : i32
    %eq3A = arith.constant 0 : i32
    %eq3A_17 = arith.cmpi eq, %jit3A_16, %eq3A : i32
    %jit3A_18 = arith.constant 1 : i32
    %select_n3A_19 = arith.select %eq3A_17, %jit3A_18, %jit3A_16 : i32
    %rem3A_20 = arith.remsi %arg0, %select_n3A_19 : i32
    %ne3A_21 = arith.constant 0 : i32
    %ne3A_22 = arith.cmpi ne, %rem3A_20, %ne3A_21 : i32
    %lt3A = arith.constant 0 : i32
    %lt3A_23 = arith.cmpi slt, %rem3A_20, %lt3A : i32
    %lt3A_24 = arith.constant 0 : i32
    %lt3A_25 = arith.cmpi slt, %select_n3A_19, %lt3A_24 : i32
    %ne3A_26 = arith.xori %lt3A_23, %lt3A_25 : i1
    %and3A_27 = arith.andi %ne3A_26, %ne3A_22 : i1
    %add3A = arith.addi %rem3A_20, %select_n3A_19 : i32
    %select_n3A_28 = arith.select %and3A_27, %add3A, %rem3A_20 : i32
    %c0_i32 = arith.constant 0 : i32
    return %select_n3A, %select_n3A_28 : i32, i32
  }
}

</mosaic_0001>

<sc_bundles>
// kernel: kernel.4.cloned.1.call-start
scs
__scs_entry_jumppad:
0x0: {  	(pc) =	sbr.rel $0x88, $3  }
0x1: {  	(tag) =	ssettag $0x0;
	lr =	simm.s32 $0x1  }
0x2: {  	[smem:$0x3F9F] =	sst lr;
	_ =	strace $0xD0000000  }
0x3: {  	_ = 	snop  }
0x4: {  	_ = 	snop  }
0x5: {  	_ = 	snop  }
0x6: {  	_ = 	snop  }
0x7: {  	_ = 	snop  }
__scs_overlays_trampoline_lowered:
0x8: {  	[smem:$0x3FAE] =	sst s0  }
0x9: {  	[smem:$0x3FAF] =	sst s1  }
0xa: {  	[smem:$0x3FB0] =	sst s2  }
0xb: {  	[smem:$0x3FB1] =	sst s3  }
0xc: {  	[smem:$0x3FB2] =	sst s4  }
0xd: {  	[smem:$0x3FB3] =	sst s5  }
0xe: {  	[smem:$0x3FB4] =	sst s6  }
0xf: {  	[smem:$0x3FB5] =	sst s7  }
0x10: {  	[smem:$0x3FB6] =	sst s8  }
0x11: {  	[smem:$0x3FB7] =	sst s9;
	s0 =	simm.s32 @!p0 $0x0  }
0x12: {  	s1 =	sld [smem:$0x3F9D];
	s0 =	simm.s32 @p0 $0x1  }
0x13: {  	[smem:$0x3FB8] =	sst s0;
	s0 =	simm.s32 @!p1 $0x0  }
0x14: {  	s2 =	sld [smem:$0x3F9C];
	s0 =	simm.s32 @p1 $0x1  }
0x15: {  	[smem:$0x3FB9] =	sst s0;
	s0 =	simm.s32 @!p2 $0x0  }
0x16: {  	s3 =	sld [smem:$0x3FDB];
	s0 =	simm.s32 @p2 $0x1  }
0x17: {  	s4 =	simm.s32 $0x1BF5;
	[smem:$0x3FBB] =	sst s0  }
0x18: {  	s0 =	sld [smem:$0x3F9E];
	_ =	swait.ge [sflag:s4], $0x0  }
0x19: {  	s7 =	sld [smem:$0x3F9F]  }
0x1a: {  	s8 =	sadd.s32 $0xFFFFE003, lr  }
0x1b: {  	s9 =	sadd.s32 $0xFFFFFEF7, lr;
	s5 =	simm.s32 $0xFFFFFFFF;
	p2 =	slt.u32 s8, $0xFFFFF086  }
0x1c: {  	p1 =	slt.u32 s9, $0xF7A;
	s5 =	simm.s32 @!p2 $0x0  }
0x1d: {  	s5 =	simm.s32 @p1 $0x1;
	p0 =	seq.s32 s7, s2  }
0x1e: {  	s7 =	smul.u32 @!p0 $0xF7A, s2;
	p2 =	seq.s32 @!p0 s5, $0x0  }
0x1f: {  	s9 =	smul.u32 $0xF7A, s1;
	s8 =	simm.s32 @!p0 $0x1BF5;
	p2 =	por !p2, p0  }
0x20: {  	[sflag:s8] =	ssyncset.s32 @!p0 $0xFFFFF086;
	s6 =	sadd.s32 @!p0 s3, s7;
	s7 =	simm.s32 @!p0 $0x108  }
0x21: {  	s3 =	sadd.s32 s3, s9;
	s6 =	sadd.s32 @!p0 $0x88, s6;
	s7 =	simm.s32 @p2 $0x1082  }
0x22: {  	[simem:s7], [sflag:s8] =	dma.local @!p0 [hbm:s6], $0xF7A  }
0x23: {  	s9 =	sor.u32 $0xD0000000, s2;
	s6 =	simm.s32 $0x108;
	_ =	swait.ge @!p0 [sflag:s8], $0x0  }
0x24: {  	s3 =	sadd.s32 $0x88, s3;
	s6 =	simm.s32 @!p1 $0x1082;
	[sflag:s4] =	ssyncset.s32 $0xFFFFF086  }
0x25: {  	[simem:s6], [sflag:s4] =	dma.local [hbm:s3], $0xF7A  }
0x26: {  	[smem:$0x3F9F] =	sst s1;
	(tag) =	ssettag s2;
	_ =	strace s9  }
0x27: {  	s1 =	sld [smem:$0x3FAF]  }
0x28: {  	s2 =	sld [smem:$0x3FB0]  }
0x29: {  	s4 =	sld [smem:$0x3FB2]  }
0x2a: {  	p0 =	seq.s32 s5, $0x0;
	s5 =	sld [smem:$0x3FB3]  }
0x2b: {  	s6 =	sld [smem:$0x3FB4]  }
0x2c: {  	s7 =	sld [smem:$0x3FB5]  }
0x2d: {  	s3 =	simm.s32 $0x108;
	s8 =	sld [smem:$0x3FB6]  }
0x2e: {  	s3 =	simm.s32 @!p0 $0x1082;
	s9 =	sld [smem:$0x3FB7]  }
0x2f: {  	lr =	sadd.s32 s0, s3;
	s0 =	sld [smem:$0x3FAE]  }
0x30: {  	s3 =	sld [smem:$0x3FB1]  }
0x31: {  	[smem:$0x3FBA] =	sst s10  }
0x32: {  	s10 =	sld [smem:$0x3FB8];
	_ =	sdelay $0x3  }
0x33: {  	p0 =	seq.s32 s10, $0x1;
	s10 =	sld [smem:$0x3FBA];
	_ =	sdelay $0x3  }
0x34: {  	[smem:$0x3FBA] =	sst s10  }
0x35: {  	s10 =	sld [smem:$0x3FB9];
	_ =	sdelay $0x3  }
0x36: {  	p1 =	seq.s32 s10, $0x1;
	s10 =	sld [smem:$0x3FBA];
	_ =	sdelay $0x3  }
0x37: {  	[smem:$0x3FBA] =	sst s10  }
0x38: {  	s10 =	sld [smem:$0x3FBB]  }
0x39: {  	_ = 	snop;
	(pc) =	sbr.ind lr, $3  }
0x3a: {  	_ = 	snop  }
0x3b: {  	_ = 	snop  }
0x3c: {  	p2 =	seq.s32 s10, $0x1;
	s10 =	sld [smem:$0x3FBA]  }
0x3d: {  	_ =	shalt  }
0x3e: {  	_ =	shalt  }
0x3f: {  	_ =	shalt  }
0x40: {  	_ =	shalt  }
0x41: {  	_ =	shalt  }
0x42: {  	_ =	shalt  }
0x43: {  	_ =	shalt  }
0x44: {  	_ =	shalt  }
0x45: {  	_ =	shalt  }
0x46: {  	_ =	shalt  }
0x47: {  	_ =	shalt  }
0x48: {  	_ =	shalt  }
0x49: {  	_ =	shalt  }
0x4a: {  	_ =	shalt  }
0x4b: {  	_ =	shalt  }
0x4c: {  	_ =	shalt  }
0x4d: {  	_ =	shalt  }
0x4e: {  	_ =	shalt  }
0x4f: {  	_ =	shalt  }
0x50: {  	_ =	shalt  }
0x51: {  	_ =	shalt  }
0x52: {  	_ =	shalt  }
0x53: {  	_ =	shalt  }
0x54: {  	_ =	shalt  }
0x55: {  	_ =	shalt  }
0x56: {  	_ =	shalt  }
0x57: {  	_ =	shalt  }
0x58: {  	_ =	shalt  }
0x59: {  	_ =	shalt  }
0x5a: {  	_ =	shalt  }
0x5b: {  	_ =	shalt  }
0x5c: {  	_ =	shalt  }
0x5d: {  	_ =	shalt  }
0x5e: {  	_ =	shalt  }
0x5f: {  	_ =	shalt  }
0x60: {  	_ =	shalt  }
0x61: {  	_ =	shalt  }
0x62: {  	_ =	shalt  }
0x63: {  	_ =	shalt  }
0x64: {  	_ =	shalt  }
0x65: {  	_ =	shalt  }
0x66: {  	_ =	shalt  }
0x67: {  	_ =	shalt  }
0x68: {  	_ =	shalt  }
0x69: {  	_ =	shalt  }
0x6a: {  	_ =	shalt  }
0x6b: {  	_ =	shalt  }
0x6c: {  	_ =	shalt  }
0x6d: {  	_ =	shalt  }
0x6e: {  	_ =	shalt  }
0x6f: {  	_ =	shalt  }
0x70: {  	_ =	shalt  }
0x71: {  	_ =	shalt  }
0x72: {  	_ =	shalt  }
0x73: {  	_ =	shalt  }
0x74: {  	_ =	shalt  }
0x75: {  	_ =	shalt  }
0x76: {  	_ =	shalt  }
0x77: {  	_ =	shalt  }
0x78: {  	_ =	shalt  }
0x79: {  	_ =	shalt  }
0x7a: {  	_ =	shalt  }
0x7b: {  	_ =	shalt  }
0x7c: {  	_ =	shalt  }
0x7d: {  	_ =	shalt  }
0x7e: {  	_ =	shalt  }
0x7f: {  	_ =	shalt  }
0x80: {  	_ =	shalt  }
0x81: {  	_ =	shalt  }
0x82: {  	_ =	shalt  }
0x83: {  	_ =	shalt  }
0x84: {  	_ =	shalt  }
0x85: {  	_ =	shalt  }
0x86: {  	_ =	shalt  }
0x87: {  	_ =	shalt  }
.Lfunc_end0:
.L_simem_size_0:
called_computation_lowered:
.L_overlay_start_0:
0x88: {  	s2 =	sld [smem:$0x3FD9]  }
0x89: {  	s3 =	sld [smem:$0x3FFE];
	_ =	sdelay $0x1  }
0x8a: {  	s1 =	srdreg.scid  }
0x8b: {  	s0 =	sand.u32 $0x1, s1  }
0x8c: {  	s14 =	sshll.u32 s0, $0xA;
	s2 =	sadd.s32 s3, s2  }
0x8d: {  	s2 =	sadd.s32 s2, s14  }
0x8e: {  	[smem:$0x3FC6] =	sst s2  }
0x8f: {  	_ = 	snop  }
0x90: {  	s2 =	sld [smem:$0x3FD0];
	_ =	sdelay $0x2  }
0x91: {  	s15 =	simm.s32 $0xA;
	s4 =	simm.s32 $0x10  }
0x92: {  	[smem:s4], [sflag:s15] =	dma.local [hbm:s2], $0x1  }
0x93: {  	_ =	swait.eq [sflag:s15], $0x1  }
0x94: {  	[sflag:s15] =	ssyncset.done $0x0  }
0x95: {  	[sflag:s15] =	ssyncadd.s32 $0xFFFFFFFF  }
0x96: {  	s16 =	sld [smem:$0x10];
	(tm) =	ssettm $0x1  }
0x97: {  	s17 =	sld [smem:$0x3FFB];
	_ =	sdelay $0x3  }
0x98: {  	_ =	strace s17  }
0x99: {  	s3 =	sld [smem:$0x3FFC];
	_ =	sdelay $0x3  }
0x9a: {  	_ =	strace s3  }
0x9b: {  	s3 =	sld [smem:$0x3FFD];
	_ =	sdelay $0x3  }
0x9c: {  	_ =	strace s3  }
0x9d: {  	_ =	strace $0x8FFFFFFF  }
0x9e: {  	s18 =	sld [smem:$0x3FDB];
	_ =	sdelay $0x1  }
0x9f: {  	s19 =	simm.s32 $_scs_section_size  }
0xa0: {  	s5 =	simm.s32 $_size__tile_overlayer_lowered;
	s6 =	simm.s32 $_tile_overlayer_lowered  }
0xa1: {  	s22 =	simm.s32 $0x1BFF;
	s21 =	sshll.u32 s6, $0x1;
	s3 =	sadd.s32 s19, s18  }
0xa2: {  	s7 =	simm.s32 $0x0;
	s20 =	sshll.u32 s5, $0x1;
	s5 =	sadd.s32 s21, s3  }
0xa3: {  	[timem:s7], [sflag:s22] =	dma.local [hbm:s5], s20  }
0xa4: {  	_ =	swait.ge [sflag:s22], s20  }
0xa5: {  	s4 =	ssub.s32 $0x0, s20;
	[sflag:s22] =	ssyncset.done $0x0  }
0xa6: {  	[sflag:s22] =	ssyncadd.s32 s4;
	_ =	sdelay $0x1  }
0xa7: {  	s23 =	simm.s32 $0x1B8B  }
0xa8: {  	_ =	swait.ge [sflag:s23], $0x1  }
0xa9: {  	[sflag:s23] =	ssyncset.done $0x0  }
0xaa: {  	s25 =	simm.s32 $0x1B8E;
	s24 =	sld [smem:$0x3FFE];
	[sflag:s23] =	ssyncadd.s32 $0xFFFFFFFF  }
0xab: {  	s26 =	simm.s32 $execute0_lowered;
	[smem:$0x3FD2] =	sst s25  }
0xac: {  	s5 =	sshll.u32 s26, $0x1;
	_ =	strace $0x80000046;
	[dreg:$0x1] =	wrdreg $0xFFFFFFFF  }
0xad: {  	s28 =	simm.s32 $_size_execute0_lowered;
	s3 =	sadd.s32 s3, s5;
	[dreg:$0x0] =	wrdreg $0x0  }
0xae: {  	s5 =	sshll.u32 s28, $0x1;
	[dreg:$0x2] =	wrdreg s3  }
0xaf: {  	[dreg:$0x3] =	wrdreg s5  }
0xb0: {  	[dreg:$0x4] =	wrdreg $0xC0  }
0xb1: {  	_ =	task [dreg:s7], $0x5FFFF  }
0xb2: {  	[dreg:$0x1] =	wrdreg $0xFFFFFFFF  }
0xb3: {  	[dreg:$0x0] =	wrdreg $0x60  }
0xb4: {  	[dreg:$0x2] =	wrdreg s16  }
0xb5: {  	[dreg:$0x3] =	wrdreg s24  }
0xb6: {  	[dreg:$0x4] =	wrdreg $0x30000  }
0xb7: {  	[dreg:$0x5] =	wrdreg $0x9  }
0xb8: {  	_ =	task.clear_ibuf [dreg:s7], $0x6FFFF;
	_ =	strace $0x90000046  }
0xb9: {  	s29 =	simm.s32 $0x9;
	_ =	strace $0x80000048  }
0xba: {  	_ =	swait.ge [sflag:s29], $0x1  }
0xbb: {  	[sflag:s29] =	ssyncadd.s32 $0xFFFFFFFF  }
0xbc: {  	_ =	strace $0x90000048  }
0xbd: {  	_ =	sfence  }
0xbe: {  	s30 =	sld [smem:$0x0];
	_ =	sdelay $0x2  }
0xbf: {  	s31 =	sshll.u32 s1, $0xD;
	s1 =	sshrl.u32 s1, $0x2  }
0xc0: {  	s3 =	sand.u32 $0x4000, s31;
	s1 =	sadd.s32 s1, s30  }
0xc1: {  	s0 =	sor.u32 s3, s0;
	s1 =	sshll.u32 s1, $0x11  }
0xc2: {  	s0 =	sor.u32 s1, s0  }
0xc3: {  	s0 =	sadd.s32 $0x8F2B, s0  }
0xc4: {  	[sflag:s0] =	ssyncadd.remote.s32 $0x1  }
0xc5: {  	_ =	sfence.sel $0xFFFF  }
0xc6: {  	[dreg:$0x0] =	wrdreg $0xFFFFFFFF;
	(pc) =	sbr.abs _section_cstart, $3  }
0xc7: {  	[dreg:$0x1] =	wrdreg $0xFFFFFFFF  }
0xc8: {  	_ =	task.clear_ibuf [dreg:s7], $0x2FFFF;
	_ =	strace $0x9FFFFFFF  }
0xc9: {  	(tm) =	ssettm $0x7FFFFFFF  }
tec
execute0_lowered:
.L_overlay_start_1:
0x0: {  	(tag) =	ssettag $0x1  }
0x1: {  	s3 =	rddreg [dreg:$0x0]  }
0x2: {  	s4 =	rddreg [dreg:$0x1]  }
0x3: {  	s5 =	rddreg [dreg:$0x2]  }
0x4: {  	s0 =	rddreg [dreg:$0x3];
	s2 =	simm.s32 $0x0  }
0x5: {  	s6 =	srdreg.scid;
	s1 =	stileid.u32;
	s12 =	simm.s32 $0x800  }
0x6: {  	s13 =	simm.s32 $0x8000;
	s14 =	simm.s32 $0x2000;
	s15 =	simm.s32 $0x100  }
0x7: {  	s16 =	simm.s32 $0x0;
	[smem:$0x7FF] =	sst s2;
	s6 =	sand.u32 $0x1, s6  }
0x8: {  	s7 =	sshll.u32 s1, $0xC;
	s8 =	sshll.u32 s1, $0x7;
	s30 =	sshll.u32 s1, $0x6  }
0x9: {  	s31 =	sshll.u32 s1, $0xB;
	_ =	strace $0x80000047;
	s7 =	sand.u32 $0x8000, s7  }
0xa: {  	s9 =	sshll.u32 s6, $0x10;
	s10 =	ssub.s32 $0x2, s6;
	s8 =	sand.u32 $0x380, s8  }
0xb: {  	s6 =	sshll.u32 s6, $0x4;
	s9 =	sor.u32 s9, s7;
	s11 =	sshrl.u32 s10, $0x1  }
0xc: {  	s6 =	sadd.s32 s6, s4;
	s29 =	sadd.s32 s7, s5;
	s5 =	sadd.s32 s31, s5  }
0xd: {  	s9 =	sor.u32 s8, s9;
	s10 =	ssub.s32 s10, s11;
	s4 =	sadd.s32 s8, s29  }
0xe: {  	s6 =	sadd.s32 s30, s6;
	s8 =	simm.s32 $0x80;
	s11 =	simm.s32 $0x1000  }
0xf: {  	s28 =	sshrl.u32 s9, $0x3;
	s6 =	sadd.s32 $0x800, s6;
	s7 =	smax.u32 s10, $0x1  }
0x10: {  	v0 =	vimm.s32 $0x0;
	v1 =	vlaneseq.u32;
	v2 =	vimm.f32 $0.0e+00;
	s9 =	simm.s32 $0x400;
	s10 =	simm.s32 $0x1;
	s3 =	sadd.s32 s3, s28  }
.LBB2_1:
0x11: {  	[tilespmem:s2], [sflag:$0x1] =	stream.strided.gather [hbm4b:s3+s8], $0x1000, s9, s8, $0x38;
	[tilespmem:$0x4000] =	vst v63  }
0x12: {  	s20 =	simm.s32 $0x3F800001;
	_ =	swait.ge [sflag:s10], $0x1000  }
0x13: {  	s19 =	simm.s32 $0x0;
	s17 =	simm.s32 $0x1000;
	[sflag:s10] =	ssyncset.done $0x0  }
0x14: {  	s18 =	simm.s32 $0x0;
	s21 =	simm.s32 $0x0;
	[sflag:s10] =	ssyncadd.s32 $0xFFFFF000  }
.LBB2_2:
0x15: {  	s25 =	simm.s32 $0x0  }
0x16: {  	v4 =	vld [tilespmem:s25+$0x0]  }
0x17: {  	s22 =	ssub.s32 s20, s18;
	v6 =	vld [tilespmem:s25+$0x10]  }
0x18: {  	s22 =	sshra.s32 s22, $0x1;
	v8 =	vld [tilespmem:s25+$0x20]  }
0x19: {  	v7 =	vld [tilespmem:s25+$0x30];
	s22 =	sadd.s32 s18, s22  }
0x1a: {  	v5 =	vld [tilespmem:s25+$0x40];
	v3 =	vmov s22  }
0x1b: {  	vm0 =	vge.s32 v4, v3;
	v4 =	vld [tilespmem:s25+$0x50]  }
0x1c: {  	v9 =	vimm.s32 $0x0;
	v10 =	vsel vm0, $0x1, v0;
	vm0 =	vge.s32 v6, v3;
	v6 =	vld [tilespmem:s25+$0x60]  }
0x1d: {  	s23 =	simm.s32 $0x80;
	s24 =	simm.s32 $0x400;
	v9 =	vadd.s32 v10, v9;
	v10 =	vsel vm0, $0x1, v0;
	vm0 =	vge.s32 v8, v3;
	v8 =	vld [tilespmem:s25+$0x70]  }
.LBB2_3:
0x1e: {  	p0 =	sne.s32 s24, $0x3E00;
	v11 =	vld [tilespmem:s23+$0x0];
	v9 =	vadd.s32 v10, v9;
	v10 =	vsel vm0, $0x1, v0;
	vm0 =	vge.s32 v7, v3  }
0x1f: {  	v12 =	vld [tilespmem:s23+$0x10];
	v7 =	vadd.s32 v10, v9;
	v9 =	vsel vm0, $0x1, v0;
	vm0 =	vge.s32 v5, v3  }
0x20: {  	v13 =	vld [tilespmem:s23+$0x20];
	v5 =	vadd.s32 v9, v7;
	v9 =	vsel vm0, $0x1, v0;
	vm0 =	vge.s32 v4, v3  }
.Ltmp0:
0x21: {  	v7 =	vld [tilespmem:s23+$0x30];
	v4 =	vadd.s32 v9, v5;
	v9 =	vsel vm0, $0x1, v0;
	vm0 =	vge.s32 v6, v3;
	(pc) =	sbr.rel @p0 .LBB2_3-.Ltmp0, $4  }
0x22: {  	v5 =	vld [tilespmem:s23+$0x40];
	v6 =	vadd.s32 v9, v4;
	v9 =	vsel vm0, $0x1, v0;
	vm0 =	vge.s32 v8, v3  }
0x23: {  	vm1 =	vge.s32 v11, v3;
	v4 =	vld [tilespmem:s23+$0x50];
	v8 =	vadd.s32 v9, v6;
	v9 =	vsel vm0, $0x1, v0  }
0x24: {  	v10 =	vsel vm1, $0x1, v0;
	vm0 =	vge.s32 v12, v3;
	v6 =	vld [tilespmem:s23+$0x60];
	v8 =	vadd.s32 v9, v8  }
0x25: {  	v9 =	vadd.s32 v10, v8;
	v10 =	vsel vm0, $0x1, v0;
	vm0 =	vge.s32 v13, v3;
	v8 =	vld [tilespmem:s23+$0x70];
	s23 =	sshra.s32 s24, $0x2;
	s24 =	sadd.s32 $0x200, s24  }
0x26: {  	v11 =	vld [tilespmem:s23+$0x0];
	v9 =	vadd.s32 v10, v9;
	v44 =	vsel vm0, $0x1, v0;
	vm4 =	vge.s32 v7, v3  }
0x27: {  	v45 =	vld [tilespmem:s23+$0x10];
	v9 =	vadd.s32 v44, v9;
	v46 =	vsel vm4, $0x1, v0;
	vm5 =	vge.s32 v5, v3  }
0x28: {  	v47 =	vld [tilespmem:s23+$0x20];
	v9 =	vadd.s32 v46, v9;
	v48 =	vsel vm5, $0x1, v0;
	vm6 =	vge.s32 v4, v3  }
0x29: {  	v49 =	vld [tilespmem:s23+$0x30];
	v9 =	vadd.s32 v48, v9;
	v50 =	vsel vm6, $0x1, v0;
	vm7 =	vge.s32 v6, v3  }
0x2a: {  	v51 =	vld [tilespmem:s23+$0x40];
	v9 =	vadd.s32 v50, v9;
	v52 =	vsel vm7, $0x1, v0;
	vm8 =	vge.s32 v8, v3  }
0x2b: {  	v53 =	vld [tilespmem:s23+$0x50];
	vm1 =	vge.s32 v11, v3;
	v9 =	vadd.s32 v52, v9;
	v54 =	vsel vm8, $0x1, v0  }
0x2c: {  	v55 =	vld [tilespmem:s23+$0x60];
	vm9 =	vge.s32 v45, v3;
	v11 =	vsel vm1, $0x1, v0;
	v9 =	vadd.s32 v54, v9  }
0x2d: {  	v57 =	vld [tilespmem:s23+$0x70];
	vm10 =	vge.s32 v47, v3;
	v56 =	vsel vm9, $0x1, v0;
	v9 =	vadd.s32 v11, v9  }
0x2e: {  	vm11 =	vge.s32 v49, v3;
	v58 =	vsel vm10, $0x1, v0;
	v9 =	vadd.s32 v56, v9  }
0x2f: {  	vm12 =	vge.s32 v51, v3;
	v60 =	vsel vm11, $0x1, v0;
	v59 =	vadd.s32 v58, v9  }
0x30: {  	vm13 =	vge.s32 v53, v3;
	v6 =	vsel vm12, $0x1, v0;
	v4 =	vadd.s32 v60, v59  }
0x31: {  	vm14 =	vge.s32 v55, v3;
	v61 =	vsel vm13, $0x1, v0;
	v4 =	vadd.s32 v6, v4  }
0x32: {  	vm15 =	vge.s32 v57, v3;
	v62 =	vsel vm14, $0x1, v0;
	v4 =	vadd.s32 v61, v4  }
0x33: {  	v63 =	vsel vm15, $0x1, v0;
	v3 =	vadd.s32 v62, v4  }
0x34: {  	v3 =	vadd.s32 v63, v3  }
0x35: {  	(v2sf) =	vpush v3, $0x0  }
0x36: {  	(v2sf) =	vpush v3, $0x1  }
0x37: {  	(v2sf) =	vpush v3, $0x2  }
0x38: {  	(v2sf) =	vpush v3, $0x3  }
0x39: {  	(v2sf) =	vpush v3, $0x4  }
0x3a: {  	(v2sf) =	vpush v3, $0x5  }
0x3b: {  	(v2sf) =	vpush v3, $0x6  }
0x3c: {  	(v2sf) =	vpush v3, $0x7  }
0x3d: {  	(v2sf) =	vpush v3, $0x8  }
0x3e: {  	(v2sf) =	vpush v3, $0x9  }
0x3f: {  	(v2sf) =	vpush v3, $0xA  }
0x40: {  	(v2sf) =	vpush v3, $0xB  }
0x41: {  	(v2sf) =	vpush v3, $0xC  }
0x42: {  	(v2sf) =	vpush v3, $0xD  }
0x43: {  	(v2sf) =	vpush v3, $0xE  }
0x44: {  	s29 =	spop (v2sf);
	(v2sf) =	vpush v3, $0xF  }
0x45: {  	s24 =	spop (v2sf)  }
0x46: {  	s23 =	sadd.s32 s24, s29;
	s30 =	spop (v2sf)  }
0x47: {  	s23 =	sadd.s32 s30, s23;
	s31 =	spop (v2sf)  }
0x48: {  	s23 =	sadd.s32 s31, s23;
	s25 =	spop (v2sf)  }
0x49: {  	s23 =	sadd.s32 s25, s23;
	s26 =	spop (v2sf)  }
0x4a: {  	s23 =	sadd.s32 s26, s23;
	s28 =	spop (v2sf)  }
0x4b: {  	s23 =	sadd.s32 s28, s23;
	s29 =	spop (v2sf)  }
0x4c: {  	s23 =	sadd.s32 s29, s23;
	s30 =	spop (v2sf)  }
0x4d: {  	s23 =	sadd.s32 s30, s23;
	s31 =	spop (v2sf)  }
0x4e: {  	s23 =	sadd.s32 s31, s23;
	s25 =	spop (v2sf)  }
0x4f: {  	s23 =	sadd.s32 s25, s23;
	s26 =	spop (v2sf)  }
0x50: {  	s23 =	sadd.s32 s26, s23;
	s28 =	spop (v2sf)  }
0x51: {  	s23 =	sadd.s32 s28, s23;
	s29 =	spop (v2sf)  }
0x52: {  	s23 =	sadd.s32 s29, s23;
	s30 =	spop (v2sf)  }
0x53: {  	s23 =	sadd.s32 s30, s23;
	s31 =	spop (v2sf)  }
0x54: {  	s23 =	sadd.s32 s31, s23  }
0x55: {  	p0 =	sgt.s32 s23, $0x1FF  }
0x56: {  	s21 =	sadd.s32 $0x1, s21;
	s18 =	smov.u32 @p0 s22;
	s17 =	smov.u32 @p0 s23  }
0x57: {  	s22 =	smov.u32 @p0 s20;
	s23 =	smov.u32 @p0 s19;
	p0 =	sne.s32 s21, $0x1E  }
.Ltmp1:
0x58: {  	_ = 	snop;
	(pc) =	sbr.rel @p0 .LBB2_2-.Ltmp1, $2  }
0x59: {  	_ =	sdelay $0x2  }
0x5a: {  	s19 =	smov.u32 s23;
	s20 =	smov.u32 s22  }
0x5b: {  	p0 =	seq.s32 s17, $0x200  }
.Ltmp2:
0x5c: {  	_ = 	snop;
	(pc) =	sbr.rel @!p0 .LBB2_7-.Ltmp2, $2  }
0x5d: {  	_ =	sdelay $0x2  }
0x5e: {  	v3 =	vmov s18;
	s17 =	simm.s32 $0xFFF  }
.Ltmp3:
0x5f: {  	(pc) =	sbr.rel .LBB2_11-.Ltmp3, $2  }
0x60: {  	_ =	sdelay $0x2  }
0x61: {  	s21 =	simm.s32 $0xFFF  }
.LBB2_7:
0x62: {  	s18 =	ssub.s32 $0x200, s23;
	s19 =	simm.s32 $0x0;
	s20 =	simm.s32 $0xFFFFFFFF  }
.LBB2_8:
0x63: {  	s22 =	simm.s32 $0x40  }
0x64: {  	s21 =	ssub.s32 s17, s20;
	v5 =	vld [tilespmem:s22+$0x30]  }
0x65: {  	s21 =	sadd.s32 $0x1, s21;
	v7 =	vld [tilespmem:s22+$0x20]  }
0x66: {  	s23 =	simm.s32 $0x70;
	v6 =	vld [tilespmem:s22+$0x10];
	s21 =	sshra.s32 s21, $0x1  }
0x67: {  	s25 =	simm.s32 $0x60;
	v8 =	vimm.s32 $0x0;
	s31 =	simm.s32 $0x30;
	v9 =	vld [tilespmem:s22+$0x0];
	v11 =	vor.u32 s23, v1;
	s21 =	sadd.s32 s20, s21  }
0x68: {  	s28 =	simm.s32 $0x50;
	s24 =	simm.s32 $0x20;
	s29 =	simm.s32 $0x40;
	v10 =	vld [tilespmem:s22+$0xFFFFFFF0];
	v12 =	vor.u32 s25, v1;
	v13 =	vor.u32 s31, v1;
	v4 =	vmov s21  }
0x69: {  	s26 =	simm.s32 $0x10;
	s25 =	simm.s32 $0x0;
	v14 =	vor.u32 s29, v1;
	v15 =	vor.u32 s28, v1;
	s23 =	simm.s32 $0xF0;
	vm0 =	vle.s32 v11, v4;
	v11 =	vld [tilespmem:s22+$0xFFFFFFC0]  }
.LBB2_9:
0x6a: {  	p0 =	sne.s32 s23, $0xFF0;
	v16 =	vor.u32 s25, v1;
	v17 =	vld [tilespmem:s22+$0xFFFFFFD0];
	v18 =	vor.u32 s26, v1;
	v19 =	vor.u32 s24, v1  }
0x6b: {  	vm5 =	vle.s32 v14, v4;
	vm3 =	vle.s32 v15, v4;
	vm1 =	vle.s32 v12, v4;
	v20 =	vld [tilespmem:s22+$0xFFFFFFE0]  }
0x6c: {  	vm8 =	vle.s32 v13, v4;
	vm6 =	vle.s32 v18, v4;
	vm7 =	vle.s32 v19, v4  }
0x6d: {  	vm4 =	veq.s32 v7, v3;
	vm2 =	veq.s32 v5, v3;
	vm9 =	vle.s32 v16, v4  }
0x6e: {  	vm12 =	veq.s32 v6, v3;
	vm11 =	veq.s32 v9, v3;
	vm10 =	veq.s32 v11, v3  }
0x6f: {  	vm13 =	veq.s32 v10, v3;
	vm9 =	vmand vm9, vm10;
	vm10 =	veq.s32 v17, v3  }
0x70: {  	v5 =	vsel vm9, $0x1, v0;
	vm6 =	vmand vm6, vm10;
	vm9 =	veq.s32 v20, v3  }
0x71: {  	v5 =	vadd.s32 v5, v8;
	v6 =	vsel vm6, $0x1, v0;
	vm6 =	vmand vm7, vm9  }
0x72: {  	v5 =	vadd.s32 v6, v5;
	v6 =	vsel vm6, $0x1, v0;
	vm6 =	vmand vm8, vm13  }
0x73: {  	s22 =	sadd.s32 $0x80, s22;
	vm5 =	vmand vm5, vm11;
	v6 =	vadd.s32 v6, v5;
	v7 =	vsel vm6, $0x1, v0  }
0x74: {  	vm3 =	vmand vm3, vm12;
	v8 =	vsel vm5, $0x1, v0;
	v5 =	vld [tilespmem:s22+$0x30];
	v6 =	vadd.s32 v7, v6  }
.Ltmp4:
0x75: {  	vm1 =	vmand vm1, vm4;
	v9 =	vsel vm3, $0x1, v0;
	v7 =	vld [tilespmem:s22+$0x20];
	v8 =	vadd.s32 v8, v6;
	(pc) =	sbr.rel @p0 .LBB2_9-.Ltmp4, $4  }
0x76: {  	vm0 =	vmand vm0, vm2;
	v10 =	vsel vm1, $0x1, v0;
	v6 =	vld [tilespmem:s22+$0x10];
	v8 =	vadd.s32 v9, v8  }
0x77: {  	s28 =	sadd.s32 $0xFFFFFFE0, s23;
	s25 =	sadd.s32 $0xFFFFFFF0, s23;
	v13 =	vsel vm0, $0x1, v0;
	v11 =	vor.u32 s23, v1;
	v9 =	vld [tilespmem:s22+$0x0];
	v8 =	vadd.s32 v10, v8  }
0x78: {  	s24 =	sadd.s32 $0xFFFFFFB0, s23;
	s29 =	sadd.s32 $0xFFFFFFC0, s23;
	s30 =	sadd.s32 $0xFFFFFFD0, s23;
	v12 =	vor.u32 s25, v1;
	vm0 =	vle.s32 v11, v4;
	v10 =	vld [tilespmem:s22+$0xFFFFFFF0];
	v8 =	vadd.s32 v13, v8  }
0x79: {  	s26 =	sadd.s32 $0xFFFFFFA0, s23;
	s25 =	sadd.s32 $0xFFFFFF90, s23;
	v14 =	vor.u32 s30, v1;
	v15 =	vor.u32 s28, v1;
	s23 =	sadd.s32 $0x80, s23;
	v13 =	vor.u32 s29, v1;
	v11 =	vld [tilespmem:s22+$0xFFFFFFC0]  }
0x7a: {  	v16 =	vor.u32 s25, v1;
	v17 =	vld [tilespmem:s22+$0xFFFFFFD0];
	v18 =	vor.u32 s26, v1;
	v19 =	vor.u32 s24, v1  }
0x7b: {  	v20 =	vld [tilespmem:s22+$0xFFFFFFE0];
	vm1 =	vle.s32 v14, v4;
	vm2 =	vle.s32 v15, v4;
	vm3 =	vle.s32 v12, v4  }
0x7c: {  	vm6 =	vle.s32 v13, v4;
	vm8 =	veq.s32 v7, v3;
	vm9 =	veq.s32 v5, v3  }
0x7d: {  	vm4 =	vle.s32 v18, v4;
	vm5 =	vle.s32 v19, v4;
	vm7 =	vle.s32 v16, v4  }
0x7e: {  	vm12 =	veq.s32 v6, v3;
	vm11 =	veq.s32 v9, v3;
	vm10 =	veq.s32 v11, v3  }
0x7f: {  	vm13 =	veq.s32 v10, v3;
	vm7 =	vmand vm7, vm10;
	vm10 =	veq.s32 v17, v3  }
0x80: {  	vm15 =	veq.s32 v20, v3;
	v4 =	vsel vm7, $0x1, v0;
	vm4 =	vmand vm4, vm10  }
0x81: {  	vm10 =	vmand vm5, vm15;
	v4 =	vadd.s32 v4, v8;
	v5 =	vsel vm4, $0x1, v0  }
0x82: {  	vm13 =	vmand vm6, vm13;
	v4 =	vadd.s32 v5, v4;
	v5 =	vsel vm10, $0x1, v0  }
0x83: {  	vm1 =	vmand vm1, vm11;
	v4 =	vadd.s32 v5, v4;
	v5 =	vsel vm13, $0x1, v0  }
0x84: {  	vm14 =	vmand vm2, vm12;
	v4 =	vadd.s32 v5, v4;
	v5 =	vsel vm1, $0x1, v0  }
0x85: {  	vm15 =	vmand vm3, vm8;
	v4 =	vadd.s32 v5, v4;
	v5 =	vsel vm14, $0x1, v0  }
0x86: {  	vm0 =	vmand vm0, vm9;
	v4 =	vadd.s32 v5, v4;
	v5 =	vsel vm15, $0x1, v0  }
0x87: {  	v4 =	vadd.s32 v5, v4;
	v5 =	vsel vm0, $0x1, v0  }
0x88: {  	v4 =	vadd.s32 v5, v4  }
0x89: {  	(v2sf) =	vpush v4, $0x0  }
0x8a: {  	(v2sf) =	vpush v4, $0x1  }
0x8b: {  	(v2sf) =	vpush v4, $0x2  }
0x8c: {  	(v2sf) =	vpush v4, $0x3  }
0x8d: {  	(v2sf) =	vpush v4, $0x4  }
0x8e: {  	(v2sf) =	vpush v4, $0x5  }
0x8f: {  	(v2sf) =	vpush v4, $0x6  }
0x90: {  	(v2sf) =	vpush v4, $0x7  }
0x91: {  	(v2sf) =	vpush v4, $0x8  }
0x92: {  	(v2sf) =	vpush v4, $0x9  }
0x93: {  	(v2sf) =	vpush v4, $0xA  }
0x94: {  	(v2sf) =	vpush v4, $0xB  }
0x95: {  	(v2sf) =	vpush v4, $0xC  }
0x96: {  	(v2sf) =	vpush v4, $0xD  }
0x97: {  	(v2sf) =	vpush v4, $0xE  }
0x98: {  	s29 =	spop (v2sf);
	(v2sf) =	vpush v4, $0xF  }
0x99: {  	s23 =	spop (v2sf)  }
0x9a: {  	s30 =	spop (v2sf);
	s22 =	sadd.s32 s23, s29  }
0x9b: {  	s31 =	spop (v2sf);
	s22 =	sadd.s32 s30, s22  }
0x9c: {  	s25 =	spop (v2sf);
	s22 =	sadd.s32 s31, s22  }
0x9d: {  	s26 =	spop (v2sf);
	s22 =	sadd.s32 s25, s22  }
0x9e: {  	s28 =	spop (v2sf);
	s22 =	sadd.s32 s26, s22  }
0x9f: {  	s29 =	spop (v2sf);
	s22 =	sadd.s32 s28, s22  }
0xa0: {  	s30 =	spop (v2sf);
	s22 =	sadd.s32 s29, s22  }
0xa1: {  	s31 =	spop (v2sf);
	s22 =	sadd.s32 s30, s22  }
0xa2: {  	s25 =	spop (v2sf);
	s22 =	sadd.s32 s31, s22  }
0xa3: {  	s26 =	spop (v2sf);
	s22 =	sadd.s32 s25, s22  }
0xa4: {  	s28 =	spop (v2sf);
	s22 =	sadd.s32 s26, s22  }
0xa5: {  	s29 =	spop (v2sf);
	s22 =	sadd.s32 s28, s22  }
0xa6: {  	s30 =	spop (v2sf);
	s22 =	sadd.s32 s29, s22  }
0xa7: {  	s22 =	sadd.s32 s30, s22;
	s31 =	spop (v2sf)  }
0xa8: {  	s22 =	sadd.s32 s31, s22  }
0xa9: {  	s19 =	sadd.s32 $0x1, s19;
	p0 =	slt.s32 s22, s18  }
0xaa: {  	s20 =	smov.u32 @p0 s21;
	s21 =	smov.u32 @p0 s17;
	p0 =	sne.s32 s19, $0xD  }
.Ltmp5:
0xab: {  	_ = 	snop;
	(pc) =	sbr.rel @p0 .LBB2_8-.Ltmp5, $2  }
0xac: {  	_ =	sdelay $0x2  }
0xad: {  	s17 =	smov.u32 s21  }
.LBB2_11:
0xae: {  	s18 =	simm.s32 $0x40  }
0xaf: {  	v5 =	vld [tilespmem:s18+$0xFFFFFFC0];
	_ =	sdelay $0x2  }
0xb0: {  	s17 =	simm.s32 $0x0  }
0xb1: {  	v4 =	vmov s21;
	v6 =	vor.u32 s17, v1  }
0xb2: {  	vm1 =	vle.s32 v6, v4;
	vm0 =	veq.s32 v5, v3  }
0xb3: {  	vm2 =	vgt.s32 v5, v3;
	vm0 =	vmand vm1, vm0  }
0xb4: {  	vm0 =	vmor vm2, vm0  }
0xb5: {  	s17 =	simm.s32 $0x1040;
	v5 =	vsel vm0, $0x3F800000, v2  }
0xb6: {  	[tilespmem:s17+$0xFFFFFFC0] =	vst v5  }
0xb7: {  	v5 =	vld [tilespmem:s18+$0xFFFFFFD0];
	_ =	sdelay $0x2  }
0xb8: {  	s19 =	simm.s32 $0x10  }
0xb9: {  	v6 =	vor.u32 s19, v1  }
0xba: {  	vm8 =	vle.s32 v6, v4;
	vm7 =	veq.s32 v5, v3  }
0xbb: {  	vm9 =	vgt.s32 v5, v3;
	vm0 =	vmand vm8, vm7  }
0xbc: {  	vm0 =	vmor vm9, vm0  }
0xbd: {  	v5 =	vsel vm0, $0x3F800000, v2  }
0xbe: {  	[tilespmem:s17+$0xFFFFFFD0] =	vst v5  }
0xbf: {  	v5 =	vld [tilespmem:s18+$0xFFFFFFE0];
	_ =	sdelay $0x2  }
0xc0: {  	s25 =	simm.s32 $0x20  }
0xc1: {  	v6 =	vor.u32 s25, v1  }
0xc2: {  	vm11 =	vle.s32 v6, v4;
	vm10 =	veq.s32 v5, v3  }
0xc3: {  	vm12 =	vgt.s32 v5, v3;
	vm0 =	vmand vm11, vm10  }
0xc4: {  	vm0 =	vmor vm12, vm0  }
0xc5: {  	v5 =	vsel vm0, $0x3F800000, v2  }
0xc6: {  	[tilespmem:s17+$0xFFFFFFE0] =	vst v5  }
0xc7: {  	v5 =	vld [tilespmem:s18+$0xFFFFFFF0];
	_ =	sdelay $0x2  }
0xc8: {  	s26 =	simm.s32 $0x30  }
0xc9: {  	v6 =	vor.u32 s26, v1  }
0xca: {  	vm14 =	vle.s32 v6, v4;
	vm13 =	veq.s32 v5, v3  }
0xcb: {  	vm15 =	vgt.s32 v5, v3;
	vm0 =	vmand vm14, vm13  }
0xcc: {  	vm0 =	vmor vm15, vm0  }
0xcd: {  	v5 =	vsel vm0, $0x3F800000, v2  }
0xce: {  	[tilespmem:s17+$0xFFFFFFF0] =	vst v5  }
0xcf: {  	v5 =	vld [tilespmem:s18+$0x0];
	_ =	sdelay $0x2  }
0xd0: {  	s28 =	simm.s32 $0x40  }
0xd1: {  	v6 =	vor.u32 s28, v1  }
0xd2: {  	vm5 =	vle.s32 v6, v4;
	vm4 =	veq.s32 v5, v3  }
0xd3: {  	vm6 =	vgt.s32 v5, v3;
	vm0 =	vmand vm5, vm4  }
0xd4: {  	vm0 =	vmor vm6, vm0  }
0xd5: {  	v5 =	vsel vm0, $0x3F800000, v2  }
0xd6: {  	[tilespmem:s17+$0x0] =	vst v5  }
0xd7: {  	v5 =	vld [tilespmem:s18+$0x10];
	_ =	sdelay $0x2  }
0xd8: {  	s29 =	simm.s32 $0x50  }
0xd9: {  	v6 =	vor.u32 s29, v1  }
0xda: {  	vm8 =	vle.s32 v6, v4;
	vm7 =	veq.s32 v5, v3  }
0xdb: {  	vm9 =	vgt.s32 v5, v3;
	vm0 =	vmand vm8, vm7  }
0xdc: {  	vm0 =	vmor vm9, vm0  }
0xdd: {  	v5 =	vsel vm0, $0x3F800000, v2  }
0xde: {  	[tilespmem:s17+$0x10] =	vst v5  }
0xdf: {  	v5 =	vld [tilespmem:s18+$0x20];
	_ =	sdelay $0x2  }
0xe0: {  	s30 =	simm.s32 $0x60  }
0xe1: {  	v6 =	vor.u32 s30, v1  }
0xe2: {  	vm11 =	vle.s32 v6, v4;
	vm10 =	veq.s32 v5, v3  }
0xe3: {  	vm12 =	vgt.s32 v5, v3;
	vm0 =	vmand vm11, vm10  }
0xe4: {  	vm0 =	vmor vm12, vm0  }
0xe5: {  	v5 =	vsel vm0, $0x3F800000, v2  }
0xe6: {  	[tilespmem:s17+$0x20] =	vst v5  }
0xe7: {  	v5 =	vld [tilespmem:s18+$0x30];
	_ =	sdelay $0x2  }
0xe8: {  	s31 =	simm.s32 $0x70  }
0xe9: {  	v6 =	vor.u32 s31, v1  }
0xea: {  	vm14 =	vle.s32 v6, v4;
	vm13 =	veq.s32 v5, v3  }
0xeb: {  	vm15 =	vgt.s32 v5, v3;
	vm0 =	vmand vm14, vm13  }
0xec: {  	vm0 =	vmor vm15, vm0  }
0xed: {  	v5 =	vsel vm0, $0x3F800000, v2  }
0xee: {  	s18 =	simm.s32 $0xC0;
	[tilespmem:s17+$0x30] =	vst v5  }
0xef: {  	s20 =	simm.s32 $0x170;
	s19 =	simm.s32 $0xF0;
	v5 =	vld [tilespmem:s18+$0xFFFFFFC0]  }
.LBB2_12:
0xf0: {  	p0 =	sne.s32 s20, $0xFF0;
	_ =	sdelay $0x1  }
0xf1: {  	s21 =	sadd.s32 $0xFFFFFF90, s19  }
0xf2: {  	v6 =	vor.u32 s21, v1  }
0xf3: {  	vm1 =	vle.s32 v6, v4;
	vm0 =	veq.s32 v5, v3  }
0xf4: {  	vm2 =	vgt.s32 v5, v3;
	vm0 =	vmand vm1, vm0  }
0xf5: {  	vm0 =	vmor vm2, vm0  }
0xf6: {  	s17 =	sadd.s32 $0x80, s17;
	v5 =	vsel vm0, $0x3F800000, v2  }
0xf7: {  	[tilespmem:s17+$0xFFFFFFC0] =	vst v5  }
0xf8: {  	v5 =	vld [tilespmem:s18+$0xFFFFFFD0];
	_ =	sdelay $0x2  }
0xf9: {  	s21 =	sadd.s32 $0xFFFFFFA0, s19  }
0xfa: {  	v6 =	vor.u32 s21, v1  }
0xfb: {  	vm1 =	vle.s32 v6, v4;
	vm0 =	veq.s32 v5, v3  }
0xfc: {  	vm2 =	vgt.s32 v5, v3;
	vm0 =	vmand vm1, vm0  }
0xfd: {  	vm0 =	vmor vm2, vm0  }
0xfe: {  	v5 =	vsel vm0, $0x3F800000, v2  }
0xff: {  	[tilespmem:s17+$0xFFFFFFD0] =	vst v5  }
0x100: {  	v5 =	vld [tilespmem:s18+$0xFFFFFFE0];
	_ =	sdelay $0x2  }
0x101: {  	s21 =	sadd.s32 $0xFFFFFFB0, s19  }
0x102: {  	v6 =	vor.u32 s21, v1  }
0x103: {  	vm1 =	vle.s32 v6, v4;
	vm0 =	veq.s32 v5, v3  }
0x104: {  	vm2 =	vgt.s32 v5, v3;
	vm0 =	vmand vm1, vm0  }
0x105: {  	vm0 =	vmor vm2, vm0  }
0x106: {  	v5 =	vsel vm0, $0x3F800000, v2  }
0x107: {  	[tilespmem:s17+$0xFFFFFFE0] =	vst v5  }
0x108: {  	v5 =	vld [tilespmem:s18+$0xFFFFFFF0];
	_ =	sdelay $0x2  }
0x109: {  	s21 =	sadd.s32 $0xFFFFFFC0, s19  }
0x10a: {  	v6 =	vor.u32 s21, v1  }
0x10b: {  	vm1 =	vle.s32 v6, v4;
	vm0 =	veq.s32 v5, v3  }
0x10c: {  	vm2 =	vgt.s32 v5, v3;
	vm0 =	vmand vm1, vm0  }
0x10d: {  	vm0 =	vmor vm2, vm0  }
0x10e: {  	v5 =	vsel vm0, $0x3F800000, v2  }
0x10f: {  	[tilespmem:s17+$0xFFFFFFF0] =	vst v5  }
0x110: {  	v5 =	vld [tilespmem:s18+$0x0];
	_ =	sdelay $0x2  }
0x111: {  	s21 =	sadd.s32 $0xFFFFFFD0, s19  }
0x112: {  	v6 =	vor.u32 s21, v1  }
0x113: {  	vm1 =	vle.s32 v6, v4;
	vm0 =	veq.s32 v5, v3  }
0x114: {  	vm2 =	vgt.s32 v5, v3;
	vm0 =	vmand vm1, vm0  }
0x115: {  	vm0 =	vmor vm2, vm0  }
0x116: {  	v5 =	vsel vm0, $0x3F800000, v2  }
0x117: {  	[tilespmem:s17+$0x0] =	vst v5  }
0x118: {  	v5 =	vld [tilespmem:s18+$0x10];
	_ =	sdelay $0x2  }
0x119: {  	s21 =	sadd.s32 $0xFFFFFFE0, s19  }
0x11a: {  	v6 =	vor.u32 s21, v1  }
0x11b: {  	vm1 =	vle.s32 v6, v4;
	vm0 =	veq.s32 v5, v3  }
0x11c: {  	vm2 =	vgt.s32 v5, v3;
	vm0 =	vmand vm1, vm0  }
0x11d: {  	vm0 =	vmor vm2, vm0  }
0x11e: {  	v5 =	vsel vm0, $0x3F800000, v2  }
0x11f: {  	[tilespmem:s17+$0x10] =	vst v5  }
0x120: {  	v5 =	vld [tilespmem:s18+$0x20];
	_ =	sdelay $0x2  }
0x121: {  	s21 =	sadd.s32 $0xFFFFFFF0, s19  }
0x122: {  	v6 =	vor.u32 s21, v1  }
0x123: {  	vm1 =	vle.s32 v6, v4;
	vm0 =	veq.s32 v5, v3  }
0x124: {  	vm2 =	vgt.s32 v5, v3;
	vm0 =	vmand vm1, vm0  }
0x125: {  	vm0 =	vmor vm2, vm0  }
0x126: {  	v5 =	vsel vm0, $0x3F800000, v2  }
0x127: {  	[tilespmem:s17+$0x20] =	vst v5  }
0x128: {  	v5 =	vld [tilespmem:s18+$0x30];
	_ =	sdelay $0x3  }
0x129: {  	v6 =	vor.u32 s19, v1;
	s19 =	smov.u32 s20  }
0x12a: {  	vm1 =	vle.s32 v6, v4;
	vm0 =	veq.s32 v5, v3  }
.Ltmp6:
0x12b: {  	vm2 =	vgt.s32 v5, v3;
	vm0 =	vmand vm1, vm0;
	(pc) =	sbr.rel @p0 .LBB2_12-.Ltmp6, $4  }
0x12c: {  	vm0 =	vmor vm2, vm0  }
0x12d: {  	v5 =	vsel vm0, $0x3F800000, v2  }
0x12e: {  	s18 =	sadd.s32 $0x80, s18;
	[tilespmem:s17+$0x30] =	vst v5  }
0x12f: {  	s20 =	sadd.s32 $0x80, s20;
	v5 =	vld [tilespmem:s18+$0xFFFFFFC0]  }
0x130: {  	_ =	sdelay $0x1  }
0x131: {  	s20 =	sadd.s32 $0xFFFFFF90, s19  }
0x132: {  	v6 =	vor.u32 s20, v1  }
0x133: {  	vm1 =	vle.s32 v6, v4;
	vm0 =	veq.s32 v5, v3  }
0x134: {  	vm2 =	vgt.s32 v5, v3;
	vm0 =	vmand vm1, vm0  }
0x135: {  	vm0 =	vmor vm2, vm0  }
0x136: {  	s17 =	sadd.s32 $0x80, s17;
	v47 =	vsel vm0, $0x3F800000, v2  }
0x137: {  	[tilespmem:s17+$0xFFFFFFC0] =	vst v47  }
0x138: {  	v5 =	vld [tilespmem:s18+$0xFFFFFFD0];
	_ =	sdelay $0x2  }
0x139: {  	s25 =	sadd.s32 $0xFFFFFFA0, s19  }
0x13a: {  	v48 =	vor.u32 s25, v1  }
0x13b: {  	vm8 =	vle.s32 v48, v4;
	vm7 =	veq.s32 v5, v3  }
0x13c: {  	vm9 =	vgt.s32 v5, v3;
	vm0 =	vmand vm8, vm7  }
0x13d: {  	vm0 =	vmor vm9, vm0  }
0x13e: {  	v49 =	vsel vm0, $0x3F800000, v2  }
0x13f: {  	[tilespmem:s17+$0xFFFFFFD0] =	vst v49  }
0x140: {  	v5 =	vld [tilespmem:s18+$0xFFFFFFE0];
	_ =	sdelay $0x2  }
0x141: {  	s26 =	sadd.s32 $0xFFFFFFB0, s19  }
0x142: {  	v50 =	vor.u32 s26, v1  }
0x143: {  	vm11 =	vle.s32 v50, v4;
	vm10 =	veq.s32 v5, v3  }
0x144: {  	vm12 =	vgt.s32 v5, v3;
	vm0 =	vmand vm11, vm10  }
0x145: {  	vm0 =	vmor vm12, vm0  }
0x146: {  	v51 =	vsel vm0, $0x3F800000, v2  }
0x147: {  	[tilespmem:s17+$0xFFFFFFE0] =	vst v51  }
0x148: {  	v5 =	vld [tilespmem:s18+$0xFFFFFFF0];
	_ =	sdelay $0x2  }
0x149: {  	s28 =	sadd.s32 $0xFFFFFFC0, s19  }
0x14a: {  	v52 =	vor.u32 s28, v1  }
0x14b: {  	vm14 =	vle.s32 v52, v4;
	vm13 =	veq.s32 v5, v3  }
0x14c: {  	vm15 =	vgt.s32 v5, v3;
	vm0 =	vmand vm14, vm13  }
0x14d: {  	vm0 =	vmor vm15, vm0  }
0x14e: {  	v53 =	vsel vm0, $0x3F800000, v2  }
0x14f: {  	[tilespmem:s17+$0xFFFFFFF0] =	vst v53  }
0x150: {  	v5 =	vld [tilespmem:s18+$0x0];
	_ =	sdelay $0x2  }
0x151: {  	s29 =	sadd.s32 $0xFFFFFFD0, s19  }
0x152: {  	v54 =	vor.u32 s29, v1  }
0x153: {  	vm5 =	vle.s32 v54, v4;
	vm4 =	veq.s32 v5, v3  }
0x154: {  	vm6 =	vgt.s32 v5, v3;
	vm0 =	vmand vm5, vm4  }
0x155: {  	vm0 =	vmor vm6, vm0  }
0x156: {  	v55 =	vsel vm0, $0x3F800000, v2  }
0x157: {  	[tilespmem:s17+$0x0] =	vst v55  }
0x158: {  	v5 =	vld [tilespmem:s18+$0x10];
	_ =	sdelay $0x2  }
0x159: {  	s30 =	sadd.s32 $0xFFFFFFE0, s19  }
0x15a: {  	v56 =	vor.u32 s30, v1  }
0x15b: {  	vm8 =	vle.s32 v56, v4;
	vm7 =	veq.s32 v5, v3  }
0x15c: {  	vm9 =	vgt.s32 v5, v3;
	vm0 =	vmand vm8, vm7  }
0x15d: {  	vm0 =	vmor vm9, vm0  }
0x15e: {  	v57 =	vsel vm0, $0x3F800000, v2  }
0x15f: {  	[tilespmem:s17+$0x10] =	vst v57  }
0x160: {  	v5 =	vld [tilespmem:s18+$0x20];
	_ =	sdelay $0x2  }
0x161: {  	s31 =	sadd.s32 $0xFFFFFFF0, s19  }
0x162: {  	v58 =	vor.u32 s31, v1  }
0x163: {  	vm11 =	vle.s32 v58, v4;
	vm10 =	veq.s32 v5, v3  }
0x164: {  	vm12 =	vgt.s32 v5, v3;
	vm0 =	vmand vm11, vm10  }
0x165: {  	vm0 =	vmor vm12, vm0  }
0x166: {  	v59 =	vsel vm0, $0x3F800000, v2  }
0x167: {  	[tilespmem:s17+$0x20] =	vst v59  }
0x168: {  	v5 =	vld [tilespmem:s18+$0x30];
	_ =	sdelay $0x3  }
0x169: {  	v60 =	vor.u32 s19, v1  }
0x16a: {  	vm14 =	vle.s32 v60, v4;
	vm13 =	veq.s32 v5, v3  }
0x16b: {  	vm15 =	vgt.s32 v5, v3;
	vm0 =	vmand vm14, vm13  }
0x16c: {  	vm0 =	vmor vm15, vm0  }
0x16d: {  	v3 =	vsel vm0, $0x3F800000, v2  }
0x16e: {  	[tilespmem:s17+$0x30] =	vst v3  }
0x16f: {  	[spmem:s4] =	stream.strided.scatter [tilespmem:s11], [sflag:$0x1], $0x1000, s9, s8, $0x38;
	[tilespmem:$0x4000] =	vst v63  }
0x170: {  	_ =	swait.ge [sflag:s10], $0x1000  }
0x171: {  	[sflag:s10] =	ssyncset.done $0x0  }
0x172: {  	[sflag:s10] =	ssyncadd.s32 $0xFFFFF000  }
0x173: {  	[bflag:$0x0] =	sbarrier.arrive $0xFFFF  }
0x174: {  	[tilespmem:s14], [sflag:$0x1] =	stream.strided.gather [spmem:s5], $0x1000, s13, s12, $0x38;
	[tilespmem:$0x4000] =	vst v63  }
0x175: {  	_ =	swait.ge [sflag:s10], $0x1000  }
0x176: {  	[sflag:s10] =	ssyncset.done $0x0  }
0x177: {  	[sflag:s10] =	ssyncadd.s32 $0xFFFFF000  }
0x178: {  	v3 =	vld [tilespmem:$0x2290]  }
0x179: {  	v15 =	vld [tilespmem:$0x2000]  }
0x17a: {  	v12 =	vld [tilespmem:$0x2080]  }
0x17b: {  	v16 =	vld [tilespmem:$0x2100]  }
0x17c: {  	v18 =	vld [tilespmem:$0x2180]  }
0x17d: {  	[tilespmem:$0x1F800] =	vst v3;
	v3 =	vld [tilespmem:$0x2310]  }
0x17e: {  	v20 =	vld [tilespmem:$0x2200]  }
0x17f: {  	v21 =	vld [tilespmem:$0x2280]  }
0x180: {  	v24 =	vld [tilespmem:$0x2300]  }
0x181: {  	v62 =	vld [tilespmem:$0x2380]  }
0x182: {  	[tilespmem:$0x1F810] =	vst v3;
	v3 =	vld [tilespmem:$0x2390]  }
0x183: {  	v27 =	vld [tilespmem:$0x2800]  }
0x184: {  	v30 =	vld [tilespmem:$0x2880]  }
0x185: {  	v31 =	vld [tilespmem:$0x2900]  }
0x186: {  	v33 =	vld [tilespmem:$0x2980]  }
0x187: {  	[tilespmem:$0x1F820] =	vst v3;
	v3 =	vld [tilespmem:$0x2810]  }
0x188: {  	v39 =	vld [tilespmem:$0x2A00]  }
0x189: {  	v43 =	vld [tilespmem:$0x2A80]  }
0x18a: {  	v47 =	vld [tilespmem:$0x2B00]  }
0x18b: {  	v51 =	vld [tilespmem:$0x2B80]  }
0x18c: {  	[tilespmem:$0x1F830] =	vst v3;
	v3 =	vld [tilespmem:$0x2890]  }
0x18d: {  	v40 =	vld [tilespmem:$0x2010]  }
0x18e: {  	v34 =	vld [tilespmem:$0x2090]  }
0x18f: {  	v44 =	vld [tilespmem:$0x2110]  }
0x190: {  	v52 =	vld [tilespmem:$0x2190]  }
0x191: {  	v58 =	vld [tilespmem:$0x2210];
	[tilespmem:$0x1F840] =	vst v3  }
0x192: {  	v3 =	vld [tilespmem:$0x2910]  }
0x193: {  	v13 =	vld [tilespmem:$0x2020]  }
0x194: {  	v9 =	vld [tilespmem:$0x20A0]  }
0x195: {  	v14 =	vld [tilespmem:$0x2120]  }
0x196: {  	v22 =	vld [tilespmem:$0x21A0]  }
0x197: {  	v26 =	vld [tilespmem:$0x2220]  }
0x198: {  	v32 =	vld [tilespmem:$0x22A0]  }
0x199: {  	v45 =	vld [tilespmem:$0x2320]  }
0x19a: {  	v53 =	vld [tilespmem:$0x23A0]  }
0x19b: {  	v59 =	vld [tilespmem:$0x2820]  }
0x19c: {  	v4 =	vld [tilespmem:$0x2030]  }
0x19d: {  	v5 =	vld [tilespmem:$0x2130]  }
0x19e: {  	v6 =	vld [tilespmem:$0x21B0]  }
0x19f: {  	v7 =	vld [tilespmem:$0x2230]  }
0x1a0: {  	v10 =	vld [tilespmem:$0x22B0]  }
0x1a1: {  	v19 =	vld [tilespmem:$0x2330]  }
0x1a2: {  	v25 =	vld [tilespmem:$0x23B0]  }
0x1a3: {  	v28 =	vld [tilespmem:$0x2830]  }
0x1a4: {  	v35 =	vld [tilespmem:$0x28B0]  }
0x1a5: {  	v48 =	vld [tilespmem:$0x2930]  }
0x1a6: {  	v57 =	vld [tilespmem:$0x29B0]  }
0x1a7: {  	v8 =	vld [tilespmem:$0x2A30]  }
0x1a8: {  	v61 =	vld [tilespmem:$0x2AB0]  }
0x1a9: {  	v63 =	vld [tilespmem:$0x2B30]  }
0x1aa: {  	v17 =	vld [tilespmem:$0x2BB0]  }
0x1ab: {  	v23 =	vld [tilespmem:$0x2040]  }
0x1ac: {  	v29 =	vld [tilespmem:$0x20C0]  }
0x1ad: {  	v36 =	vld [tilespmem:$0x2140]  }
0x1ae: {  	v37 =	vld [tilespmem:$0x21C0]  }
0x1af: {  	v38 =	vld [tilespmem:$0x2240]  }
0x1b0: {  	v41 =	vld [tilespmem:$0x22C0]  }
0x1b1: {  	v42 =	vld [tilespmem:$0x2340]  }
0x1b2: {  	v46 =	vld [tilespmem:$0x23C0]  }
0x1b3: {  	v49 =	vld [tilespmem:$0x2840]  }
0x1b4: {  	v50 =	vld [tilespmem:$0x28C0]  }
0x1b5: {  	v54 =	vld [tilespmem:$0x2940]  }
0x1b6: {  	v12 =	vmax.f32 v15, v12;
	v55 =	vld [tilespmem:$0x29C0]  }
0x1b7: {  	v12 =	vmax.f32 v12, v16;
	v56 =	vld [tilespmem:$0x2A40]  }
0x1b8: {  	v12 =	vmax.f32 v12, v18;
	v60 =	vld [tilespmem:$0x2AC0]  }
0x1b9: {  	v12 =	vmax.f32 v12, v20;
	v11 =	vld [tilespmem:$0x2060]  }
0x1ba: {  	v12 =	vmax.f32 v12, v21;
	v18 =	vld [tilespmem:$0x2EA0]  }
0x1bb: {  	v12 =	vmax.f32 v12, v24;
	v20 =	vld [tilespmem:$0x2F20]  }
0x1bc: {  	v12 =	vmax.f32 v12, v62;
	v21 =	vld [tilespmem:$0x2FA0]  }
0x1bd: {  	v12 =	vmax.f32 v12, v27;
	v24 =	vld [tilespmem:$0x2430]  }
0x1be: {  	v12 =	vmax.f32 v12, v30;
	v62 =	vld [tilespmem:$0x24B0]  }
0x1bf: {  	v12 =	vmax.f32 v12, v31;
	v27 =	vld [tilespmem:$0x27B0]  }
0x1c0: {  	v12 =	vmax.f32 v12, v33;
	v33 =	vld [tilespmem:$0x2CB0]  }
0x1c1: {  	v30 =	vmax.f32 v40, v34;
	v12 =	vmax.f32 v12, v39;
	v34 =	vld [tilespmem:$0x2D30]  }
0x1c2: {  	v12 =	vmax.f32 v12, v43;
	v40 =	vld [tilespmem:$0x1F800]  }
0x1c3: {  	v31 =	vmax.f32 v30, v44;
	v12 =	vmax.f32 v12, v47;
	v44 =	vld [tilespmem:$0x2E30]  }
0x1c4: {  	v12 =	vmax.f32 v12, v51;
	v47 =	vld [tilespmem:$0x1F810]  }
0x1c5: {  	[tilespmem:$0x1FFF0] =	vst v12;
	v12 =	vmax.f32 v31, v52;
	v52 =	vld [tilespmem:$0x1F820]  }
0x1c6: {  	v39 =	vmax.f32 v12, v58;
	v58 =	vld [tilespmem:$0x2DB0]  }
0x1c7: {  	v12 =	vld [tilespmem:$0x1F840]  }
0x1c8: {  	[tilespmem:$0x1F850] =	vst v3;
	v3 =	vld [tilespmem:$0x2990]  }
0x1c9: {  	[tilespmem:$0x1F920] =	vst v61;
	v61 =	vld [tilespmem:$0x2B40]  }
0x1ca: {  	[tilespmem:$0x1F940] =	vst v63;
	v63 =	vld [tilespmem:$0x2BC0]  }
0x1cb: {  	[tilespmem:$0x1F9B0] =	vst v41;
	v41 =	vld [tilespmem:$0x2050]  }
0x1cc: {  	[tilespmem:$0x1F980] =	vst v36;
	v36 =	vld [tilespmem:$0x20D0]  }
0x1cd: {  	[tilespmem:$0x1F9E0] =	vst v46;
	v46 =	vld [tilespmem:$0x2150]  }
0x1ce: {  	[tilespmem:$0x1FA40] =	vst v54;
	v54 =	vld [tilespmem:$0x21D0]  }
0x1cf: {  	[tilespmem:$0x1FAD0] =	vst v60;
	v60 =	vld [tilespmem:$0x2250]  }
0x1d0: {  	[tilespmem:$0x1F970] =	vst v17;
	v17 =	vld [tilespmem:$0x22D0]  }
0x1d1: {  	[tilespmem:$0x1F950] =	vst v23;
	v23 =	vld [tilespmem:$0x2350]  }
0x1d2: {  	[tilespmem:$0x1F960] =	vst v29;
	v29 =	vld [tilespmem:$0x23D0]  }
0x1d3: {  	[tilespmem:$0x1F990] =	vst v37;
	v37 =	vld [tilespmem:$0x2850]  }
0x1d4: {  	[tilespmem:$0x1F9A0] =	vst v38;
	v38 =	vld [tilespmem:$0x28D0]  }
0x1d5: {  	[tilespmem:$0x1F9C0] =	vst v42;
	v42 =	vld [tilespmem:$0x2950]  }
0x1d6: {  	[tilespmem:$0x1FA00] =	vst v49;
	v49 =	vld [tilespmem:$0x29D0]  }
0x1d7: {  	[tilespmem:$0x1FA20] =	vst v50;
	v50 =	vld [tilespmem:$0x2A50]  }
0x1d8: {  	[tilespmem:$0x1FA70] =	vst v55;
	v55 =	vld [tilespmem:$0x2AD0]  }
0x1d9: {  	[tilespmem:$0x1FAA0] =	vst v56;
	v56 =	vld [tilespmem:$0x2B50]  }
0x1da: {  	[tilespmem:$0x1F8F0] =	vst v8;
	v8 =	vld [tilespmem:$0x20E0]  }
0x1db: {  	[tilespmem:$0x1FFA0] =	vst v18;
	v18 =	vld [tilespmem:$0x25B0]  }
0x1dc: {  	[tilespmem:$0x1FFC0] =	vst v20;
	v20 =	vld [tilespmem:$0x2630]  }
0x1dd: {  	[tilespmem:$0x1FFD0] =	vst v21;
	v21 =	vld [tilespmem:$0x26B0]  }
0x1de: {  	[tilespmem:$0x1FE70] =	vst v24;
	v24 =	vld [tilespmem:$0x2730]  }
0x1df: {  	v9 =	vmax.f32 v13, v9;
	v13 =	vld [tilespmem:$0x1F850]  }
0x1e0: {  	v31 =	vld [tilespmem:$0x1F940]  }
0x1e1: {  	[tilespmem:$0x1FF60] =	vst v33;
	v9 =	vmax.f32 v9, v14;
	v33 =	vld [tilespmem:$0x1F960]  }
0x1e2: {  	[tilespmem:$0x1FF80] =	vst v34;
	v34 =	vld [tilespmem:$0x1F970];
	v9 =	vmax.f32 v9, v22  }
0x1e3: {  	v43 =	vmax.f32 v9, v26;
	v9 =	vld [tilespmem:$0x2F30]  }
0x1e4: {  	v51 =	vmax.f32 v43, v32;
	v32 =	vld [tilespmem:$0x1F950]  }
0x1e5: {  	v43 =	vld [tilespmem:$0x1F9A0]  }
0x1e6: {  	[tilespmem:$0x1F870] =	vst v3;
	v3 =	vld [tilespmem:$0x2A10]  }
0x1e7: {  	[tilespmem:$0x1FB00] =	vst v61;
	v61 =	vld [tilespmem:$0x2BD0]  }
0x1e8: {  	[tilespmem:$0x1F9D0] =	vst v17;
	v17 =	vld [tilespmem:$0x2160]  }
0x1e9: {  	[tilespmem:$0x1F9F0] =	vst v23;
	v23 =	vld [tilespmem:$0x21E0]  }
0x1ea: {  	[tilespmem:$0x1FA10] =	vst v29;
	v29 =	vld [tilespmem:$0x2260]  }
0x1eb: {  	[tilespmem:$0x1FA30] =	vst v37;
	v37 =	vld [tilespmem:$0x22E0]  }
0x1ec: {  	[tilespmem:$0x1FAB0] =	vst v49;
	v49 =	vld [tilespmem:$0x2360]  }
0x1ed: {  	[tilespmem:$0x1FB10] =	vst v55;
	v55 =	vld [tilespmem:$0x23E0]  }
0x1ee: {  	[tilespmem:$0x1FA50] =	vst v38;
	v38 =	vld [tilespmem:$0x2860]  }
0x1ef: {  	[tilespmem:$0x1FB30] =	vst v63;
	v63 =	vld [tilespmem:$0x28E0]  }
0x1f0: {  	[tilespmem:$0x1FA80] =	vst v42;
	v42 =	vld [tilespmem:$0x2960]  }
0x1f1: {  	[tilespmem:$0x1FAE0] =	vst v50;
	v50 =	vld [tilespmem:$0x29E0]  }
0x1f2: {  	[tilespmem:$0x1FB40] =	vst v56;
	v56 =	vld [tilespmem:$0x2A60]  }
0x1f3: {  	v15 =	vld [tilespmem:$0x1F870]  }
0x1f4: {  	[tilespmem:$0x1FFE0] =	vst v9;
	v9 =	vld [tilespmem:$0x2FB0]  }
0x1f5: {  	[tilespmem:$0x1F890] =	vst v3;
	v3 =	vld [tilespmem:$0x2A90]  }
0x1f6: {  	[tilespmem:$0x1FB60] =	vst v61;
	v61 =	vld [tilespmem:$0x2AE0]  }
0x1f7: {  	[tilespmem:$0x1FA90] =	vst v63;
	v63 =	vld [tilespmem:$0x2B60]  }
0x1f8: {  	[tilespmem:$0x1FAC0] =	vst v42;
	v42 =	vld [tilespmem:$0x2BE0]  }
0x1f9: {  	[tilespmem:$0x1FAF0] =	vst v50;
	v50 =	vld [tilespmem:$0x2070]  }
0x1fa: {  	[tilespmem:$0x1FB20] =	vst v56;
	v56 =	vld [tilespmem:$0x20F0]  }
0x1fb: {  	v8 =	vmax.f32 v11, v8;
	[tilespmem:$0x1FA60] =	vst v38;
	v38 =	vld [tilespmem:$0x2490]  }
0x1fc: {  	v8 =	vmax.f32 v8, v17;
	v17 =	vld [tilespmem:$0x2D40]  }
0x1fd: {  	[tilespmem:$0x1FEB0] =	vst v18;
	v18 =	vld [tilespmem:$0x1F890];
	v8 =	vmax.f32 v8, v23  }
0x1fe: {  	v23 =	vld [tilespmem:$0x2E40];
	v8 =	vmax.f32 v8, v29  }
0x1ff: {  	v8 =	vmax.f32 v8, v37;
	v37 =	vld [tilespmem:$0x1FAC0]  }
0x200: {  	v8 =	vmax.f32 v8, v49;
	v49 =	vld [tilespmem:$0x1FB40]  }
0x201: {  	[tilespmem:$0x1F8B0] =	vst v3;
	v3 =	vld [tilespmem:$0x2B10]  }
0x202: {  	[tilespmem:$0x1FB50] =	vst v61;
	v61 =	vld [tilespmem:$0x2170]  }
0x203: {  	[tilespmem:$0x1FB70] =	vst v63;
	v63 =	vld [tilespmem:$0x21F0]  }
0x204: {  	[tilespmem:$0x1FBA0] =	vst v42;
	v42 =	vld [tilespmem:$0x2270]  }
0x205: {  	[tilespmem:$0x1FB80] =	vst v50;
	v50 =	vld [tilespmem:$0x22F0]  }
0x206: {  	[tilespmem:$0x1FB90] =	vst v56;
	v56 =	vld [tilespmem:$0x2370]  }
0x207: {  	[tilespmem:$0x1FED0] =	vst v20;
	v20 =	vld [tilespmem:$0x1F8B0]  }
0x208: {  	v8 =	vmax.f32 v8, v55;
	v55 =	vld [tilespmem:$0x1FB90]  }
0x209: {  	[tilespmem:$0x1F8D0] =	vst v3;
	v3 =	vld [tilespmem:$0x2B90]  }
0x20a: {  	[tilespmem:$0x1FBB0] =	vst v61;
	v61 =	vld [tilespmem:$0x23F0]  }
0x20b: {  	[tilespmem:$0x1FBE0] =	vst v63;
	v63 =	vld [tilespmem:$0x2870]  }
0x20c: {  	[tilespmem:$0x1FC00] =	vst v42;
	v42 =	vld [tilespmem:$0x28F0]  }
0x20d: {  	[tilespmem:$0x1FC20] =	vst v50;
	v50 =	vld [tilespmem:$0x2970]  }
0x20e: {  	[tilespmem:$0x1FC40] =	vst v56;
	v56 =	vld [tilespmem:$0x29F0]  }
0x20f: {  	v22 =	vld [tilespmem:$0x1F8D0]  }
0x210: {  	[tilespmem:$0x1F900] =	vst v3;
	v3 =	vld [tilespmem:$0x28A0]  }
0x211: {  	[tilespmem:$0x1FC60] =	vst v61;
	v61 =	vld [tilespmem:$0x2A70]  }
0x212: {  	[tilespmem:$0x1FC90] =	vst v63;
	v63 =	vld [tilespmem:$0x2AF0]  }
0x213: {  	[tilespmem:$0x1FCC0] =	vst v42;
	v42 =	vld [tilespmem:$0x2B70]  }
0x214: {  	[tilespmem:$0x1FCF0] =	vst v50;
	v50 =	vld [tilespmem:$0x2BF0]  }
0x215: {  	[tilespmem:$0x1FD20] =	vst v56;
	v56 =	vld [tilespmem:$0x2400]  }
0x216: {  	v26 =	vld [tilespmem:$0x1F900]  }
0x217: {  	[tilespmem:$0x1F860] =	vst v3;
	v3 =	vld [tilespmem:$0x2920]  }
0x218: {  	[tilespmem:$0x1FD50] =	vst v61;
	v61 =	vld [tilespmem:$0x2480]  }
0x219: {  	[tilespmem:$0x1FD80] =	vst v63;
	v63 =	vld [tilespmem:$0x2500]  }
0x21a: {  	[tilespmem:$0x1FDB0] =	vst v42;
	v42 =	vld [tilespmem:$0x2580]  }
0x21b: {  	[tilespmem:$0x1FDE0] =	vst v50;
	v50 =	vld [tilespmem:$0x2600]  }
0x21c: {  	[tilespmem:$0x1FBC0] =	vst v56;
	v56 =	vld [tilespmem:$0x2680]  }
0x21d: {  	v14 =	vld [tilespmem:$0x1F860]  }
0x21e: {  	[tilespmem:$0x1F880] =	vst v3;
	v3 =	vld [tilespmem:$0x29A0]  }
0x21f: {  	[tilespmem:$0x1FBD0] =	vst v61;
	v61 =	vld [tilespmem:$0x2700]  }
0x220: {  	[tilespmem:$0x1FBF0] =	vst v63;
	v63 =	vld [tilespmem:$0x2780]  }
0x221: {  	[tilespmem:$0x1FC10] =	vst v42;
	v42 =	vld [tilespmem:$0x2C00]  }
0x222: {  	[tilespmem:$0x1FC30] =	vst v50;
	v50 =	vld [tilespmem:$0x2C80]  }
0x223: {  	[tilespmem:$0x1FC50] =	vst v56;
	v56 =	vld [tilespmem:$0x2D00]  }
0x224: {  	v16 =	vld [tilespmem:$0x1F880]  }
0x225: {  	[tilespmem:$0x1F8A0] =	vst v3;
	v3 =	vld [tilespmem:$0x2A20]  }
0x226: {  	[tilespmem:$0x1FC70] =	vst v61;
	v61 =	vld [tilespmem:$0x2D80]  }
0x227: {  	[tilespmem:$0x1FCA0] =	vst v63;
	v63 =	vld [tilespmem:$0x2E00]  }
0x228: {  	[tilespmem:$0x1FCD0] =	vst v42;
	v42 =	vld [tilespmem:$0x2E80]  }
0x229: {  	[tilespmem:$0x1FD00] =	vst v50;
	v50 =	vld [tilespmem:$0x2F00]  }
0x22a: {  	[tilespmem:$0x1FD30] =	vst v56;
	v56 =	vld [tilespmem:$0x2F80]  }
0x22b: {  	[tilespmem:$0x1FD60] =	vst v61;
	v61 =	vld [tilespmem:$0x2690]  }
0x22c: {  	[tilespmem:$0x1F8C0] =	vst v3;
	v3 =	vld [tilespmem:$0x2AA0]  }
0x22d: {  	[tilespmem:$0x1FDC0] =	vst v42;
	v42 =	vld [tilespmem:$0x2410]  }
0x22e: {  	[tilespmem:$0x1FDF0] =	vst v50;
	v50 =	vld [tilespmem:$0x2510]  }
0x22f: {  	[tilespmem:$0x1FE10] =	vst v56;
	v56 =	vld [tilespmem:$0x2590]  }
0x230: {  	[tilespmem:$0x1FC80] =	vst v61;
	v61 =	vld [tilespmem:$0x2710]  }
0x231: {  	[tilespmem:$0x1F8E0] =	vst v3;
	v3 =	vld [tilespmem:$0x2B20]  }
0x232: {  	[tilespmem:$0x1FD90] =	vst v63;
	v63 =	vld [tilespmem:$0x2610]  }
0x233: {  	[tilespmem:$0x1FEF0] =	vst v21;
	v21 =	vld [tilespmem:$0x1F8C0]  }
0x234: {  	v38 =	vmax.f32 v42, v38;
	v42 =	vld [tilespmem:$0x1FC00]  }
0x235: {  	[tilespmem:$0x1FCB0] =	vst v61;
	v61 =	vld [tilespmem:$0x2790]  }
0x236: {  	[tilespmem:$0x1F910] =	vst v3;
	v3 =	vld [tilespmem:$0x2BA0]  }
0x237: {  	[tilespmem:$0x1FF10] =	vst v24;
	v24 =	vld [tilespmem:$0x1F8E0]  }
0x238: {  	v29 =	vmax.f32 v38, v50;
	v50 =	vld [tilespmem:$0x1FC60]  }
0x239: {  	v29 =	vmax.f32 v29, v56;
	v56 =	vld [tilespmem:$0x1FCC0]  }
0x23a: {  	[tilespmem:$0x1FCE0] =	vst v61;
	v61 =	vld [tilespmem:$0x2C10]  }
0x23b: {  	[tilespmem:$0x1F930] =	vst v3;
	v3 =	vld [tilespmem:$0x20B0]  }
0x23c: {  	v29 =	vmax.f32 v29, v63;
	v63 =	vld [tilespmem:$0x1FD00]  }
0x23d: {  	[tilespmem:$0x1FF30] =	vst v27;
	v27 =	vld [tilespmem:$0x1F910]  }
0x23e: {  	v30 =	vld [tilespmem:$0x1F930]  }
0x23f: {  	[tilespmem:$0x1FD10] =	vst v61;
	v61 =	vld [tilespmem:$0x2C90]  }
0x240: {  	v3 =	vmax.f32 v4, v3;
	v4 =	vmax.f32 v39, v40;
	v40 =	vld [tilespmem:$0x1F990]  }
0x241: {  	v39 =	vmax.f32 v41, v36;
	v36 =	vld [tilespmem:$0x1FAB0]  }
0x242: {  	v3 =	vmax.f32 v3, v5;
	v5 =	vld [tilespmem:$0x2EB0]  }
0x243: {  	v41 =	vmax.f32 v39, v46;
	v46 =	vld [tilespmem:$0x1F9C0]  }
0x244: {  	v4 =	vmax.f32 v4, v47;
	v47 =	vld [tilespmem:$0x1F9D0]  }
0x245: {  	v39 =	vld [tilespmem:$0x1FAD0]  }
0x246: {  	v3 =	vmax.f32 v3, v6;
	v6 =	vmax.f32 v51, v45;
	v45 =	vld [tilespmem:$0x1F9B0]  }
0x247: {  	v51 =	vld [tilespmem:$0x1F9F0]  }
0x248: {  	v4 =	vmax.f32 v4, v52;
	v52 =	vld [tilespmem:$0x1FA00]  }
0x249: {  	[tilespmem:$0x1FFB0] =	vst v44;
	v44 =	vmax.f32 v41, v54;
	v54 =	vld [tilespmem:$0x1FA20]  }
0x24a: {  	v41 =	vld [tilespmem:$0x1FAE0]  }
0x24b: {  	v3 =	vmax.f32 v3, v7;
	v7 =	vld [tilespmem:$0x2440]  }
0x24c: {  	v6 =	vmax.f32 v6, v53;
	v53 =	vld [tilespmem:$0x1FA10]  }
0x24d: {  	v11 =	vmax.f32 v44, v60;
	v60 =	vld [tilespmem:$0x1FA50]  }
0x24e: {  	v44 =	vld [tilespmem:$0x1FAF0]  }
0x24f: {  	v3 =	vmax.f32 v3, v10;
	v10 =	vld [tilespmem:$0x1F830]  }
0x250: {  	v6 =	vmax.f32 v6, v59;
	v59 =	vld [tilespmem:$0x1FA40]  }
0x251: {  	[tilespmem:$0x1FD40] =	vst v61;
	v61 =	vld [tilespmem:$0x2D10]  }
0x252: {  	v3 =	vmax.f32 v3, v19;
	v19 =	vld [tilespmem:$0x1F8A0]  }
0x253: {  	v6 =	vmax.f32 v6, v14;
	v14 =	vld [tilespmem:$0x25C0]  }
0x254: {  	v3 =	vmax.f32 v3, v25;
	v25 =	vld [tilespmem:$0x1F8F0]  }
0x255: {  	v6 =	vmax.f32 v6, v16;
	v16 =	vld [tilespmem:$0x26C0]  }
0x256: {  	v11 =	vmax.f32 v11, v47;
	v47 =	vld [tilespmem:$0x1FB20]  }
0x257: {  	v3 =	vmax.f32 v3, v28;
	v28 =	vld [tilespmem:$0x1F920]  }
0x258: {  	v11 =	vmax.f32 v11, v51;
	v51 =	vld [tilespmem:$0x1FB50]  }
0x259: {  	v3 =	vmax.f32 v3, v35;
	v35 =	vld [tilespmem:$0x1F980]  }
0x25a: {  	v11 =	vmax.f32 v11, v53;
	v53 =	vld [tilespmem:$0x1FB70]  }
0x25b: {  	v3 =	vmax.f32 v3, v48;
	v48 =	vld [tilespmem:$0x1F9E0]  }
0x25c: {  	v4 =	vmax.f32 v4, v10;
	[tilespmem:$0x1FD70] =	vst v61;
	v61 =	vld [tilespmem:$0x2D90]  }
0x25d: {  	v4 =	vmax.f32 v4, v12;
	v12 =	vld [tilespmem:$0x24C0]  }
0x25e: {  	v6 =	vmax.f32 v6, v19;
	v19 =	vld [tilespmem:$0x27C0]  }
0x25f: {  	v3 =	vmax.f32 v3, v57;
	v57 =	vld [tilespmem:$0x1FA30]  }
0x260: {  	v4 =	vmax.f32 v4, v13;
	v13 =	vld [tilespmem:$0x2540]  }
0x261: {  	v6 =	vmax.f32 v6, v21;
	v21 =	vld [tilespmem:$0x2CC0]  }
0x262: {  	v3 =	vmax.f32 v3, v25;
	v25 =	vld [tilespmem:$0x2F40]  }
0x263: {  	v4 =	vmax.f32 v4, v15;
	v15 =	vld [tilespmem:$0x2640]  }
0x264: {  	v10 =	vmax.f32 v6, v24;
	v24 =	vld [tilespmem:$0x2EC0]  }
0x265: {  	v3 =	vmax.f32 v3, v28;
	v4 =	vmax.f32 v4, v18;
	v18 =	vld [tilespmem:$0x2740]  }
0x266: {  	v3 =	vmax.f32 v3, v31;
	v31 =	vld [tilespmem:$0x1FA70]  }
0x267: {  	v4 =	vmax.f32 v4, v20;
	v20 =	vld [tilespmem:$0x2C40]  }
0x268: {  	v3 =	vmax.f32 v3, v34;
	v34 =	vld [tilespmem:$0x2450]  }
0x269: {  	[tilespmem:$0x1FDA0] =	vst v61;
	v61 =	vld [tilespmem:$0x2E10]  }
0x26a: {  	v4 =	vmax.f32 v4, v22;
	v22 =	vld [tilespmem:$0x2DC0]  }
0x26b: {  	v11 =	vmax.f32 v11, v57;
	v57 =	vld [tilespmem:$0x1FBA0]  }
0x26c: {  	v7 =	vmax.f32 v7, v12;
	v12 =	vld [tilespmem:$0x27E0]  }
0x26d: {  	v6 =	vmax.f32 v4, v26;
	v26 =	vld [tilespmem:$0x2FC0]  }
0x26e: {  	v4 =	vmax.f32 v10, v27;
	v10 =	vmax.f32 v32, v33;
	v32 =	vld [tilespmem:$0x1FA80]  }
0x26f: {  	v33 =	vld [tilespmem:$0x1FA90]  }
0x270: {  	v11 =	vmax.f32 v11, v60;
	v60 =	vld [tilespmem:$0x1FBC0]  }
0x271: {  	v7 =	vmax.f32 v7, v13;
	v13 =	vld [tilespmem:$0x2C60]  }
0x272: {  	v4 =	vmax.f32 v4, v30;
	v30 =	vld [tilespmem:$0x1FA60]  }
0x273: {  	v10 =	vmax.f32 v10, v35;
	v35 =	vld [tilespmem:$0x1FAA0]  }
0x274: {  	v7 =	vmax.f32 v7, v14;
	v14 =	vld [tilespmem:$0x2CE0]  }
0x275: {  	v10 =	vmax.f32 v10, v40;
	v40 =	vld [tilespmem:$0x24D0]  }
0x276: {  	v7 =	vmax.f32 v7, v15;
	v15 =	vld [tilespmem:$0x2D60]  }
0x277: {  	v10 =	vmax.f32 v10, v43;
	v43 =	vld [tilespmem:$0x2550]  }
0x278: {  	v7 =	vmax.f32 v7, v16;
	v16 =	vld [tilespmem:$0x2DE0]  }
0x279: {  	[tilespmem:$0x1FDD0] =	vst v61;
	v61 =	vld [tilespmem:$0x2E90]  }
0x27a: {  	v10 =	vmax.f32 v10, v45;
	v45 =	vld [tilespmem:$0x1FB00]  }
0x27b: {  	v7 =	vmax.f32 v7, v18;
	v18 =	vld [tilespmem:$0x2E60]  }
0x27c: {  	v10 =	vmax.f32 v10, v46;
	v46 =	vld [tilespmem:$0x1FB10]  }
0x27d: {  	v11 =	vmax.f32 v11, v32;
	v32 =	vld [tilespmem:$0x1FBD0]  }
0x27e: {  	v7 =	vmax.f32 v7, v19;
	v19 =	vld [tilespmem:$0x2EE0]  }
0x27f: {  	v10 =	vmax.f32 v10, v48;
	v48 =	vld [tilespmem:$0x1FB30]  }
0x280: {  	v11 =	vmax.f32 v11, v36;
	v36 =	vld [tilespmem:$0x27D0]  }
0x281: {  	v8 =	vmax.f32 v8, v30;
	v30 =	vld [tilespmem:$0x2E50]  }
0x282: {  	v7 =	vmax.f32 v7, v20;
	v20 =	vld [tilespmem:$0x2F60]  }
0x283: {  	[tilespmem:$0x1FE00] =	vst v61;
	v61 =	vld [tilespmem:$0x2F10]  }
0x284: {  	v11 =	vmax.f32 v11, v41;
	v41 =	vld [tilespmem:$0x2650]  }
0x285: {  	v10 =	vmax.f32 v10, v52;
	v52 =	vld [tilespmem:$0x1FB60]  }
0x286: {  	v8 =	vmax.f32 v8, v33;
	v33 =	vld [tilespmem:$0x1FBE0]  }
0x287: {  	v7 =	vmax.f32 v7, v21;
	v21 =	vld [tilespmem:$0x2FE0]  }
0x288: {  	[tilespmem:$0x1FE20] =	vst v61;
	v61 =	vld [tilespmem:$0x2F90]  }
0x289: {  	v10 =	vmax.f32 v10, v54;
	v54 =	vld [tilespmem:$0x1FB80]  }
0x28a: {  	v8 =	vmax.f32 v8, v37;
	v37 =	vld [tilespmem:$0x2750]  }
0x28b: {  	v7 =	vmax.f32 v7, v17;
	v17 =	vld [tilespmem:$0x2470]  }
0x28c: {  	v8 =	vmax.f32 v8, v44;
	v44 =	vld [tilespmem:$0x25D0]  }
0x28d: {  	[tilespmem:$0x1FE50] =	vst v61;
	v61 =	vld [tilespmem:$0x2420]  }
0x28e: {  	v10 =	vmax.f32 v10, v59;
	v59 =	vld [tilespmem:$0x1FBB0]  }
0x28f: {  	v7 =	vmax.f32 v7, v22;
	v22 =	vld [tilespmem:$0x24F0]  }
0x290: {  	v27 =	vmax.f32 v11, v46;
	v46 =	vld [tilespmem:$0x1FC20]  }
0x291: {  	v8 =	vmax.f32 v8, v47;
	v47 =	vld [tilespmem:$0x1FC30]  }
0x292: {  	[tilespmem:$0x1FE30] =	vst v61;
	v61 =	vld [tilespmem:$0x24A0]  }
0x293: {  	v28 =	vmax.f32 v60, v32;
	v32 =	vld [tilespmem:$0x2D50]  }
0x294: {  	v10 =	vmax.f32 v10, v31;
	v31 =	vld [tilespmem:$0x2DD0]  }
0x295: {  	v60 =	vld [tilespmem:$0x1FCF0]  }
0x296: {  	v7 =	vmax.f32 v7, v23;
	v23 =	vld [tilespmem:$0x2570]  }
0x297: {  	[tilespmem:$0x1FE40] =	vst v61;
	v61 =	vld [tilespmem:$0x2520]  }
0x298: {  	v10 =	vmax.f32 v10, v35;
	v35 =	vld [tilespmem:$0x1FBF0]  }
0x299: {  	v8 =	vmax.f32 v8, v51;
	v51 =	vld [tilespmem:$0x1FC70]  }
0x29a: {  	v10 =	vmax.f32 v10, v39;
	v39 =	vld [tilespmem:$0x26D0]  }
0x29b: {  	v8 =	vmax.f32 v8, v53;
	v53 =	vld [tilespmem:$0x1FC90]  }
0x29c: {  	[tilespmem:$0x1FE60] =	vst v61;
	v61 =	vld [tilespmem:$0x25A0]  }
0x29d: {  	v10 =	vmax.f32 v10, v45;
	v45 =	vld [tilespmem:$0x1FC10]  }
0x29e: {  	v8 =	vmax.f32 v8, v57;
	v57 =	vld [tilespmem:$0x1FCD0]  }
0x29f: {  	v11 =	vmax.f32 v10, v48;
	v48 =	vld [tilespmem:$0x1FC40]  }
0x2a0: {  	v10 =	vmax.f32 v27, v49;
	v49 =	vld [tilespmem:$0x1FC50]  }
0x2a1: {  	[tilespmem:$0x1FE80] =	vst v61;
	v61 =	vld [tilespmem:$0x2620]  }
0x2a2: {  	v27 =	vmax.f32 v54, v55;
	v54 =	vld [tilespmem:$0x1FCA0]  }
0x2a3: {  	v55 =	vld [tilespmem:$0x1FCB0]  }
0x2a4: {  	v10 =	vmax.f32 v10, v52;
	v52 =	vld [tilespmem:$0x1FC80]  }
0x2a5: {  	v27 =	vmax.f32 v27, v59;
	v59 =	vld [tilespmem:$0x1FCE0]  }
0x2a6: {  	[tilespmem:$0x1FEA0] =	vst v61;
	v61 =	vld [tilespmem:$0x26A0]  }
0x2a7: {  	v27 =	vmax.f32 v27, v33;
	v28 =	vmax.f32 v28, v35;
	v35 =	vld [tilespmem:$0x2C50]  }
0x2a8: {  	v33 =	vld [tilespmem:$0x2CD0];
	v27 =	vmax.f32 v27, v42  }
0x2a9: {  	v27 =	vmax.f32 v27, v46;
	v46 =	vld [tilespmem:$0x2460]  }
0x2aa: {  	v27 =	vmax.f32 v27, v48;
	v48 =	vld [tilespmem:$0x1FD10]  }
0x2ab: {  	v28 =	vmax.f32 v28, v45;
	[tilespmem:$0x1FEC0] =	vst v61;
	v61 =	vld [tilespmem:$0x2720]  }
0x2ac: {  	v28 =	vmax.f32 v28, v47;
	v47 =	vld [tilespmem:$0x24E0]  }
0x2ad: {  	v28 =	vmax.f32 v28, v49;
	v49 =	vld [tilespmem:$0x1FD20]  }
0x2ae: {  	v27 =	vmax.f32 v27, v50;
	v50 =	vld [tilespmem:$0x1FD30]  }
0x2af: {  	v29 =	vmax.f32 v29, v52;
	v52 =	vld [tilespmem:$0x1FD50]  }
0x2b0: {  	[tilespmem:$0x1FEE0] =	vst v61;
	v61 =	vld [tilespmem:$0x27A0]  }
0x2b1: {  	v38 =	vmax.f32 v27, v53;
	v27 =	vld [tilespmem:$0x2ED0]  }
0x2b2: {  	v28 =	vmax.f32 v28, v51;
	v51 =	vld [tilespmem:$0x1FD40]  }
0x2b3: {  	v53 =	vld [tilespmem:$0x1FD60]  }
0x2b4: {  	v29 =	vmax.f32 v29, v55;
	v55 =	vld [tilespmem:$0x1FD80]  }
0x2b5: {  	[tilespmem:$0x1FF00] =	vst v61;
	v61 =	vld [tilespmem:$0x2C20]  }
0x2b6: {  	v28 =	vmax.f32 v28, v54;
	v54 =	vld [tilespmem:$0x1FD70]  }
0x2b7: {  	v38 =	vmax.f32 v38, v56;
	v56 =	vld [tilespmem:$0x1FD90]  }
0x2b8: {  	v29 =	vmax.f32 v29, v59;
	v59 =	vld [tilespmem:$0x1FDB0]  }
0x2b9: {  	v42 =	vmax.f32 v28, v57;
	v28 =	vld [tilespmem:$0x2F50]  }
0x2ba: {  	[tilespmem:$0x1FF20] =	vst v61;
	v61 =	vld [tilespmem:$0x2CA0]  }
0x2bb: {  	v57 =	vld [tilespmem:$0x1FDA0]  }
0x2bc: {  	v38 =	vmax.f32 v38, v60;
	v60 =	vld [tilespmem:$0x1FDC0]  }
0x2bd: {  	v45 =	vmax.f32 v29, v48;
	v29 =	vld [tilespmem:$0x2FD0]  }
0x2be: {  	v48 =	vld [tilespmem:$0x2560]  }
0x2bf: {  	[tilespmem:$0x1FF40] =	vst v61;
	v61 =	vld [tilespmem:$0x2D20]  }
0x2c0: {  	v42 =	vmax.f32 v42, v63;
	v63 =	vld [tilespmem:$0x1FDD0]  }
0x2c1: {  	v38 =	vmax.f32 v38, v49;
	v49 =	vld [tilespmem:$0x25E0]  }
0x2c2: {  	v42 =	vmax.f32 v42, v50;
	v50 =	vld [tilespmem:$0x2660]  }
0x2c3: {  	v38 =	vmax.f32 v38, v52;
	v52 =	vld [tilespmem:$0x1FDE0]  }
0x2c4: {  	[tilespmem:$0x1FF50] =	vst v61;
	v61 =	vld [tilespmem:$0x2DA0]  }
0x2c5: {  	v45 =	vmax.f32 v45, v51;
	v42 =	vmax.f32 v42, v53;
	v53 =	vld [tilespmem:$0x1FDF0]  }
0x2c6: {  	v45 =	vmax.f32 v45, v54;
	v54 =	vld [tilespmem:$0x1FE00]  }
0x2c7: {  	v38 =	vmax.f32 v38, v55;
	v55 =	vld [tilespmem:$0x1FE10]  }
0x2c8: {  	v42 =	vmax.f32 v42, v56;
	v56 =	vld [tilespmem:$0x1FE20]  }
0x2c9: {  	[tilespmem:$0x1FF70] =	vst v61;
	v61 =	vld [tilespmem:$0x2E20]  }
0x2ca: {  	v45 =	vmax.f32 v45, v57;
	v57 =	vld [tilespmem:$0x1FE30]  }
0x2cb: {  	v42 =	vmax.f32 v42, v60;
	v60 =	vld [tilespmem:$0x1FE50]  }
0x2cc: {  	v38 =	vmax.f32 v38, v59;
	v59 =	vld [tilespmem:$0x1FE40]  }
0x2cd: {  	v38 =	vmax.f32 v38, v52;
	v52 =	vld [tilespmem:$0x26E0]  }
0x2ce: {  	v45 =	vmax.f32 v45, v63;
	[tilespmem:$0x1FF90] =	vst v61;
	v61 =	vld [tilespmem:$0x2530]  }
0x2cf: {  	v45 =	vmax.f32 v45, v54;
	v54 =	vld [tilespmem:$0x2760]  }
0x2d0: {  	v63 =	vld [tilespmem:$0x1FE60]  }
0x2d1: {  	v45 =	vmax.f32 v45, v56;
	v56 =	vld [tilespmem:$0x1FE70]  }
0x2d2: {  	v51 =	vmax.f32 v57, v59;
	v57 =	vld [tilespmem:$0x1FE80]  }
0x2d3: {  	v45 =	vmax.f32 v45, v60;
	v60 =	vld [tilespmem:$0x1FEA0];
	[tilespmem:$0x1FE90] =	vst v61  }
0x2d4: {  	v59 =	vld [tilespmem:$0x1FE90]  }
0x2d5: {  	v51 =	vmax.f32 v51, v63;
	v63 =	vld [tilespmem:$0x1FEC0]  }
0x2d6: {  	v42 =	vmax.f32 v42, v53;
	v53 =	vmax.f32 v56, v62;
	v62 =	vld [tilespmem:$0x1FEB0]  }
0x2d7: {  	v51 =	vmax.f32 v51, v57;
	v57 =	vld [tilespmem:$0x1FED0]  }
0x2d8: {  	v51 =	vmax.f32 v51, v60;
	v60 =	vld [tilespmem:$0x1FEF0]  }
0x2d9: {  	v53 =	vmax.f32 v53, v59;
	v59 =	vld [tilespmem:$0x1FEE0]  }
0x2da: {  	v51 =	vmax.f32 v51, v63;
	v63 =	vld [tilespmem:$0x1FF10]  }
0x2db: {  	v53 =	vmax.f32 v53, v62;
	v62 =	vld [tilespmem:$0x1FF00]  }
0x2dc: {  	v61 =	vld [tilespmem:$0x2C30]  }
0x2dd: {  	v53 =	vmax.f32 v53, v57;
	v57 =	vld [tilespmem:$0x1FF20]  }
0x2de: {  	v51 =	vmax.f32 v51, v59;
	v59 =	vld [tilespmem:$0x1FF30]  }
0x2df: {  	v53 =	vmax.f32 v53, v60;
	v60 =	vld [tilespmem:$0x1FF40]  }
0x2e0: {  	v51 =	vmax.f32 v51, v62;
	v62 =	vld [tilespmem:$0x1FF50]  }
0x2e1: {  	v53 =	vmax.f32 v53, v63;
	v63 =	vld [tilespmem:$0x1FF60]  }
0x2e2: {  	v51 =	vmax.f32 v51, v57;
	v57 =	vld [tilespmem:$0x1FF70]  }
0x2e3: {  	v53 =	vmax.f32 v53, v59;
	v59 =	vld [tilespmem:$0x1FF80]  }
0x2e4: {  	v51 =	vmax.f32 v51, v60;
	v60 =	vld [tilespmem:$0x1FF90]  }
0x2e5: {  	v51 =	vmax.f32 v51, v62;
	v62 =	vld [tilespmem:$0x1FFB0]  }
0x2e6: {  	v53 =	vmax.f32 v53, v61;
	v61 =	vld [tilespmem:$0x1FFA0]  }
0x2e7: {  	v53 =	vmax.f32 v53, v63;
	v51 =	vmax.f32 v51, v57;
	v57 =	vld [tilespmem:$0x1FFE0]  }
0x2e8: {  	v7 =	vmax.f32 v7, v24;
	v42 =	vmax.f32 v42, v55;
	v55 =	vld [tilespmem:$0x2CF0];
	v53 =	vmax.f32 v53, v59  }
0x2e9: {  	v7 =	vmax.f32 v7, v25;
	v63 =	vld [tilespmem:$0x1FFC0];
	v53 =	vmax.f32 v53, v58  }
0x2ea: {  	v7 =	vmax.f32 v7, v26;
	v17 =	vmax.f32 v17, v22;
	v56 =	vld [tilespmem:$0x1FFD0];
	v53 =	vmax.f32 v53, v62  }
0x2eb: {  	v17 =	vmax.f32 v17, v23;
	v51 =	vmax.f32 v51, v60;
	v58 =	vld [tilespmem:$0x25F0];
	v5 =	vmax.f32 v53, v5  }
0x2ec: {  	v60 =	vld [tilespmem:$0x2670];
	v59 =	vmax.f32 v34, v40;
	v51 =	vmax.f32 v51, v61;
	v5 =	vmax.f32 v5, v57  }
0x2ed: {  	v61 =	vmax.f32 v46, v47;
	v62 =	vld [tilespmem:$0x26F0];
	v5 =	vmax.f32 v5, v9;
	v9 =	vmax.f32 v59, v43  }
0x2ee: {  	[tilespmem:$0x1030] =	vst v3;
	v40 =	vld [tilespmem:$0x2770];
	v51 =	vmax.f32 v51, v63;
	v26 =	vmax.f32 v61, v48;
	v9 =	vmax.f32 v9, v44  }
0x2ef: {  	[tilespmem:$0x1010] =	vst v6;
	v46 =	vld [tilespmem:$0x27F0];
	v51 =	vmax.f32 v51, v56;
	v44 =	vmax.f32 v26, v49;
	v43 =	vmax.f32 v9, v41  }
0x2f0: {  	[tilespmem:$0x1020] =	vst v4;
	v49 =	vmax.f32 v17, v58;
	v48 =	vmax.f32 v44, v50;
	v50 =	vld [tilespmem:$0x2C70];
	v47 =	vmax.f32 v43, v39  }
0x2f1: {  	[tilespmem:$0x1060] =	vst v8;
	v63 =	vld [tilespmem:$0x1FFF0];
	v53 =	vmax.f32 v49, v60;
	v52 =	vmax.f32 v48, v52;
	v3 =	vmax.f32 v47, v37  }
0x2f2: {  	[tilespmem:$0x10C0] =	vst v7;
	v56 =	vld [tilespmem:$0x2D70];
	v6 =	vmax.f32 v53, v62;
	v4 =	vmax.f32 v52, v54;
	v3 =	vmax.f32 v3, v36  }
0x2f3: {  	[tilespmem:$0x1040] =	vst v11;
	v57 =	vld [tilespmem:$0x2DF0];
	v6 =	vmax.f32 v6, v40;
	v4 =	vmax.f32 v4, v12;
	v3 =	vmax.f32 v3, v35  }
0x2f4: {  	[tilespmem:$0x1050] =	vst v10;
	v58 =	vld [tilespmem:$0x2E70];
	v6 =	vmax.f32 v6, v46;
	v4 =	vmax.f32 v4, v13;
	v3 =	vmax.f32 v3, v33  }
0x2f5: {  	[tilespmem:$0x1070] =	vst v38;
	v59 =	vld [tilespmem:$0x2EF0];
	v4 =	vmax.f32 v4, v14;
	v6 =	vmax.f32 v6, v50;
	v3 =	vmax.f32 v3, v32  }
0x2f6: {  	[tilespmem:$0x1080] =	vst v42;
	v60 =	vld [tilespmem:$0x2F70];
	v4 =	vmax.f32 v4, v15;
	v6 =	vmax.f32 v6, v55;
	v3 =	vmax.f32 v3, v31  }
0x2f7: {  	[tilespmem:$0x1090] =	vst v45;
	v61 =	vld [tilespmem:$0x2FF0];
	v4 =	vmax.f32 v4, v16;
	v6 =	vmax.f32 v6, v56;
	v3 =	vmax.f32 v3, v30  }
0x2f8: {  	[tilespmem:$0x10A0] =	vst v51;
	v4 =	vmax.f32 v4, v18;
	v6 =	vmax.f32 v6, v57;
	v3 =	vmax.f32 v3, v27  }
0x2f9: {  	[tilespmem:$0x10B0] =	vst v5;
	v4 =	vmax.f32 v4, v19;
	v62 =	vmax.f32 v6, v58;
	v3 =	vmax.f32 v3, v28  }
0x2fa: {  	[tilespmem:$0x1000] =	vst v63;
	v4 =	vmax.f32 v4, v20;
	v5 =	vmax.f32 v62, v59;
	v3 =	vmax.f32 v3, v29  }
0x2fb: {  	s16 =	sadd.s32 $0x1, s16;
	v63 =	vmax.f32 v5, v60;
	[tilespmem:$0x10D0] =	vst v3;
	v3 =	vmax.f32 v4, v21  }
0x2fc: {  	p0 =	sne.s32 s16, s7;
	[tilespmem:$0x10E0] =	vst v3;
	v3 =	vmax.f32 v63, v61  }
.Ltmp7:
0x2fd: {  	[tilespmem:$0x10F0] =	vst v3;
	(pc) =	sbr.rel @p0 .LBB2_1-.Ltmp7, $4  }
0x2fe: {  	[hbm4b:s6+s8] =	stream.strided.scatter [tilespmem:s11], [sflag:$0x1], $0x100, s15, s8, $0x38;
	[tilespmem:$0x4000] =	vst v63  }
0x2ff: {  	_ =	swait.ge [sflag:s10], $0x100  }
0x300: {  	[sflag:s10] =	ssyncset.done $0x0  }
0x301: {  	[sflag:s10] =	ssyncadd.s32 $0xFFFFFF00  }
0x302: {  	_ =	sfence.sel $0x180000  }
0x303: {  	[bflag:$0x0] =	sbarrier.arrive $0xFFFF  }
0x304: {  	p0 =	sne.s32 s1, $0x0;
	_ =	strace $0x90000047  }
0x305: {  	s0 =	sadd.s32 @!p0 $0x100000, s0;
	[bflag:$0x2] =	sbarrier.arrive $0xFFFF  }
0x306: {  	[sflag:s0] =	ssyncadd.tile.s32 @!p0 $0x1;
	_ =	shalt  }
.Lfunc_end2:
_tile_overlayer_lowered:
.L_overlay_start_2:
0x307: {  	(tag) =	ssettag $0x2  }
0x308: {  	s0 =	rddreg [dreg:$0x0];
	s2 =	stileid.u32  }
0x309: {  	s1 =	rddreg [dreg:$0x1];
	p0 =	sne.s32 s2, $0x0  }
0x30a: {  	s3 =	rddreg [dreg:$0x2];
	[bflag:$0x3] =	sbarrier.arrive $0xFFFF;
	s2 =	simm.s32 @!p0 $0x1C01  }
0x30b: {  	[timem:s3], [sflag:s2] =	dma.local @!p0 [hbm:s0], s1  }
0x30c: {  	s0 =	simm.s32 @!p0 $0x1  }
0x30d: {  	_ =	swait.ge @!p0 [sflag:s0], s1  }
0x30e: {  	s1 =	ssub.s32 @!p0 $0x0, s1;
	[sflag:s0] =	ssyncset.done @!p0 $0x0  }
0x30f: {  	[sflag:s0] =	ssyncadd.s32 @!p0 s1  }
0x310: {  	[bflag:$0x3] =	sbarrier.arrive $0xFFFF  }
0x311: {  	_ =	shalt  }

</sc_bundles>
